<compile_context>
chip_gen: v7x
topology: tpu7x:2x2x1
jax: 0.10.2.dev20260603
libtpu: 0.0.44.dev20260713+nightly
codegen_flags: <defaults>
</compile_context>

<pallas_src>
import jax
import jax.numpy as jnp
from jax import lax
from jax.experimental import pallas as pl
from jax.experimental.pallas import tpu as pltpu
from jax.experimental.pallas import tpu_sc as plsc

N = 10000
E = 320000
D = 128

NC = 2
NS = 16
NW = NC * NS
EPW = E // NW
BATCH = 80
NB = EPW // BATCH
N_PAD = 10240
RPZ = N_PAD // NS

_mesh = plsc.VectorSubcoreMesh(core_axis_name="c", subcore_axis_name="s")



def _deg_body(dst_hbm, ew_hbm, zero_hbm, out_hbm, dst_v, ew_v, shared_deg):
    c = lax.axis_index("c")
    s = lax.axis_index("s")
    row0 = pl.multiple_of(s * RPZ, 8)
    pltpu.sync_copy(dst_hbm.at[c, s], dst_v)
    pltpu.sync_copy(ew_hbm.at[c, s], ew_v)
    pltpu.sync_copy(zero_hbm.at[pl.ds(row0, RPZ)], shared_deg.at[pl.ds(row0, RPZ)])
    plsc.subcore_barrier()

    def body(j, carry):
        pltpu.sync_copy(ew_v.at[j], shared_deg.at[dst_v.at[j]], add=True)
        return carry

    lax.fori_loop(0, NB, body, 0)
    plsc.subcore_barrier()
    pltpu.sync_copy(shared_deg.at[pl.ds(row0, RPZ)], out_hbm.at[c, pl.ds(row0, RPZ)])


_deg_sc = pl.kernel(
    _deg_body,
    out_type=jax.ShapeDtypeStruct((NC, N_PAD), jnp.float32),
    mesh=_mesh,
    scratch_types=[
        pltpu.VMEM((NB, BATCH), jnp.int32),
        pltpu.VMEM((NB, BATCH), jnp.float32),
        pltpu.VMEM_SHARED((N_PAD,), jnp.float32),
    ],
    compiler_params=pltpu.CompilerParams(needs_layout_passes=False),
)


CHUNK_E = 2000
NCH = EPW // CHUNK_E
NB_C = CHUNK_E // BATCH


def _agg_body(h_hbm, src_hbm, dst_hbm, ew_hbm, zero_hbm, out_hbm,
              src_q, dst_q, ew_q, rows3, shared, gsems, ssems):
    c = lax.axis_index("c")
    s = lax.axis_index("s")
    row0 = pl.multiple_of(s * RPZ, 8)
    pltpu.sync_copy(zero_hbm.at[pl.ds(row0, RPZ)], shared.at[pl.ds(row0, RPZ)])
    plsc.subcore_barrier()

    def gather(j, p):
        e0 = pl.multiple_of(j * BATCH, 8)
        return pltpu.make_async_copy(
            h_hbm.at[src_q.at[pl.ds(e0, BATCH)]], rows3.at[p], gsems.at[p])

    def scatter_start(j, p):
        pltpu.async_copy(rows3.at[p], shared.at[dst_q.at[j]], ssems.at[p],
                         add=True)

    def scatter_wait(j, p):
        pltpu.make_async_copy(
            rows3.at[p], shared.at[dst_q.at[j]], ssems.at[p]).wait()

    def qbody(q, carry):
        pltpu.sync_copy(src_hbm.at[c, s, q], src_q)
        pltpu.sync_copy(dst_hbm.at[c, s, q], dst_q)
        pltpu.sync_copy(ew_hbm.at[c, s, q], ew_q)
        gather(0, 0).start()
        gather(1, 1).start()

        def jbody(j, carry2):
            p = lax.rem(j, 3)
            gather(j, p).wait()

            @plsc.parallel_loop(0, BATCH, 1, unroll=4)
            def ebody(e):
                w = plsc.load_gather(
                    ew_q, [jnp.full((16,), j * BATCH + e, jnp.int32)])
                for k in range(D // 16):
                    sl = pl.ds(k * 16, 16)
                    rows3[p, e, sl] = rows3[p, e, sl] * w

            scatter_start(j, p)

            @pl.when(j + 2 < NB_C)
            def _():
                p2 = lax.rem(j + 2, 3)

                @pl.when(j > 0)
                def _():
                    scatter_wait(j - 1, p2)

                gather(j + 2, p2).start()

            return carry2

        lax.fori_loop(0, NB_C, jbody, 0)
        for jj in range(NB_C - 3, NB_C):
            scatter_wait(jj, jj % 3)
        return carry

    lax.fori_loop(0, NCH, qbody, 0)
    plsc.subcore_barrier()
    pltpu.sync_copy(shared.at[pl.ds(row0, RPZ)], out_hbm.at[c, pl.ds(row0, RPZ)])


_agg_sc = pl.kernel(
    _agg_body,
    out_type=jax.ShapeDtypeStruct((NC, N_PAD, D), jnp.float32),
    mesh=_mesh,
    scratch_types=[
        pltpu.VMEM((CHUNK_E,), jnp.int32),
        pltpu.VMEM((NB_C, BATCH), jnp.int32),
        pltpu.VMEM((CHUNK_E,), jnp.float32),
        pltpu.VMEM((3, BATCH, D), jnp.float32),
        pltpu.VMEM_SHARED((N_PAD, D), jnp.float32),
        pltpu.SemaphoreType.DMA((3,)),
        pltpu.SemaphoreType.DMA((3,)),
    ],
    compiler_params=pltpu.CompilerParams(needs_layout_passes=False),
)



BR = 2000


def _tc1_body(d0_ref, d1_ref, x_ref, w_ref, h1p_ref, dis_ref):
    deg = d0_ref[...] + d1_ref[...] + 1.0
    dis = jnp.where(deg > 0, lax.rsqrt(deg), 0.0)
    h = jnp.dot(x_ref[...], w_ref[...], preferred_element_type=jnp.float32)
    h1p_ref[...] = dis * h
    dis_ref[...] = dis


def _tc2_body(s0_ref, s1_ref, hp_ref, dis_ref, b_ref, w_ref, out_ref):
    dis = dis_ref[...]
    z = dis * (s0_ref[...] + s1_ref[...] + hp_ref[...]) + b_ref[...]
    z = jnp.maximum(z, 0.0)
    out_ref[...] = dis * jnp.dot(z, w_ref[...], preferred_element_type=jnp.float32)


def _tc3_body(s0_ref, s1_ref, hp_ref, dis_ref, b_ref, g_ref, be_ref, out_ref):
    a = dis_ref[...] * (s0_ref[...] + s1_ref[...] + hp_ref[...]) + b_ref[...]
    m = jnp.mean(a, axis=1, keepdims=True)
    v = jnp.mean((a - m) ** 2, axis=1, keepdims=True)
    out_ref[...] = (a - m) * lax.rsqrt(v + 1e-5) * g_ref[...] + be_ref[...]


_rows_spec = pl.BlockSpec((BR, D), lambda i: (i, 0))
_col_spec = pl.BlockSpec((BR, 1), lambda i: (i, 0))
_w_spec = pl.BlockSpec((D, D), lambda i: (0, 0))
_vec_spec = pl.BlockSpec((1, D), lambda i: (0, 0))

_tc1 = pl.pallas_call(
    _tc1_body,
    grid=(N // BR,),
    in_specs=[_col_spec, _col_spec, _rows_spec, _w_spec],
    out_specs=[_rows_spec, _col_spec],
    out_shape=[
        jax.ShapeDtypeStruct((N, D), jnp.float32),
        jax.ShapeDtypeStruct((N, 1), jnp.float32),
    ],
)

_tc2 = pl.pallas_call(
    _tc2_body,
    grid=(N // BR,),
    in_specs=[_rows_spec, _rows_spec, _rows_spec, _col_spec, _vec_spec, _w_spec],
    out_specs=_rows_spec,
    out_shape=jax.ShapeDtypeStruct((N, D), jnp.float32),
)

_tc3 = pl.pallas_call(
    _tc3_body,
    grid=(N // BR,),
    in_specs=[_rows_spec, _rows_spec, _rows_spec, _col_spec, _vec_spec,
              _vec_spec, _vec_spec],
    out_specs=_rows_spec,
    out_shape=jax.ShapeDtypeStruct((N, D), jnp.float32),
)



@jax.jit
def kernel(x, edge_index, edge_weight, W1, b1, W2, b2, gamma, beta):
    src = edge_index[0].astype(jnp.int32)
    dst = edge_index[1].astype(jnp.int32)
    ew = edge_weight.astype(jnp.float32)

    src_r = src.reshape(NC, NS, NCH, CHUNK_E)
    dst_r = dst.reshape(NC, NS, NCH, NB_C, BATCH)
    ew_r = ew.reshape(NC, NS, NCH, CHUNK_E)
    ew_b = ew.reshape(NC, NS, NB, BATCH)
    dst_b = dst.reshape(NC, NS, NB, BATCH)
    zero_col = jnp.zeros((N_PAD,), jnp.float32)
    zero_rows = jnp.zeros((N_PAD, D), jnp.float32)

    deg_p = _deg_sc(dst_b, ew_b, zero_col)
    d0 = deg_p[0, :N].reshape(N, 1)
    d1 = deg_p[1, :N].reshape(N, 1)
    h1p, dis = _tc1(d0, d1, x, W1)

    s1 = _agg_sc(h1p, src_r, dst_r, ew_r, zero_rows)
    h2p = _tc2(s1[0, :N], s1[1, :N], h1p, dis, b1.reshape(1, D), W2)

    s2 = _agg_sc(h2p, src_r, dst_r, ew_r, zero_rows)
    out = _tc3(s2[0, :N], s2[1, :N], h2p, dis, b2.reshape(1, D),
               gamma.reshape(1, D), beta.reshape(1, D))
    return out

# --- scband reference (transcript-rebuilt; emitter-appended) ---
"""Pipeline reference for scband-graph-module-76630806495260 (READ-ONLY COPY).

The authoritative reference and input builder live on the scoring server;
editing this copy changes nothing except your own understanding.
"""

import jax, jax.numpy as jnp
import numpy as np

N_NODES = 10000
N_EDGES = 320000
D_IN = 128
D_HID = 128


def setup_inputs(seed: int = 0) -> dict:
    key = jax.random.key(seed)
    ks = jax.random.split(key, 10)
    x = jax.random.normal(ks[0], (N_NODES, D_IN), dtype=jnp.float32)
    edge_index = jax.random.randint(ks[1], (2, N_EDGES), 0, N_NODES, dtype=jnp.int64)
    edge_weight = jax.random.uniform(ks[2], (N_EDGES,), dtype=jnp.float32)
    s1 = 1.0 / np.sqrt(D_IN)
    s2 = 1.0 / np.sqrt(D_HID)
    W1 = jax.random.uniform(ks[3], (D_IN, D_HID), dtype=jnp.float32, minval=-s1, maxval=s1)
    b1 = jnp.zeros((D_HID,), dtype=jnp.float32)
    W2 = jax.random.uniform(ks[4], (D_HID, D_IN), dtype=jnp.float32, minval=-s2, maxval=s2)
    b2 = jnp.zeros((D_IN,), dtype=jnp.float32)
    gamma = jnp.ones((D_IN,), dtype=jnp.float32)
    beta = jnp.zeros((D_IN,), dtype=jnp.float32)
    return {"x": x, "edge_index": edge_index, "edge_weight": edge_weight,
            "W1": W1, "b1": b1, "W2": W2, "b2": b2, "gamma": gamma, "beta": beta}


def _gcn_conv(x, edge_index, edge_weight, W, b, num_nodes):
    # PyG GCNConv: add self loops (fill_value=1.0), symmetric normalization,
    # message = norm * (x @ W)[src], aggregated by sum at dst, plus bias.
    src = edge_index[0]
    dst = edge_index[1]
    loop = jnp.arange(num_nodes, dtype=edge_index.dtype)
    src_f = jnp.concatenate([src, loop])
    dst_f = jnp.concatenate([dst, loop])
    ew_f = jnp.concatenate([edge_weight, jnp.ones((num_nodes,), dtype=edge_weight.dtype)])
    deg = jax.ops.segment_sum(ew_f, dst_f, num_segments=num_nodes)
    deg_inv_sqrt = jnp.where(deg > 0, 1.0 / jnp.sqrt(deg), 0.0)
    norm = deg_inv_sqrt[src_f] * ew_f * deg_inv_sqrt[dst_f]
    h = x @ W
    msg = norm[:, None] * jnp.take(h, src_f, axis=0)
    out = jax.ops.segment_sum(msg, dst_f, num_segments=num_nodes)
    return out + b


def _layer_norm(x, gamma, beta, eps=1e-5):
    mean = jnp.mean(x, axis=-1, keepdims=True)
    var = jnp.mean((x - mean) ** 2, axis=-1, keepdims=True)
    return (x - mean) / jnp.sqrt(var + eps) * gamma + beta


def reference(x, edge_index, edge_weight, W1, b1, W2, b2, gamma, beta):
    n = x.shape[0]
    h = _gcn_conv(x, edge_index, edge_weight, W1, b1, n)
    h = jax.nn.relu(h)
    h = _gcn_conv(h, edge_index, edge_weight, W2, b2, n)
    out = _layer_norm(h, gamma, beta)
    return out

if __name__ == "__main__":
    import jax
    _d = setup_inputs()
    print(jax.jit(kernel)(*tuple(_d.values())))

</pallas_src>

<mosaic_0001>
#map = affine_map<(d0, d1) -> (0, 0, 0, 0)>
#map1 = affine_map<(d0, d1) -> (0)>
#map2 = affine_map<(d0, d1) -> (0, 0)>
module attributes {stable_mosaic.version = 14 : i64} {
  func.func @_deg_body(%arg0: i32, %arg1: i32, %arg2: memref<2x16x125x80xi32, #tpu.memory_space<hbm>>, %arg3: memref<2x16x125x80xf32, #tpu.memory_space<hbm>>, %arg4: memref<10240xf32, #tpu.memory_space<hbm>>, %arg5: memref<2x10240xf32, #tpu.memory_space<hbm>>, %arg6: memref<125x80xi32, #tpu.memory_space<vmem>>, %arg7: memref<125x80xf32, #tpu.memory_space<vmem>>, %arg8: memref<10240xf32, #tpu.memory_space<vmem_shared>>) attributes {dimension_semantics = [#tpu.dimension_semantics<core_parallel>, #tpu.dimension_semantics<subcore_parallel>], iteration_bounds = array<i64: 2, 16>, scalar_prefetch = 0 : i64, scratch_operands = 3 : i64, tpu.core_type = #tpu.core_type<sc_vector_subcore>, window_params = [{transform_indices = #map}, {transform_indices = #map}, {transform_indices = #map1}, {transform_indices = #map2}]} {
    %mul3A = arith.constant 640 : i32
    %mul3A_0 = arith.muli %arg1, %mul3A : i32
    %multiple_of3A = tpu.assume_multiple %mul3A_0, 8 : i32
    "tpu.region"() ({
      %run_scoped3A = tpu.sem_alloc : memref<!tpu.dma_semaphore, #tpu.memory_space<semaphore_mem>>
      %dma_start3A = arith.constant 0 : i32
      %dma_start3A_7 = arith.constant 0 : i32
      %dma_start3A_8 = tpu.memref_slice %arg2[%arg0, %arg1, %dma_start3A, %dma_start3A_7] : memref<2x16x125x80xi32, #tpu.memory_space<hbm>> -> memref<1x1x125x80xi32, #tpu.memory_space<hbm>>
      %dma_start3A_9 = tpu.memref_squeeze %dma_start3A_8 : memref<1x1x125x80xi32, #tpu.memory_space<hbm>> -> memref<125x80xi32, #tpu.memory_space<hbm>>
      %dma_start3A_10 = arith.constant 0 : i32
      %dma_start3A_11 = arith.constant 0 : i32
      %dma_start3A_12 = tpu.memref_slice %arg2[%arg0, %arg1, %dma_start3A_10, %dma_start3A_11] : memref<2x16x125x80xi32, #tpu.memory_space<hbm>> -> memref<1x1x125x80xi32, #tpu.memory_space<hbm>>
      %dma_start3A_13 = tpu.memref_squeeze %dma_start3A_12 : memref<1x1x125x80xi32, #tpu.memory_space<hbm>> -> memref<125x80xi32, #tpu.memory_space<hbm>>
      tpu.enqueue_dma source(%dma_start3A_13 : memref<125x80xi32, #tpu.memory_space<hbm>>) target(%arg6 : memref<125x80xi32, #tpu.memory_space<vmem>>) target_semaphore(%run_scoped3A : memref<!tpu.dma_semaphore, #tpu.memory_space<semaphore_mem>>)
      %dma_wait3A = arith.constant 0 : i32
      %dma_wait3A_14 = arith.constant 0 : i32
      %dma_wait3A_15 = tpu.memref_slice %arg2[%arg0, %arg1, %dma_wait3A, %dma_wait3A_14] : memref<2x16x125x80xi32, #tpu.memory_space<hbm>> -> memref<1x1x125x80xi32, #tpu.memory_space<hbm>>
      %dma_wait3A_16 = tpu.memref_squeeze %dma_wait3A_15 : memref<1x1x125x80xi32, #tpu.memory_space<hbm>> -> memref<125x80xi32, #tpu.memory_space<hbm>>
      %dma_wait3A_17 = arith.constant 0 : i32
      %dma_wait3A_18 = arith.constant 0 : i32
      %dma_wait3A_19 = tpu.memref_slice %arg2[%arg0, %arg1, %dma_wait3A_17, %dma_wait3A_18] : memref<2x16x125x80xi32, #tpu.memory_space<hbm>> -> memref<1x1x125x80xi32, #tpu.memory_space<hbm>>
      %dma_wait3A_20 = tpu.memref_squeeze %dma_wait3A_19 : memref<1x1x125x80xi32, #tpu.memory_space<hbm>> -> memref<125x80xi32, #tpu.memory_space<hbm>>
      tpu.wait_dma2 semaphore(%run_scoped3A : memref<!tpu.dma_semaphore, #tpu.memory_space<semaphore_mem>>) src(%dma_wait3A_20 : memref<125x80xi32, #tpu.memory_space<hbm>>) dst(%arg6 : memref<125x80xi32, #tpu.memory_space<vmem>>)
      tpu.yield
    }) : () -> ()
    "tpu.region"() ({
      %run_scoped3A = tpu.sem_alloc : memref<!tpu.dma_semaphore, #tpu.memory_space<semaphore_mem>>
      %dma_start3A = arith.constant 0 : i32
      %dma_start3A_7 = arith.constant 0 : i32
      %dma_start3A_8 = tpu.memref_slice %arg3[%arg0, %arg1, %dma_start3A, %dma_start3A_7] : memref<2x16x125x80xf32, #tpu.memory_space<hbm>> -> memref<1x1x125x80xf32, #tpu.memory_space<hbm>>
      %dma_start3A_9 = tpu.memref_squeeze %dma_start3A_8 : memref<1x1x125x80xf32, #tpu.memory_space<hbm>> -> memref<125x80xf32, #tpu.memory_space<hbm>>
      %dma_start3A_10 = arith.constant 0 : i32
      %dma_start3A_11 = arith.constant 0 : i32
      %dma_start3A_12 = tpu.memref_slice %arg3[%arg0, %arg1, %dma_start3A_10, %dma_start3A_11] : memref<2x16x125x80xf32, #tpu.memory_space<hbm>> -> memref<1x1x125x80xf32, #tpu.memory_space<hbm>>
      %dma_start3A_13 = tpu.memref_squeeze %dma_start3A_12 : memref<1x1x125x80xf32, #tpu.memory_space<hbm>> -> memref<125x80xf32, #tpu.memory_space<hbm>>
      tpu.enqueue_dma source(%dma_start3A_13 : memref<125x80xf32, #tpu.memory_space<hbm>>) target(%arg7 : memref<125x80xf32, #tpu.memory_space<vmem>>) target_semaphore(%run_scoped3A : memref<!tpu.dma_semaphore, #tpu.memory_space<semaphore_mem>>)
      %dma_wait3A = arith.constant 0 : i32
      %dma_wait3A_14 = arith.constant 0 : i32
      %dma_wait3A_15 = tpu.memref_slice %arg3[%arg0, %arg1, %dma_wait3A, %dma_wait3A_14] : memref<2x16x125x80xf32, #tpu.memory_space<hbm>> -> memref<1x1x125x80xf32, #tpu.memory_space<hbm>>
      %dma_wait3A_16 = tpu.memref_squeeze %dma_wait3A_15 : memref<1x1x125x80xf32, #tpu.memory_space<hbm>> -> memref<125x80xf32, #tpu.memory_space<hbm>>
      %dma_wait3A_17 = arith.constant 0 : i32
      %dma_wait3A_18 = arith.constant 0 : i32
      %dma_wait3A_19 = tpu.memref_slice %arg3[%arg0, %arg1, %dma_wait3A_17, %dma_wait3A_18] : memref<2x16x125x80xf32, #tpu.memory_space<hbm>> -> memref<1x1x125x80xf32, #tpu.memory_space<hbm>>
      %dma_wait3A_20 = tpu.memref_squeeze %dma_wait3A_19 : memref<1x1x125x80xf32, #tpu.memory_space<hbm>> -> memref<125x80xf32, #tpu.memory_space<hbm>>
      tpu.wait_dma2 semaphore(%run_scoped3A : memref<!tpu.dma_semaphore, #tpu.memory_space<semaphore_mem>>) src(%dma_wait3A_20 : memref<125x80xf32, #tpu.memory_space<hbm>>) dst(%arg7 : memref<125x80xf32, #tpu.memory_space<vmem>>)
      tpu.yield
    }) : () -> ()
    "tpu.region"() ({
      %run_scoped3A = tpu.sem_alloc : memref<!tpu.dma_semaphore, #tpu.memory_space<semaphore_mem>>
      %dma_start3A = tpu.memref_slice %arg8[%multiple_of3A] : memref<10240xf32, #tpu.memory_space<vmem_shared>> -> memref<640xf32, #tpu.memory_space<vmem_shared>>
      %dma_start3A_7 = tpu.memref_slice %arg4[%multiple_of3A] : memref<10240xf32, #tpu.memory_space<hbm>> -> memref<640xf32, #tpu.memory_space<hbm>>
      tpu.enqueue_dma source(%dma_start3A_7 : memref<640xf32, #tpu.memory_space<hbm>>) target(%dma_start3A : memref<640xf32, #tpu.memory_space<vmem_shared>>) target_semaphore(%run_scoped3A : memref<!tpu.dma_semaphore, #tpu.memory_space<semaphore_mem>>)
      %dma_wait3A = tpu.memref_slice %arg8[%multiple_of3A] : memref<10240xf32, #tpu.memory_space<vmem_shared>> -> memref<640xf32, #tpu.memory_space<vmem_shared>>
      %dma_wait3A_8 = tpu.memref_slice %arg4[%multiple_of3A] : memref<10240xf32, #tpu.memory_space<hbm>> -> memref<640xf32, #tpu.memory_space<hbm>>
      tpu.wait_dma2 semaphore(%run_scoped3A : memref<!tpu.dma_semaphore, #tpu.memory_space<semaphore_mem>>) src(%dma_wait3A_8 : memref<640xf32, #tpu.memory_space<hbm>>) dst(%dma_wait3A : memref<640xf32, #tpu.memory_space<vmem_shared>>)
      tpu.yield
    }) : () -> ()
    %barrier3A = arith.constant 0 : index
    tpu.barrier barrier_id(%barrier3A)
    %scan3A = arith.constant 0 : i32
    %scan3A_1 = arith.constant 0 : i32
    %scan3A_2 = arith.constant 125 : i32
    %scan3A_3 = arith.addi %scan3A_1, %scan3A_2 : i32
    %scan3A_4 = arith.constant 1 : i32
    scf.for %scan3A_7 = %scan3A_1 to %scan3A_3 step %scan3A_4  : i32 {
      "tpu.region"() ({
        %run_scoped3A = tpu.sem_alloc : memref<!tpu.dma_semaphore, #tpu.memory_space<semaphore_mem>>
        %dma_start3A = arith.constant 0 : i32
        %dma_start3A_8 = tpu.memref_slice %arg7[%scan3A_7, %dma_start3A] : memref<125x80xf32, #tpu.memory_space<vmem>> -> memref<1x80xf32, #tpu.memory_space<vmem>>
        %dma_start3A_9 = tpu.memref_squeeze %dma_start3A_8 : memref<1x80xf32, #tpu.memory_space<vmem>> -> memref<80xf32, #tpu.memory_space<vmem>>
        %dma_start3A_10 = arith.constant 0 : i32
        %dma_start3A_11 = tpu.memref_slice %arg6[%scan3A_7, %dma_start3A_10] : memref<125x80xi32, #tpu.memory_space<vmem>> -> memref<1x80xi32, #tpu.memory_space<vmem>>
        %dma_start3A_12 = tpu.memref_squeeze %dma_start3A_11 : memref<1x80xi32, #tpu.memory_space<vmem>> -> memref<80xi32, #tpu.memory_space<vmem>>
        %dma_start3A_13 = arith.constant 0 : i32
        %dma_start3A_14 = tpu.memref_slice %arg8[%dma_start3A_13] : memref<10240xf32, #tpu.memory_space<vmem_shared>> -> memref<10240xf32, #tpu.memory_space<vmem_shared>>
        tpu.enqueue_indirect_dma source(%dma_start3A_9 : memref<80xf32, #tpu.memory_space<vmem>>) target(%dma_start3A_14 : memref<10240xf32, #tpu.memory_space<vmem_shared>>) offsets(%dma_start3A_12 : memref<80xi32, #tpu.memory_space<vmem>>) semaphore(%run_scoped3A : memref<!tpu.dma_semaphore, #tpu.memory_space<semaphore_mem>>) {add = true}
        %dma_wait3A = arith.constant 0 : i32
        %dma_wait3A_15 = tpu.memref_slice %arg7[%scan3A_7, %dma_wait3A] : memref<125x80xf32, #tpu.memory_space<vmem>> -> memref<1x80xf32, #tpu.memory_space<vmem>>
        %dma_wait3A_16 = tpu.memref_squeeze %dma_wait3A_15 : memref<1x80xf32, #tpu.memory_space<vmem>> -> memref<80xf32, #tpu.memory_space<vmem>>
        %dma_wait3A_17 = arith.constant 0 : i32
        %dma_wait3A_18 = tpu.memref_slice %arg6[%scan3A_7, %dma_wait3A_17] : memref<125x80xi32, #tpu.memory_space<vmem>> -> memref<1x80xi32, #tpu.memory_space<vmem>>
        %dma_wait3A_19 = tpu.memref_squeeze %dma_wait3A_18 : memref<1x80xi32, #tpu.memory_space<vmem>> -> memref<80xi32, #tpu.memory_space<vmem>>
        %dma_wait3A_20 = arith.constant 0 : i32
        %dma_wait3A_21 = tpu.memref_slice %arg8[%dma_wait3A_20] : memref<10240xf32, #tpu.memory_space<vmem_shared>> -> memref<10240xf32, #tpu.memory_space<vmem_shared>>
        tpu.wait_indirect_dma semaphore(%run_scoped3A : memref<!tpu.dma_semaphore, #tpu.memory_space<semaphore_mem>>) src(%dma_wait3A_16 : memref<80xf32, #tpu.memory_space<vmem>>) dst(%dma_wait3A_21 : memref<10240xf32, #tpu.memory_space<vmem_shared>>)
        tpu.yield
      }) : () -> ()
    }
    %scan3A_5 = arith.constant 125 : i32
    %barrier3A_6 = arith.constant 0 : index
    tpu.barrier barrier_id(%barrier3A_6)
    "tpu.region"() ({
      %run_scoped3A = tpu.sem_alloc : memref<!tpu.dma_semaphore, #tpu.memory_space<semaphore_mem>>
      %dma_start3A = tpu.memref_slice %arg5[%arg0, %multiple_of3A] : memref<2x10240xf32, #tpu.memory_space<hbm>> -> memref<1x640xf32, #tpu.memory_space<hbm>>
      %dma_start3A_7 = tpu.memref_squeeze %dma_start3A : memref<1x640xf32, #tpu.memory_space<hbm>> -> memref<640xf32, #tpu.memory_space<hbm>>
      %dma_start3A_8 = tpu.memref_slice %arg8[%multiple_of3A] : memref<10240xf32, #tpu.memory_space<vmem_shared>> -> memref<640xf32, #tpu.memory_space<vmem_shared>>
      tpu.enqueue_dma source(%dma_start3A_8 : memref<640xf32, #tpu.memory_space<vmem_shared>>) target(%dma_start3A_7 : memref<640xf32, #tpu.memory_space<hbm>>) target_semaphore(%run_scoped3A : memref<!tpu.dma_semaphore, #tpu.memory_space<semaphore_mem>>)
      %dma_wait3A = tpu.memref_slice %arg5[%arg0, %multiple_of3A] : memref<2x10240xf32, #tpu.memory_space<hbm>> -> memref<1x640xf32, #tpu.memory_space<hbm>>
      %dma_wait3A_9 = tpu.memref_squeeze %dma_wait3A : memref<1x640xf32, #tpu.memory_space<hbm>> -> memref<640xf32, #tpu.memory_space<hbm>>
      %dma_wait3A_10 = tpu.memref_slice %arg8[%multiple_of3A] : memref<10240xf32, #tpu.memory_space<vmem_shared>> -> memref<640xf32, #tpu.memory_space<vmem_shared>>
      tpu.wait_dma2 semaphore(%run_scoped3A : memref<!tpu.dma_semaphore, #tpu.memory_space<semaphore_mem>>) src(%dma_wait3A_10 : memref<640xf32, #tpu.memory_space<vmem_shared>>) dst(%dma_wait3A_9 : memref<640xf32, #tpu.memory_space<hbm>>)
      tpu.yield
    }) : () -> ()
    return
  }
}

#map = affine_map<(d0, d1) -> (0, 0)>
#map1 = affine_map<(d0, d1) -> (0, 0, 0, 0)>
#map2 = affine_map<(d0, d1) -> (0, 0, 0, 0, 0)>
#map3 = affine_map<(d0, d1) -> (0, 0, 0)>
module attributes {stable_mosaic.version = 14 : i64} {
  func.func @_agg_body(%arg0: i32, %arg1: i32, %arg2: memref<10000x128xf32, #tpu.memory_space<hbm>>, %arg3: memref<2x16x5x2000xi32, #tpu.memory_space<hbm>>, %arg4: memref<2x16x5x25x80xi32, #tpu.memory_space<hbm>>, %arg5: memref<2x16x5x2000xf32, #tpu.memory_space<hbm>>, %arg6: memref<10240x128xf32, #tpu.memory_space<hbm>>, %arg7: memref<2x10240x128xf32, #tpu.memory_space<hbm>>, %arg8: memref<2000xi32, #tpu.memory_space<vmem>>, %arg9: memref<25x80xi32, #tpu.memory_space<vmem>>, %arg10: memref<2000xf32, #tpu.memory_space<vmem>>, %arg11: memref<3x80x128xf32, #tpu.memory_space<vmem>>, %arg12: memref<10240x128xf32, #tpu.memory_space<vmem_shared>>, %arg13: memref<3x!tpu.dma_semaphore, #tpu.memory_space<semaphore_mem>>, %arg14: memref<3x!tpu.dma_semaphore, #tpu.memory_space<semaphore_mem>>) attributes {dimension_semantics = [#tpu.dimension_semantics<core_parallel>, #tpu.dimension_semantics<subcore_parallel>], iteration_bounds = array<i64: 2, 16>, scalar_prefetch = 0 : i64, scratch_operands = 7 : i64, tpu.core_type = #tpu.core_type<sc_vector_subcore>, window_params = [{transform_indices = #map}, {transform_indices = #map1}, {transform_indices = #map2}, {transform_indices = #map1}, {transform_indices = #map}, {transform_indices = #map3}]} {
    %mul3A = arith.constant 640 : i32
    %mul3A_0 = arith.muli %arg1, %mul3A : i32
    %multiple_of3A = tpu.assume_multiple %mul3A_0, 8 : i32
    "tpu.region"() ({
      %run_scoped3A = tpu.sem_alloc : memref<!tpu.dma_semaphore, #tpu.memory_space<semaphore_mem>>
      %dma_start3A = arith.constant 0 : i32
      %dma_start3A_7 = tpu.memref_slice %arg12[%multiple_of3A, %dma_start3A] : memref<10240x128xf32, #tpu.memory_space<vmem_shared>> -> memref<640x128xf32, #tpu.memory_space<vmem_shared>>
      %dma_start3A_8 = arith.constant 0 : i32
      %dma_start3A_9 = tpu.memref_slice %arg6[%multiple_of3A, %dma_start3A_8] : memref<10240x128xf32, #tpu.memory_space<hbm>> -> memref<640x128xf32, #tpu.memory_space<hbm>>
      tpu.enqueue_dma source(%dma_start3A_9 : memref<640x128xf32, #tpu.memory_space<hbm>>) target(%dma_start3A_7 : memref<640x128xf32, #tpu.memory_space<vmem_shared>>) target_semaphore(%run_scoped3A : memref<!tpu.dma_semaphore, #tpu.memory_space<semaphore_mem>>)
      %dma_wait3A = arith.constant 0 : i32
      %dma_wait3A_10 = tpu.memref_slice %arg12[%multiple_of3A, %dma_wait3A] : memref<10240x128xf32, #tpu.memory_space<vmem_shared>> -> memref<640x128xf32, #tpu.memory_space<vmem_shared>>
      %dma_wait3A_11 = arith.constant 0 : i32
      %dma_wait3A_12 = tpu.memref_slice %arg6[%multiple_of3A, %dma_wait3A_11] : memref<10240x128xf32, #tpu.memory_space<hbm>> -> memref<640x128xf32, #tpu.memory_space<hbm>>
      tpu.wait_dma2 semaphore(%run_scoped3A : memref<!tpu.dma_semaphore, #tpu.memory_space<semaphore_mem>>) src(%dma_wait3A_12 : memref<640x128xf32, #tpu.memory_space<hbm>>) dst(%dma_wait3A_10 : memref<640x128xf32, #tpu.memory_space<vmem_shared>>)
      tpu.yield
    }) : () -> ()
    %barrier3A = arith.constant 0 : index
    tpu.barrier barrier_id(%barrier3A)
    %scan3A = arith.constant 0 : i32
    %scan3A_1 = arith.constant 0 : i32
    %scan3A_2 = arith.constant 5 : i32
    %scan3A_3 = arith.addi %scan3A_1, %scan3A_2 : i32
    %scan3A_4 = arith.constant 1 : i32
    scf.for %scan3A_7 = %scan3A_1 to %scan3A_3 step %scan3A_4  : i32 {
      "tpu.region"() ({
        %run_scoped3A = tpu.sem_alloc : memref<!tpu.dma_semaphore, #tpu.memory_space<semaphore_mem>>
        %dma_start3A_85 = arith.constant 0 : i32
        %dma_start3A_86 = tpu.memref_slice %arg3[%arg0, %arg1, %scan3A_7, %dma_start3A_85] : memref<2x16x5x2000xi32, #tpu.memory_space<hbm>> -> memref<1x1x1x2000xi32, #tpu.memory_space<hbm>>
        %dma_start3A_87 = tpu.memref_squeeze %dma_start3A_86 : memref<1x1x1x2000xi32, #tpu.memory_space<hbm>> -> memref<2000xi32, #tpu.memory_space<hbm>>
        %dma_start3A_88 = arith.constant 0 : i32
        %dma_start3A_89 = tpu.memref_slice %arg3[%arg0, %arg1, %scan3A_7, %dma_start3A_88] : memref<2x16x5x2000xi32, #tpu.memory_space<hbm>> -> memref<1x1x1x2000xi32, #tpu.memory_space<hbm>>
        %dma_start3A_90 = tpu.memref_squeeze %dma_start3A_89 : memref<1x1x1x2000xi32, #tpu.memory_space<hbm>> -> memref<2000xi32, #tpu.memory_space<hbm>>
        tpu.enqueue_dma source(%dma_start3A_90 : memref<2000xi32, #tpu.memory_space<hbm>>) target(%arg8 : memref<2000xi32, #tpu.memory_space<vmem>>) target_semaphore(%run_scoped3A : memref<!tpu.dma_semaphore, #tpu.memory_space<semaphore_mem>>)
        %dma_wait3A_91 = arith.constant 0 : i32
        %dma_wait3A_92 = tpu.memref_slice %arg3[%arg0, %arg1, %scan3A_7, %dma_wait3A_91] : memref<2x16x5x2000xi32, #tpu.memory_space<hbm>> -> memref<1x1x1x2000xi32, #tpu.memory_space<hbm>>
        %dma_wait3A_93 = tpu.memref_squeeze %dma_wait3A_92 : memref<1x1x1x2000xi32, #tpu.memory_space<hbm>> -> memref<2000xi32, #tpu.memory_space<hbm>>
        %dma_wait3A_94 = arith.constant 0 : i32
        %dma_wait3A_95 = tpu.memref_slice %arg3[%arg0, %arg1, %scan3A_7, %dma_wait3A_94] : memref<2x16x5x2000xi32, #tpu.memory_space<hbm>> -> memref<1x1x1x2000xi32, #tpu.memory_space<hbm>>
        %dma_wait3A_96 = tpu.memref_squeeze %dma_wait3A_95 : memref<1x1x1x2000xi32, #tpu.memory_space<hbm>> -> memref<2000xi32, #tpu.memory_space<hbm>>
        tpu.wait_dma2 semaphore(%run_scoped3A : memref<!tpu.dma_semaphore, #tpu.memory_space<semaphore_mem>>) src(%dma_wait3A_96 : memref<2000xi32, #tpu.memory_space<hbm>>) dst(%arg8 : memref<2000xi32, #tpu.memory_space<vmem>>)
        tpu.yield
      }) : () -> ()
      "tpu.region"() ({
        %run_scoped3A = tpu.sem_alloc : memref<!tpu.dma_semaphore, #tpu.memory_space<semaphore_mem>>
        %dma_start3A_85 = arith.constant 0 : i32
        %dma_start3A_86 = arith.constant 0 : i32
        %dma_start3A_87 = tpu.memref_slice %arg4[%arg0, %arg1, %scan3A_7, %dma_start3A_85, %dma_start3A_86] : memref<2x16x5x25x80xi32, #tpu.memory_space<hbm>> -> memref<1x1x1x25x80xi32, #tpu.memory_space<hbm>>
        %dma_start3A_88 = tpu.memref_squeeze %dma_start3A_87 : memref<1x1x1x25x80xi32, #tpu.memory_space<hbm>> -> memref<25x80xi32, #tpu.memory_space<hbm>>
        %dma_start3A_89 = arith.constant 0 : i32
        %dma_start3A_90 = arith.constant 0 : i32
        %dma_start3A_91 = tpu.memref_slice %arg4[%arg0, %arg1, %scan3A_7, %dma_start3A_89, %dma_start3A_90] : memref<2x16x5x25x80xi32, #tpu.memory_space<hbm>> -> memref<1x1x1x25x80xi32, #tpu.memory_space<hbm>>
        %dma_start3A_92 = tpu.memref_squeeze %dma_start3A_91 : memref<1x1x1x25x80xi32, #tpu.memory_space<hbm>> -> memref<25x80xi32, #tpu.memory_space<hbm>>
        tpu.enqueue_dma source(%dma_start3A_92 : memref<25x80xi32, #tpu.memory_space<hbm>>) target(%arg9 : memref<25x80xi32, #tpu.memory_space<vmem>>) target_semaphore(%run_scoped3A : memref<!tpu.dma_semaphore, #tpu.memory_space<semaphore_mem>>)
        %dma_wait3A_93 = arith.constant 0 : i32
        %dma_wait3A_94 = arith.constant 0 : i32
        %dma_wait3A_95 = tpu.memref_slice %arg4[%arg0, %arg1, %scan3A_7, %dma_wait3A_93, %dma_wait3A_94] : memref<2x16x5x25x80xi32, #tpu.memory_space<hbm>> -> memref<1x1x1x25x80xi32, #tpu.memory_space<hbm>>
        %dma_wait3A_96 = tpu.memref_squeeze %dma_wait3A_95 : memref<1x1x1x25x80xi32, #tpu.memory_space<hbm>> -> memref<25x80xi32, #tpu.memory_space<hbm>>
        %dma_wait3A_97 = arith.constant 0 : i32
        %dma_wait3A_98 = arith.constant 0 : i32
        %dma_wait3A_99 = tpu.memref_slice %arg4[%arg0, %arg1, %scan3A_7, %dma_wait3A_97, %dma_wait3A_98] : memref<2x16x5x25x80xi32, #tpu.memory_space<hbm>> -> memref<1x1x1x25x80xi32, #tpu.memory_space<hbm>>
        %dma_wait3A_100 = tpu.memref_squeeze %dma_wait3A_99 : memref<1x1x1x25x80xi32, #tpu.memory_space<hbm>> -> memref<25x80xi32, #tpu.memory_space<hbm>>
        tpu.wait_dma2 semaphore(%run_scoped3A : memref<!tpu.dma_semaphore, #tpu.memory_space<semaphore_mem>>) src(%dma_wait3A_100 : memref<25x80xi32, #tpu.memory_space<hbm>>) dst(%arg9 : memref<25x80xi32, #tpu.memory_space<vmem>>)
        tpu.yield
      }) : () -> ()
      "tpu.region"() ({
        %run_scoped3A = tpu.sem_alloc : memref<!tpu.dma_semaphore, #tpu.memory_space<semaphore_mem>>
        %dma_start3A_85 = arith.constant 0 : i32
        %dma_start3A_86 = tpu.memref_slice %arg5[%arg0, %arg1, %scan3A_7, %dma_start3A_85] : memref<2x16x5x2000xf32, #tpu.memory_space<hbm>> -> memref<1x1x1x2000xf32, #tpu.memory_space<hbm>>
        %dma_start3A_87 = tpu.memref_squeeze %dma_start3A_86 : memref<1x1x1x2000xf32, #tpu.memory_space<hbm>> -> memref<2000xf32, #tpu.memory_space<hbm>>
        %dma_start3A_88 = arith.constant 0 : i32
        %dma_start3A_89 = tpu.memref_slice %arg5[%arg0, %arg1, %scan3A_7, %dma_start3A_88] : memref<2x16x5x2000xf32, #tpu.memory_space<hbm>> -> memref<1x1x1x2000xf32, #tpu.memory_space<hbm>>
        %dma_start3A_90 = tpu.memref_squeeze %dma_start3A_89 : memref<1x1x1x2000xf32, #tpu.memory_space<hbm>> -> memref<2000xf32, #tpu.memory_space<hbm>>
        tpu.enqueue_dma source(%dma_start3A_90 : memref<2000xf32, #tpu.memory_space<hbm>>) target(%arg10 : memref<2000xf32, #tpu.memory_space<vmem>>) target_semaphore(%run_scoped3A : memref<!tpu.dma_semaphore, #tpu.memory_space<semaphore_mem>>)
        %dma_wait3A_91 = arith.constant 0 : i32
        %dma_wait3A_92 = tpu.memref_slice %arg5[%arg0, %arg1, %scan3A_7, %dma_wait3A_91] : memref<2x16x5x2000xf32, #tpu.memory_space<hbm>> -> memref<1x1x1x2000xf32, #tpu.memory_space<hbm>>
        %dma_wait3A_93 = tpu.memref_squeeze %dma_wait3A_92 : memref<1x1x1x2000xf32, #tpu.memory_space<hbm>> -> memref<2000xf32, #tpu.memory_space<hbm>>
        %dma_wait3A_94 = arith.constant 0 : i32
        %dma_wait3A_95 = tpu.memref_slice %arg5[%arg0, %arg1, %scan3A_7, %dma_wait3A_94] : memref<2x16x5x2000xf32, #tpu.memory_space<hbm>> -> memref<1x1x1x2000xf32, #tpu.memory_space<hbm>>
        %dma_wait3A_96 = tpu.memref_squeeze %dma_wait3A_95 : memref<1x1x1x2000xf32, #tpu.memory_space<hbm>> -> memref<2000xf32, #tpu.memory_space<hbm>>
        tpu.wait_dma2 semaphore(%run_scoped3A : memref<!tpu.dma_semaphore, #tpu.memory_space<semaphore_mem>>) src(%dma_wait3A_96 : memref<2000xf32, #tpu.memory_space<hbm>>) dst(%arg10 : memref<2000xf32, #tpu.memory_space<vmem>>)
        tpu.yield
      }) : () -> ()
      %multiple_of3A_8 = arith.constant 0 : i32
      %multiple_of3A_9 = tpu.assume_multiple %multiple_of3A_8, 8 : i32
      %dma_start3A = arith.constant 0 : i32
      %dma_start3A_10 = arith.constant 0 : i32
      %dma_start3A_11 = arith.constant 0 : i32
      %dma_start3A_12 = arith.constant 0 : i32
      %dma_start3A_13 = tpu.memref_slice %arg11[%dma_start3A, %dma_start3A_11, %dma_start3A_12] : memref<3x80x128xf32, #tpu.memory_space<vmem>> -> memref<1x80x128xf32, #tpu.memory_space<vmem>>
      %dma_start3A_14 = tpu.memref_squeeze %dma_start3A_13 : memref<1x80x128xf32, #tpu.memory_space<vmem>> -> memref<80x128xf32, #tpu.memory_space<vmem>>
      %dma_start3A_15 = tpu.memref_slice %arg8[%multiple_of3A_9] : memref<2000xi32, #tpu.memory_space<vmem>> -> memref<80xi32, #tpu.memory_space<vmem>>
      %dma_start3A_16 = arith.constant 0 : i32
      %dma_start3A_17 = arith.constant 0 : i32
      %dma_start3A_18 = tpu.memref_slice %arg2[%dma_start3A_16, %dma_start3A_17] : memref<10000x128xf32, #tpu.memory_space<hbm>> -> memref<10000x128xf32, #tpu.memory_space<hbm>>
      %dma_start3A_19 = tpu.memref_slice %arg13[%dma_start3A_10] : memref<3x!tpu.dma_semaphore, #tpu.memory_space<semaphore_mem>> -> memref<1x!tpu.dma_semaphore, #tpu.memory_space<semaphore_mem>>
      %dma_start3A_20 = tpu.memref_squeeze %dma_start3A_19 : memref<1x!tpu.dma_semaphore, #tpu.memory_space<semaphore_mem>> -> memref<!tpu.dma_semaphore, #tpu.memory_space<semaphore_mem>>
      tpu.enqueue_indirect_dma source(%dma_start3A_18 : memref<10000x128xf32, #tpu.memory_space<hbm>>) target(%dma_start3A_14 : memref<80x128xf32, #tpu.memory_space<vmem>>) offsets(%dma_start3A_15 : memref<80xi32, #tpu.memory_space<vmem>>) semaphore(%dma_start3A_20 : memref<!tpu.dma_semaphore, #tpu.memory_space<semaphore_mem>>)
      %multiple_of3A_21 = arith.constant 80 : i32
      %multiple_of3A_22 = tpu.assume_multiple %multiple_of3A_21, 8 : i32
      %dma_start3A_23 = arith.constant 1 : i32
      %dma_start3A_24 = arith.constant 1 : i32
      %dma_start3A_25 = arith.constant 0 : i32
      %dma_start3A_26 = arith.constant 0 : i32
      %dma_start3A_27 = tpu.memref_slice %arg11[%dma_start3A_23, %dma_start3A_25, %dma_start3A_26] : memref<3x80x128xf32, #tpu.memory_space<vmem>> -> memref<1x80x128xf32, #tpu.memory_space<vmem>>
      %dma_start3A_28 = tpu.memref_squeeze %dma_start3A_27 : memref<1x80x128xf32, #tpu.memory_space<vmem>> -> memref<80x128xf32, #tpu.memory_space<vmem>>
      %dma_start3A_29 = tpu.memref_slice %arg8[%multiple_of3A_22] : memref<2000xi32, #tpu.memory_space<vmem>> -> memref<80xi32, #tpu.memory_space<vmem>>
      %dma_start3A_30 = arith.constant 0 : i32
      %dma_start3A_31 = arith.constant 0 : i32
      %dma_start3A_32 = tpu.memref_slice %arg2[%dma_start3A_30, %dma_start3A_31] : memref<10000x128xf32, #tpu.memory_space<hbm>> -> memref<10000x128xf32, #tpu.memory_space<hbm>>
      %dma_start3A_33 = tpu.memref_slice %arg13[%dma_start3A_24] : memref<3x!tpu.dma_semaphore, #tpu.memory_space<semaphore_mem>> -> memref<1x!tpu.dma_semaphore, #tpu.memory_space<semaphore_mem>>
      %dma_start3A_34 = tpu.memref_squeeze %dma_start3A_33 : memref<1x!tpu.dma_semaphore, #tpu.memory_space<semaphore_mem>> -> memref<!tpu.dma_semaphore, #tpu.memory_space<semaphore_mem>>
      tpu.enqueue_indirect_dma source(%dma_start3A_32 : memref<10000x128xf32, #tpu.memory_space<hbm>>) target(%dma_start3A_28 : memref<80x128xf32, #tpu.memory_space<vmem>>) offsets(%dma_start3A_29 : memref<80xi32, #tpu.memory_space<vmem>>) semaphore(%dma_start3A_34 : memref<!tpu.dma_semaphore, #tpu.memory_space<semaphore_mem>>)
      %scan3A_35 = arith.constant 0 : i32
      %scan3A_36 = arith.constant 0 : i32
      %scan3A_37 = arith.constant 25 : i32
      %scan3A_38 = arith.addi %scan3A_36, %scan3A_37 : i32
      %scan3A_39 = arith.constant 1 : i32
      scf.for %scan3A_85 = %scan3A_36 to %scan3A_38 step %scan3A_39  : i32 {
        %rem3A = arith.constant 3 : i32
        %rem3A_86 = arith.remsi %scan3A_85, %rem3A : i32
        %mul3A_87 = arith.constant 80 : i32
        %mul3A_88 = arith.muli %scan3A_85, %mul3A_87 : i32
        %multiple_of3A_89 = tpu.assume_multiple %mul3A_88, 8 : i32
        %dma_wait3A_90 = arith.constant 0 : i32
        %dma_wait3A_91 = arith.constant 0 : i32
        %dma_wait3A_92 = tpu.memref_slice %arg11[%rem3A_86, %dma_wait3A_90, %dma_wait3A_91] : memref<3x80x128xf32, #tpu.memory_space<vmem>> -> memref<1x80x128xf32, #tpu.memory_space<vmem>>
        %dma_wait3A_93 = tpu.memref_squeeze %dma_wait3A_92 : memref<1x80x128xf32, #tpu.memory_space<vmem>> -> memref<80x128xf32, #tpu.memory_space<vmem>>
        %dma_wait3A_94 = tpu.memref_slice %arg8[%multiple_of3A_89] : memref<2000xi32, #tpu.memory_space<vmem>> -> memref<80xi32, #tpu.memory_space<vmem>>
        %dma_wait3A_95 = arith.constant 0 : i32
        %dma_wait3A_96 = arith.constant 0 : i32
        %dma_wait3A_97 = tpu.memref_slice %arg2[%dma_wait3A_95, %dma_wait3A_96] : memref<10000x128xf32, #tpu.memory_space<hbm>> -> memref<10000x128xf32, #tpu.memory_space<hbm>>
        %dma_wait3A_98 = tpu.memref_slice %arg13[%rem3A_86] : memref<3x!tpu.dma_semaphore, #tpu.memory_space<semaphore_mem>> -> memref<1x!tpu.dma_semaphore, #tpu.memory_space<semaphore_mem>>
        %dma_wait3A_99 = tpu.memref_squeeze %dma_wait3A_98 : memref<1x!tpu.dma_semaphore, #tpu.memory_space<semaphore_mem>> -> memref<!tpu.dma_semaphore, #tpu.memory_space<semaphore_mem>>
        tpu.wait_indirect_dma semaphore(%dma_wait3A_99 : memref<!tpu.dma_semaphore, #tpu.memory_space<semaphore_mem>>) src(%dma_wait3A_97 : memref<10000x128xf32, #tpu.memory_space<hbm>>) dst(%dma_wait3A_93 : memref<80x128xf32, #tpu.memory_space<vmem>>)
        %parallel_loop3A = arith.constant 0 : i32
        %parallel_loop3A_100 = arith.constant 80 : i32
        %parallel_loop3A_101 = arith.constant 1 : i32
        scf.for %parallel_loop3A_117 = %parallel_loop3A to %parallel_loop3A_100 step %parallel_loop3A_101  : i32 {
          %parallel_loop3A_118 = arith.constant 80 : i32
          %parallel_loop3A_119 = arith.muli %scan3A_85, %parallel_loop3A_118 : i32
          %parallel_loop3A_120 = arith.addi %parallel_loop3A_119, %parallel_loop3A_117 : i32
          %parallel_loop3A_121 = vector.broadcast %parallel_loop3A_120 : i32 to vector<16xi32>
          %parallel_loop3A_122 = tpu.vector_load_idx %arg10[%parallel_loop3A_121] : memref<2000xf32, #tpu.memory_space<vmem>>[vector<16xi32>], vector<16xf32>,
          %parallel_loop3A_123 = arith.index_cast %rem3A_86 : i32 to index
          %parallel_loop3A_124 = arith.index_cast %parallel_loop3A_117 : i32 to index
          %parallel_loop3A_125 = arith.constant 0 : index
          %parallel_loop3A_126 = tpu.vector_load %arg11[%parallel_loop3A_123, %parallel_loop3A_124, %parallel_loop3A_125] {strides = array<i32>} : memref<3x80x128xf32, #tpu.memory_space<vmem>>, vector<16xf32>,
          %parallel_loop3A_127 = arith.mulf %parallel_loop3A_126, %parallel_loop3A_122 : vector<16xf32>
          %parallel_loop3A_128 = arith.index_cast %rem3A_86 : i32 to index
          %parallel_loop3A_129 = arith.index_cast %parallel_loop3A_117 : i32 to index
          %parallel_loop3A_130 = arith.constant 0 : index
          %parallel_loop3A_131 = tpu.vector_load %arg11[%parallel_loop3A_128, %parallel_loop3A_129, %parallel_loop3A_130] {strides = array<i32>} : memref<3x80x128xf32, #tpu.memory_space<vmem>>, vector<16xf32>,
          tpu.vector_store %arg11[%parallel_loop3A_128, %parallel_loop3A_129, %parallel_loop3A_130], %parallel_loop3A_127 {strides = array<i32>} : memref<3x80x128xf32, #tpu.memory_space<vmem>>, vector<16xf32>,
          %parallel_loop3A_132 = arith.index_cast %rem3A_86 : i32 to index
          %parallel_loop3A_133 = arith.index_cast %parallel_loop3A_117 : i32 to index
          %parallel_loop3A_134 = arith.constant 16 : index
          %parallel_loop3A_135 = tpu.vector_load %arg11[%parallel_loop3A_132, %parallel_loop3A_133, %parallel_loop3A_134] {strides = array<i32>} : memref<3x80x128xf32, #tpu.memory_space<vmem>>, vector<16xf32>,
          %parallel_loop3A_136 = arith.mulf %parallel_loop3A_135, %parallel_loop3A_122 : vector<16xf32>
          %parallel_loop3A_137 = arith.index_cast %rem3A_86 : i32 to index
          %parallel_loop3A_138 = arith.index_cast %parallel_loop3A_117 : i32 to index
          %parallel_loop3A_139 = arith.constant 16 : index
          %parallel_loop3A_140 = tpu.vector_load %arg11[%parallel_loop3A_137, %parallel_loop3A_138, %parallel_loop3A_139] {strides = array<i32>} : memref<3x80x128xf32, #tpu.memory_space<vmem>>, vector<16xf32>,
          tpu.vector_store %arg11[%parallel_loop3A_137, %parallel_loop3A_138, %parallel_loop3A_139], %parallel_loop3A_136 {strides = array<i32>} : memref<3x80x128xf32, #tpu.memory_space<vmem>>, vector<16xf32>,
          %parallel_loop3A_141 = arith.index_cast %rem3A_86 : i32 to index
          %parallel_loop3A_142 = arith.index_cast %parallel_loop3A_117 : i32 to index
          %parallel_loop3A_143 = arith.constant 32 : index
          %parallel_loop3A_144 = tpu.vector_load %arg11[%parallel_loop3A_141, %parallel_loop3A_142, %parallel_loop3A_143] {strides = array<i32>} : memref<3x80x128xf32, #tpu.memory_space<vmem>>, vector<16xf32>,
          %parallel_loop3A_145 = arith.mulf %parallel_loop3A_144, %parallel_loop3A_122 : vector<16xf32>
          %parallel_loop3A_146 = arith.index_cast %rem3A_86 : i32 to index
          %parallel_loop3A_147 = arith.index_cast %parallel_loop3A_117 : i32 to index
          %parallel_loop3A_148 = arith.constant 32 : index
          %parallel_loop3A_149 = tpu.vector_load %arg11[%parallel_loop3A_146, %parallel_loop3A_147, %parallel_loop3A_148] {strides = array<i32>} : memref<3x80x128xf32, #tpu.memory_space<vmem>>, vector<16xf32>,
          tpu.vector_store %arg11[%parallel_loop3A_146, %parallel_loop3A_147, %parallel_loop3A_148], %parallel_loop3A_145 {strides = array<i32>} : memref<3x80x128xf32, #tpu.memory_space<vmem>>, vector<16xf32>,
          %parallel_loop3A_150 = arith.index_cast %rem3A_86 : i32 to index
          %parallel_loop3A_151 = arith.index_cast %parallel_loop3A_117 : i32 to index
          %parallel_loop3A_152 = arith.constant 48 : index
          %parallel_loop3A_153 = tpu.vector_load %arg11[%parallel_loop3A_150, %parallel_loop3A_151, %parallel_loop3A_152] {strides = array<i32>} : memref<3x80x128xf32, #tpu.memory_space<vmem>>, vector<16xf32>,
          %parallel_loop3A_154 = arith.mulf %parallel_loop3A_153, %parallel_loop3A_122 : vector<16xf32>
          %parallel_loop3A_155 = arith.index_cast %rem3A_86 : i32 to index
          %parallel_loop3A_156 = arith.index_cast %parallel_loop3A_117 : i32 to index
          %parallel_loop3A_157 = arith.constant 48 : index
          %parallel_loop3A_158 = tpu.vector_load %arg11[%parallel_loop3A_155, %parallel_loop3A_156, %parallel_loop3A_157] {strides = array<i32>} : memref<3x80x128xf32, #tpu.memory_space<vmem>>, vector<16xf32>,
          tpu.vector_store %arg11[%parallel_loop3A_155, %parallel_loop3A_156, %parallel_loop3A_157], %parallel_loop3A_154 {strides = array<i32>} : memref<3x80x128xf32, #tpu.memory_space<vmem>>, vector<16xf32>,
          %parallel_loop3A_159 = arith.index_cast %rem3A_86 : i32 to index
          %parallel_loop3A_160 = arith.index_cast %parallel_loop3A_117 : i32 to index
          %parallel_loop3A_161 = arith.constant 64 : index
          %parallel_loop3A_162 = tpu.vector_load %arg11[%parallel_loop3A_159, %parallel_loop3A_160, %parallel_loop3A_161] {strides = array<i32>} : memref<3x80x128xf32, #tpu.memory_space<vmem>>, vector<16xf32>,
          %parallel_loop3A_163 = arith.mulf %parallel_loop3A_162, %parallel_loop3A_122 : vector<16xf32>
          %parallel_loop3A_164 = arith.index_cast %rem3A_86 : i32 to index
          %parallel_loop3A_165 = arith.index_cast %parallel_loop3A_117 : i32 to index
          %parallel_loop3A_166 = arith.constant 64 : index
          %parallel_loop3A_167 = tpu.vector_load %arg11[%parallel_loop3A_164, %parallel_loop3A_165, %parallel_loop3A_166] {strides = array<i32>} : memref<3x80x128xf32, #tpu.memory_space<vmem>>, vector<16xf32>,
          tpu.vector_store %arg11[%parallel_loop3A_164, %parallel_loop3A_165, %parallel_loop3A_166], %parallel_loop3A_163 {strides = array<i32>} : memref<3x80x128xf32, #tpu.memory_space<vmem>>, vector<16xf32>,
          %parallel_loop3A_168 = arith.index_cast %rem3A_86 : i32 to index
          %parallel_loop3A_169 = arith.index_cast %parallel_loop3A_117 : i32 to index
          %parallel_loop3A_170 = arith.constant 80 : index
          %parallel_loop3A_171 = tpu.vector_load %arg11[%parallel_loop3A_168, %parallel_loop3A_169, %parallel_loop3A_170] {strides = array<i32>} : memref<3x80x128xf32, #tpu.memory_space<vmem>>, vector<16xf32>,
          %parallel_loop3A_172 = arith.mulf %parallel_loop3A_171, %parallel_loop3A_122 : vector<16xf32>
          %parallel_loop3A_173 = arith.index_cast %rem3A_86 : i32 to index
          %parallel_loop3A_174 = arith.index_cast %parallel_loop3A_117 : i32 to index
          %parallel_loop3A_175 = arith.constant 80 : index
          %parallel_loop3A_176 = tpu.vector_load %arg11[%parallel_loop3A_173, %parallel_loop3A_174, %parallel_loop3A_175] {strides = array<i32>} : memref<3x80x128xf32, #tpu.memory_space<vmem>>, vector<16xf32>,
          tpu.vector_store %arg11[%parallel_loop3A_173, %parallel_loop3A_174, %parallel_loop3A_175], %parallel_loop3A_172 {strides = array<i32>} : memref<3x80x128xf32, #tpu.memory_space<vmem>>, vector<16xf32>,
          %parallel_loop3A_177 = arith.index_cast %rem3A_86 : i32 to index
          %parallel_loop3A_178 = arith.index_cast %parallel_loop3A_117 : i32 to index
          %parallel_loop3A_179 = arith.constant 96 : index
          %parallel_loop3A_180 = tpu.vector_load %arg11[%parallel_loop3A_177, %parallel_loop3A_178, %parallel_loop3A_179] {strides = array<i32>} : memref<3x80x128xf32, #tpu.memory_space<vmem>>, vector<16xf32>,
          %parallel_loop3A_181 = arith.mulf %parallel_loop3A_180, %parallel_loop3A_122 : vector<16xf32>
          %parallel_loop3A_182 = arith.index_cast %rem3A_86 : i32 to index
          %parallel_loop3A_183 = arith.index_cast %parallel_loop3A_117 : i32 to index
          %parallel_loop3A_184 = arith.constant 96 : index
          %parallel_loop3A_185 = tpu.vector_load %arg11[%parallel_loop3A_182, %parallel_loop3A_183, %parallel_loop3A_184] {strides = array<i32>} : memref<3x80x128xf32, #tpu.memory_space<vmem>>, vector<16xf32>,
          tpu.vector_store %arg11[%parallel_loop3A_182, %parallel_loop3A_183, %parallel_loop3A_184], %parallel_loop3A_181 {strides = array<i32>} : memref<3x80x128xf32, #tpu.memory_space<vmem>>, vector<16xf32>,
          %parallel_loop3A_186 = arith.index_cast %rem3A_86 : i32 to index
          %parallel_loop3A_187 = arith.index_cast %parallel_loop3A_117 : i32 to index
          %parallel_loop3A_188 = arith.constant 112 : index
          %parallel_loop3A_189 = tpu.vector_load %arg11[%parallel_loop3A_186, %parallel_loop3A_187, %parallel_loop3A_188] {strides = array<i32>} : memref<3x80x128xf32, #tpu.memory_space<vmem>>, vector<16xf32>,
          %parallel_loop3A_190 = arith.mulf %parallel_loop3A_189, %parallel_loop3A_122 : vector<16xf32>
          %parallel_loop3A_191 = arith.index_cast %rem3A_86 : i32 to index
          %parallel_loop3A_192 = arith.index_cast %parallel_loop3A_117 : i32 to index
          %parallel_loop3A_193 = arith.constant 112 : index
          %parallel_loop3A_194 = tpu.vector_load %arg11[%parallel_loop3A_191, %parallel_loop3A_192, %parallel_loop3A_193] {strides = array<i32>} : memref<3x80x128xf32, #tpu.memory_space<vmem>>, vector<16xf32>,
          tpu.vector_store %arg11[%parallel_loop3A_191, %parallel_loop3A_192, %parallel_loop3A_193], %parallel_loop3A_190 {strides = array<i32>} : memref<3x80x128xf32, #tpu.memory_space<vmem>>, vector<16xf32>,
        } {sc.loop_unroll_factor = 4 : i64, sc.parallel_access}
        %dma_start3A_102 = arith.constant 0 : i32
        %dma_start3A_103 = arith.constant 0 : i32
        %dma_start3A_104 = tpu.memref_slice %arg11[%rem3A_86, %dma_start3A_102, %dma_start3A_103] : memref<3x80x128xf32, #tpu.memory_space<vmem>> -> memref<1x80x128xf32, #tpu.memory_space<vmem>>
        %dma_start3A_105 = tpu.memref_squeeze %dma_start3A_104 : memref<1x80x128xf32, #tpu.memory_space<vmem>> -> memref<80x128xf32, #tpu.memory_space<vmem>>
        %dma_start3A_106 = arith.constant 0 : i32
        %dma_start3A_107 = tpu.memref_slice %arg9[%scan3A_85, %dma_start3A_106] : memref<25x80xi32, #tpu.memory_space<vmem>> -> memref<1x80xi32, #tpu.memory_space<vmem>>
        %dma_start3A_108 = tpu.memref_squeeze %dma_start3A_107 : memref<1x80xi32, #tpu.memory_space<vmem>> -> memref<80xi32, #tpu.memory_space<vmem>>
        %dma_start3A_109 = arith.constant 0 : i32
        %dma_start3A_110 = arith.constant 0 : i32
        %dma_start3A_111 = tpu.memref_slice %arg12[%dma_start3A_109, %dma_start3A_110] : memref<10240x128xf32, #tpu.memory_space<vmem_shared>> -> memref<10240x128xf32, #tpu.memory_space<vmem_shared>>
        %dma_start3A_112 = tpu.memref_slice %arg14[%rem3A_86] : memref<3x!tpu.dma_semaphore, #tpu.memory_space<semaphore_mem>> -> memref<1x!tpu.dma_semaphore, #tpu.memory_space<semaphore_mem>>
        %dma_start3A_113 = tpu.memref_squeeze %dma_start3A_112 : memref<1x!tpu.dma_semaphore, #tpu.memory_space<semaphore_mem>> -> memref<!tpu.dma_semaphore, #tpu.memory_space<semaphore_mem>>
        tpu.enqueue_indirect_dma source(%dma_start3A_105 : memref<80x128xf32, #tpu.memory_space<vmem>>) target(%dma_start3A_111 : memref<10240x128xf32, #tpu.memory_space<vmem_shared>>) offsets(%dma_start3A_108 : memref<80xi32, #tpu.memory_space<vmem>>) semaphore(%dma_start3A_113 : memref<!tpu.dma_semaphore, #tpu.memory_space<semaphore_mem>>) {add = true}
        %add3A = arith.constant 2 : i32
        %add3A_114 = arith.addi %scan3A_85, %add3A : i32
        %lt3A = arith.constant 25 : i32
        %lt3A_115 = arith.cmpi slt, %add3A_114, %lt3A : i32
        %convert_element_type3A = arith.extui %lt3A_115 : i1 to i32
        %cond3A = arith.constant 0 : i32
        %cond3A_116 = arith.cmpi ne, %convert_element_type3A, %cond3A : i32
        scf.if %cond3A_116 {
          %add3A_117 = arith.constant 2 : i32
          %add3A_118 = arith.addi %scan3A_85, %add3A_117 : i32
          %rem3A_119 = arith.constant 3 : i32
          %rem3A_120 = arith.remsi %add3A_118, %rem3A_119 : i32
          %gt3A = arith.constant 0 : i32
          %gt3A_121 = arith.cmpi sgt, %scan3A_85, %gt3A : i32
          %convert_element_type3A_122 = arith.extui %gt3A_121 : i1 to i32
          %cond3A_123 = arith.constant 0 : i32
          %cond3A_124 = arith.cmpi ne, %convert_element_type3A_122, %cond3A_123 : i32
          scf.if %cond3A_124 {
            %sub3A = arith.constant 1 : i32
            %sub3A_140 = arith.subi %scan3A_85, %sub3A : i32
            %dma_wait3A_141 = arith.constant 0 : i32
            %dma_wait3A_142 = arith.constant 0 : i32
            %dma_wait3A_143 = tpu.memref_slice %arg11[%rem3A_120, %dma_wait3A_141, %dma_wait3A_142] : memref<3x80x128xf32, #tpu.memory_space<vmem>> -> memref<1x80x128xf32, #tpu.memory_space<vmem>>
            %dma_wait3A_144 = tpu.memref_squeeze %dma_wait3A_143 : memref<1x80x128xf32, #tpu.memory_space<vmem>> -> memref<80x128xf32, #tpu.memory_space<vmem>>
            %dma_wait3A_145 = arith.constant 0 : i32
            %dma_wait3A_146 = tpu.memref_slice %arg9[%sub3A_140, %dma_wait3A_145] : memref<25x80xi32, #tpu.memory_space<vmem>> -> memref<1x80xi32, #tpu.memory_space<vmem>>
            %dma_wait3A_147 = tpu.memref_squeeze %dma_wait3A_146 : memref<1x80xi32, #tpu.memory_space<vmem>> -> memref<80xi32, #tpu.memory_space<vmem>>
            %dma_wait3A_148 = arith.constant 0 : i32
            %dma_wait3A_149 = arith.constant 0 : i32
            %dma_wait3A_150 = tpu.memref_slice %arg12[%dma_wait3A_148, %dma_wait3A_149] : memref<10240x128xf32, #tpu.memory_space<vmem_shared>> -> memref<10240x128xf32, #tpu.memory_space<vmem_shared>>
            %dma_wait3A_151 = tpu.memref_slice %arg14[%rem3A_120] : memref<3x!tpu.dma_semaphore, #tpu.memory_space<semaphore_mem>> -> memref<1x!tpu.dma_semaphore, #tpu.memory_space<semaphore_mem>>
            %dma_wait3A_152 = tpu.memref_squeeze %dma_wait3A_151 : memref<1x!tpu.dma_semaphore, #tpu.memory_space<semaphore_mem>> -> memref<!tpu.dma_semaphore, #tpu.memory_space<semaphore_mem>>
            tpu.wait_indirect_dma semaphore(%dma_wait3A_152 : memref<!tpu.dma_semaphore, #tpu.memory_space<semaphore_mem>>) src(%dma_wait3A_144 : memref<80x128xf32, #tpu.memory_space<vmem>>) dst(%dma_wait3A_150 : memref<10240x128xf32, #tpu.memory_space<vmem_shared>>)
          } else {
          }
          %add3A_125 = arith.constant 2 : i32
          %add3A_126 = arith.addi %scan3A_85, %add3A_125 : i32
          %mul3A_127 = arith.constant 80 : i32
          %mul3A_128 = arith.muli %add3A_126, %mul3A_127 : i32
          %multiple_of3A_129 = tpu.assume_multiple %mul3A_128, 8 : i32
          %dma_start3A_130 = arith.constant 0 : i32
          %dma_start3A_131 = arith.constant 0 : i32
          %dma_start3A_132 = tpu.memref_slice %arg11[%rem3A_120, %dma_start3A_130, %dma_start3A_131] : memref<3x80x128xf32, #tpu.memory_space<vmem>> -> memref<1x80x128xf32, #tpu.memory_space<vmem>>
          %dma_start3A_133 = tpu.memref_squeeze %dma_start3A_132 : memref<1x80x128xf32, #tpu.memory_space<vmem>> -> memref<80x128xf32, #tpu.memory_space<vmem>>
          %dma_start3A_134 = tpu.memref_slice %arg8[%multiple_of3A_129] : memref<2000xi32, #tpu.memory_space<vmem>> -> memref<80xi32, #tpu.memory_space<vmem>>
          %dma_start3A_135 = arith.constant 0 : i32
          %dma_start3A_136 = arith.constant 0 : i32
          %dma_start3A_137 = tpu.memref_slice %arg2[%dma_start3A_135, %dma_start3A_136] : memref<10000x128xf32, #tpu.memory_space<hbm>> -> memref<10000x128xf32, #tpu.memory_space<hbm>>
          %dma_start3A_138 = tpu.memref_slice %arg13[%rem3A_120] : memref<3x!tpu.dma_semaphore, #tpu.memory_space<semaphore_mem>> -> memref<1x!tpu.dma_semaphore, #tpu.memory_space<semaphore_mem>>
          %dma_start3A_139 = tpu.memref_squeeze %dma_start3A_138 : memref<1x!tpu.dma_semaphore, #tpu.memory_space<semaphore_mem>> -> memref<!tpu.dma_semaphore, #tpu.memory_space<semaphore_mem>>
          tpu.enqueue_indirect_dma source(%dma_start3A_137 : memref<10000x128xf32, #tpu.memory_space<hbm>>) target(%dma_start3A_133 : memref<80x128xf32, #tpu.memory_space<vmem>>) offsets(%dma_start3A_134 : memref<80xi32, #tpu.memory_space<vmem>>) semaphore(%dma_start3A_139 : memref<!tpu.dma_semaphore, #tpu.memory_space<semaphore_mem>>)
        } else {
        }
      }
      %scan3A_40 = arith.constant 25 : i32
      %dma_wait3A = arith.constant 1 : i32
      %dma_wait3A_41 = arith.constant 22 : i32
      %dma_wait3A_42 = arith.constant 1 : i32
      %dma_wait3A_43 = arith.constant 0 : i32
      %dma_wait3A_44 = arith.constant 0 : i32
      %dma_wait3A_45 = tpu.memref_slice %arg11[%dma_wait3A, %dma_wait3A_43, %dma_wait3A_44] : memref<3x80x128xf32, #tpu.memory_space<vmem>> -> memref<1x80x128xf32, #tpu.memory_space<vmem>>
      %dma_wait3A_46 = tpu.memref_squeeze %dma_wait3A_45 : memref<1x80x128xf32, #tpu.memory_space<vmem>> -> memref<80x128xf32, #tpu.memory_space<vmem>>
      %dma_wait3A_47 = arith.constant 0 : i32
      %dma_wait3A_48 = tpu.memref_slice %arg9[%dma_wait3A_41, %dma_wait3A_47] : memref<25x80xi32, #tpu.memory_space<vmem>> -> memref<1x80xi32, #tpu.memory_space<vmem>>
      %dma_wait3A_49 = tpu.memref_squeeze %dma_wait3A_48 : memref<1x80xi32, #tpu.memory_space<vmem>> -> memref<80xi32, #tpu.memory_space<vmem>>
      %dma_wait3A_50 = arith.constant 0 : i32
      %dma_wait3A_51 = arith.constant 0 : i32
      %dma_wait3A_52 = tpu.memref_slice %arg12[%dma_wait3A_50, %dma_wait3A_51] : memref<10240x128xf32, #tpu.memory_space<vmem_shared>> -> memref<10240x128xf32, #tpu.memory_space<vmem_shared>>
      %dma_wait3A_53 = tpu.memref_slice %arg14[%dma_wait3A_42] : memref<3x!tpu.dma_semaphore, #tpu.memory_space<semaphore_mem>> -> memref<1x!tpu.dma_semaphore, #tpu.memory_space<semaphore_mem>>
      %dma_wait3A_54 = tpu.memref_squeeze %dma_wait3A_53 : memref<1x!tpu.dma_semaphore, #tpu.memory_space<semaphore_mem>> -> memref<!tpu.dma_semaphore, #tpu.memory_space<semaphore_mem>>
      tpu.wait_indirect_dma semaphore(%dma_wait3A_54 : memref<!tpu.dma_semaphore, #tpu.memory_space<semaphore_mem>>) src(%dma_wait3A_46 : memref<80x128xf32, #tpu.memory_space<vmem>>) dst(%dma_wait3A_52 : memref<10240x128xf32, #tpu.memory_space<vmem_shared>>)
      %dma_wait3A_55 = arith.constant 2 : i32
      %dma_wait3A_56 = arith.constant 23 : i32
      %dma_wait3A_57 = arith.constant 2 : i32
      %dma_wait3A_58 = arith.constant 0 : i32
      %dma_wait3A_59 = arith.constant 0 : i32
      %dma_wait3A_60 = tpu.memref_slice %arg11[%dma_wait3A_55, %dma_wait3A_58, %dma_wait3A_59] : memref<3x80x128xf32, #tpu.memory_space<vmem>> -> memref<1x80x128xf32, #tpu.memory_space<vmem>>
      %dma_wait3A_61 = tpu.memref_squeeze %dma_wait3A_60 : memref<1x80x128xf32, #tpu.memory_space<vmem>> -> memref<80x128xf32, #tpu.memory_space<vmem>>
      %dma_wait3A_62 = arith.constant 0 : i32
      %dma_wait3A_63 = tpu.memref_slice %arg9[%dma_wait3A_56, %dma_wait3A_62] : memref<25x80xi32, #tpu.memory_space<vmem>> -> memref<1x80xi32, #tpu.memory_space<vmem>>
      %dma_wait3A_64 = tpu.memref_squeeze %dma_wait3A_63 : memref<1x80xi32, #tpu.memory_space<vmem>> -> memref<80xi32, #tpu.memory_space<vmem>>
      %dma_wait3A_65 = arith.constant 0 : i32
      %dma_wait3A_66 = arith.constant 0 : i32
      %dma_wait3A_67 = tpu.memref_slice %arg12[%dma_wait3A_65, %dma_wait3A_66] : memref<10240x128xf32, #tpu.memory_space<vmem_shared>> -> memref<10240x128xf32, #tpu.memory_space<vmem_shared>>
      %dma_wait3A_68 = tpu.memref_slice %arg14[%dma_wait3A_57] : memref<3x!tpu.dma_semaphore, #tpu.memory_space<semaphore_mem>> -> memref<1x!tpu.dma_semaphore, #tpu.memory_space<semaphore_mem>>
      %dma_wait3A_69 = tpu.memref_squeeze %dma_wait3A_68 : memref<1x!tpu.dma_semaphore, #tpu.memory_space<semaphore_mem>> -> memref<!tpu.dma_semaphore, #tpu.memory_space<semaphore_mem>>
      tpu.wait_indirect_dma semaphore(%dma_wait3A_69 : memref<!tpu.dma_semaphore, #tpu.memory_space<semaphore_mem>>) src(%dma_wait3A_61 : memref<80x128xf32, #tpu.memory_space<vmem>>) dst(%dma_wait3A_67 : memref<10240x128xf32, #tpu.memory_space<vmem_shared>>)
      %dma_wait3A_70 = arith.constant 0 : i32
      %dma_wait3A_71 = arith.constant 24 : i32
      %dma_wait3A_72 = arith.constant 0 : i32
      %dma_wait3A_73 = arith.constant 0 : i32
      %dma_wait3A_74 = arith.constant 0 : i32
      %dma_wait3A_75 = tpu.memref_slice %arg11[%dma_wait3A_70, %dma_wait3A_73, %dma_wait3A_74] : memref<3x80x128xf32, #tpu.memory_space<vmem>> -> memref<1x80x128xf32, #tpu.memory_space<vmem>>
      %dma_wait3A_76 = tpu.memref_squeeze %dma_wait3A_75 : memref<1x80x128xf32, #tpu.memory_space<vmem>> -> memref<80x128xf32, #tpu.memory_space<vmem>>
      %dma_wait3A_77 = arith.constant 0 : i32
      %dma_wait3A_78 = tpu.memref_slice %arg9[%dma_wait3A_71, %dma_wait3A_77] : memref<25x80xi32, #tpu.memory_space<vmem>> -> memref<1x80xi32, #tpu.memory_space<vmem>>
      %dma_wait3A_79 = tpu.memref_squeeze %dma_wait3A_78 : memref<1x80xi32, #tpu.memory_space<vmem>> -> memref<80xi32, #tpu.memory_space<vmem>>
      %dma_wait3A_80 = arith.constant 0 : i32
      %dma_wait3A_81 = arith.constant 0 : i32
      %dma_wait3A_82 = tpu.memref_slice %arg12[%dma_wait3A_80, %dma_wait3A_81] : memref<10240x128xf32, #tpu.memory_space<vmem_shared>> -> memref<10240x128xf32, #tpu.memory_space<vmem_shared>>
      %dma_wait3A_83 = tpu.memref_slice %arg14[%dma_wait3A_72] : memref<3x!tpu.dma_semaphore, #tpu.memory_space<semaphore_mem>> -> memref<1x!tpu.dma_semaphore, #tpu.memory_space<semaphore_mem>>
      %dma_wait3A_84 = tpu.memref_squeeze %dma_wait3A_83 : memref<1x!tpu.dma_semaphore, #tpu.memory_space<semaphore_mem>> -> memref<!tpu.dma_semaphore, #tpu.memory_space<semaphore_mem>>
      tpu.wait_indirect_dma semaphore(%dma_wait3A_84 : memref<!tpu.dma_semaphore, #tpu.memory_space<semaphore_mem>>) src(%dma_wait3A_76 : memref<80x128xf32, #tpu.memory_space<vmem>>) dst(%dma_wait3A_82 : memref<10240x128xf32, #tpu.memory_space<vmem_shared>>)
    }
    %scan3A_5 = arith.constant 5 : i32
    %barrier3A_6 = arith.constant 0 : index
    tpu.barrier barrier_id(%barrier3A_6)
    "tpu.region"() ({
      %run_scoped3A = tpu.sem_alloc : memref<!tpu.dma_semaphore, #tpu.memory_space<semaphore_mem>>
      %dma_start3A = arith.constant 0 : i32
      %dma_start3A_7 = tpu.memref_slice %arg7[%arg0, %multiple_of3A, %dma_start3A] : memref<2x10240x128xf32, #tpu.memory_space<hbm>> -> memref<1x640x128xf32, #tpu.memory_space<hbm>>
      %dma_start3A_8 = tpu.memref_squeeze %dma_start3A_7 : memref<1x640x128xf32, #tpu.memory_space<hbm>> -> memref<640x128xf32, #tpu.memory_space<hbm>>
      %dma_start3A_9 = arith.constant 0 : i32
      %dma_start3A_10 = tpu.memref_slice %arg12[%multiple_of3A, %dma_start3A_9] : memref<10240x128xf32, #tpu.memory_space<vmem_shared>> -> memref<640x128xf32, #tpu.memory_space<vmem_shared>>
      tpu.enqueue_dma source(%dma_start3A_10 : memref<640x128xf32, #tpu.memory_space<vmem_shared>>) target(%dma_start3A_8 : memref<640x128xf32, #tpu.memory_space<hbm>>) target_semaphore(%run_scoped3A : memref<!tpu.dma_semaphore, #tpu.memory_space<semaphore_mem>>)
      %dma_wait3A = arith.constant 0 : i32
      %dma_wait3A_11 = tpu.memref_slice %arg7[%arg0, %multiple_of3A, %dma_wait3A] : memref<2x10240x128xf32, #tpu.memory_space<hbm>> -> memref<1x640x128xf32, #tpu.memory_space<hbm>>
      %dma_wait3A_12 = tpu.memref_squeeze %dma_wait3A_11 : memref<1x640x128xf32, #tpu.memory_space<hbm>> -> memref<640x128xf32, #tpu.memory_space<hbm>>
      %dma_wait3A_13 = arith.constant 0 : i32
      %dma_wait3A_14 = tpu.memref_slice %arg12[%multiple_of3A, %dma_wait3A_13] : memref<10240x128xf32, #tpu.memory_space<vmem_shared>> -> memref<640x128xf32, #tpu.memory_space<vmem_shared>>
      tpu.wait_dma2 semaphore(%run_scoped3A : memref<!tpu.dma_semaphore, #tpu.memory_space<semaphore_mem>>) src(%dma_wait3A_14 : memref<640x128xf32, #tpu.memory_space<vmem_shared>>) dst(%dma_wait3A_12 : memref<640x128xf32, #tpu.memory_space<hbm>>)
      tpu.yield
    }) : () -> ()
    return
  }
}

#map = affine_map<(d0, d1) -> (0, 0)>
#map1 = affine_map<(d0, d1) -> (0, 0, 0, 0)>
#map2 = affine_map<(d0, d1) -> (0, 0, 0, 0, 0)>
#map3 = affine_map<(d0, d1) -> (0, 0, 0)>
module attributes {stable_mosaic.version = 14 : i64} {
  func.func @_agg_body(%arg0: i32, %arg1: i32, %arg2: memref<10000x128xf32, #tpu.memory_space<hbm>>, %arg3: memref<2x16x5x2000xi32, #tpu.memory_space<hbm>>, %arg4: memref<2x16x5x25x80xi32, #tpu.memory_space<hbm>>, %arg5: memref<2x16x5x2000xf32, #tpu.memory_space<hbm>>, %arg6: memref<10240x128xf32, #tpu.memory_space<hbm>>, %arg7: memref<2x10240x128xf32, #tpu.memory_space<hbm>>, %arg8: memref<2000xi32, #tpu.memory_space<vmem>>, %arg9: memref<25x80xi32, #tpu.memory_space<vmem>>, %arg10: memref<2000xf32, #tpu.memory_space<vmem>>, %arg11: memref<3x80x128xf32, #tpu.memory_space<vmem>>, %arg12: memref<10240x128xf32, #tpu.memory_space<vmem_shared>>, %arg13: memref<3x!tpu.dma_semaphore, #tpu.memory_space<semaphore_mem>>, %arg14: memref<3x!tpu.dma_semaphore, #tpu.memory_space<semaphore_mem>>) attributes {dimension_semantics = [#tpu.dimension_semantics<core_parallel>, #tpu.dimension_semantics<subcore_parallel>], iteration_bounds = array<i64: 2, 16>, scalar_prefetch = 0 : i64, scratch_operands = 7 : i64, tpu.core_type = #tpu.core_type<sc_vector_subcore>, window_params = [{transform_indices = #map}, {transform_indices = #map1}, {transform_indices = #map2}, {transform_indices = #map1}, {transform_indices = #map}, {transform_indices = #map3}]} {
    %mul3A = arith.constant 640 : i32
    %mul3A_0 = arith.muli %arg1, %mul3A : i32
    %multiple_of3A = tpu.assume_multiple %mul3A_0, 8 : i32
    "tpu.region"() ({
      %run_scoped3A = tpu.sem_alloc : memref<!tpu.dma_semaphore, #tpu.memory_space<semaphore_mem>>
      %dma_start3A = arith.constant 0 : i32
      %dma_start3A_7 = tpu.memref_slice %arg12[%multiple_of3A, %dma_start3A] : memref<10240x128xf32, #tpu.memory_space<vmem_shared>> -> memref<640x128xf32, #tpu.memory_space<vmem_shared>>
      %dma_start3A_8 = arith.constant 0 : i32
      %dma_start3A_9 = tpu.memref_slice %arg6[%multiple_of3A, %dma_start3A_8] : memref<10240x128xf32, #tpu.memory_space<hbm>> -> memref<640x128xf32, #tpu.memory_space<hbm>>
      tpu.enqueue_dma source(%dma_start3A_9 : memref<640x128xf32, #tpu.memory_space<hbm>>) target(%dma_start3A_7 : memref<640x128xf32, #tpu.memory_space<vmem_shared>>) target_semaphore(%run_scoped3A : memref<!tpu.dma_semaphore, #tpu.memory_space<semaphore_mem>>)
      %dma_wait3A = arith.constant 0 : i32
      %dma_wait3A_10 = tpu.memref_slice %arg12[%multiple_of3A, %dma_wait3A] : memref<10240x128xf32, #tpu.memory_space<vmem_shared>> -> memref<640x128xf32, #tpu.memory_space<vmem_shared>>
      %dma_wait3A_11 = arith.constant 0 : i32
      %dma_wait3A_12 = tpu.memref_slice %arg6[%multiple_of3A, %dma_wait3A_11] : memref<10240x128xf32, #tpu.memory_space<hbm>> -> memref<640x128xf32, #tpu.memory_space<hbm>>
      tpu.wait_dma2 semaphore(%run_scoped3A : memref<!tpu.dma_semaphore, #tpu.memory_space<semaphore_mem>>) src(%dma_wait3A_12 : memref<640x128xf32, #tpu.memory_space<hbm>>) dst(%dma_wait3A_10 : memref<640x128xf32, #tpu.memory_space<vmem_shared>>)
      tpu.yield
    }) : () -> ()
    %barrier3A = arith.constant 0 : index
    tpu.barrier barrier_id(%barrier3A)
    %scan3A = arith.constant 0 : i32
    %scan3A_1 = arith.constant 0 : i32
    %scan3A_2 = arith.constant 5 : i32
    %scan3A_3 = arith.addi %scan3A_1, %scan3A_2 : i32
    %scan3A_4 = arith.constant 1 : i32
    scf.for %scan3A_7 = %scan3A_1 to %scan3A_3 step %scan3A_4  : i32 {
      "tpu.region"() ({
        %run_scoped3A = tpu.sem_alloc : memref<!tpu.dma_semaphore, #tpu.memory_space<semaphore_mem>>
        %dma_start3A_85 = arith.constant 0 : i32
        %dma_start3A_86 = tpu.memref_slice %arg3[%arg0, %arg1, %scan3A_7, %dma_start3A_85] : memref<2x16x5x2000xi32, #tpu.memory_space<hbm>> -> memref<1x1x1x2000xi32, #tpu.memory_space<hbm>>
        %dma_start3A_87 = tpu.memref_squeeze %dma_start3A_86 : memref<1x1x1x2000xi32, #tpu.memory_space<hbm>> -> memref<2000xi32, #tpu.memory_space<hbm>>
        %dma_start3A_88 = arith.constant 0 : i32
        %dma_start3A_89 = tpu.memref_slice %arg3[%arg0, %arg1, %scan3A_7, %dma_start3A_88] : memref<2x16x5x2000xi32, #tpu.memory_space<hbm>> -> memref<1x1x1x2000xi32, #tpu.memory_space<hbm>>
        %dma_start3A_90 = tpu.memref_squeeze %dma_start3A_89 : memref<1x1x1x2000xi32, #tpu.memory_space<hbm>> -> memref<2000xi32, #tpu.memory_space<hbm>>
        tpu.enqueue_dma source(%dma_start3A_90 : memref<2000xi32, #tpu.memory_space<hbm>>) target(%arg8 : memref<2000xi32, #tpu.memory_space<vmem>>) target_semaphore(%run_scoped3A : memref<!tpu.dma_semaphore, #tpu.memory_space<semaphore_mem>>)
        %dma_wait3A_91 = arith.constant 0 : i32
        %dma_wait3A_92 = tpu.memref_slice %arg3[%arg0, %arg1, %scan3A_7, %dma_wait3A_91] : memref<2x16x5x2000xi32, #tpu.memory_space<hbm>> -> memref<1x1x1x2000xi32, #tpu.memory_space<hbm>>
        %dma_wait3A_93 = tpu.memref_squeeze %dma_wait3A_92 : memref<1x1x1x2000xi32, #tpu.memory_space<hbm>> -> memref<2000xi32, #tpu.memory_space<hbm>>
        %dma_wait3A_94 = arith.constant 0 : i32
        %dma_wait3A_95 = tpu.memref_slice %arg3[%arg0, %arg1, %scan3A_7, %dma_wait3A_94] : memref<2x16x5x2000xi32, #tpu.memory_space<hbm>> -> memref<1x1x1x2000xi32, #tpu.memory_space<hbm>>
        %dma_wait3A_96 = tpu.memref_squeeze %dma_wait3A_95 : memref<1x1x1x2000xi32, #tpu.memory_space<hbm>> -> memref<2000xi32, #tpu.memory_space<hbm>>
        tpu.wait_dma2 semaphore(%run_scoped3A : memref<!tpu.dma_semaphore, #tpu.memory_space<semaphore_mem>>) src(%dma_wait3A_96 : memref<2000xi32, #tpu.memory_space<hbm>>) dst(%arg8 : memref<2000xi32, #tpu.memory_space<vmem>>)
        tpu.yield
      }) : () -> ()
      "tpu.region"() ({
        %run_scoped3A = tpu.sem_alloc : memref<!tpu.dma_semaphore, #tpu.memory_space<semaphore_mem>>
        %dma_start3A_85 = arith.constant 0 : i32
        %dma_start3A_86 = arith.constant 0 : i32
        %dma_start3A_87 = tpu.memref_slice %arg4[%arg0, %arg1, %scan3A_7, %dma_start3A_85, %dma_start3A_86] : memref<2x16x5x25x80xi32, #tpu.memory_space<hbm>> -> memref<1x1x1x25x80xi32, #tpu.memory_space<hbm>>
        %dma_start3A_88 = tpu.memref_squeeze %dma_start3A_87 : memref<1x1x1x25x80xi32, #tpu.memory_space<hbm>> -> memref<25x80xi32, #tpu.memory_space<hbm>>
        %dma_start3A_89 = arith.constant 0 : i32
        %dma_start3A_90 = arith.constant 0 : i32
        %dma_start3A_91 = tpu.memref_slice %arg4[%arg0, %arg1, %scan3A_7, %dma_start3A_89, %dma_start3A_90] : memref<2x16x5x25x80xi32, #tpu.memory_space<hbm>> -> memref<1x1x1x25x80xi32, #tpu.memory_space<hbm>>
        %dma_start3A_92 = tpu.memref_squeeze %dma_start3A_91 : memref<1x1x1x25x80xi32, #tpu.memory_space<hbm>> -> memref<25x80xi32, #tpu.memory_space<hbm>>
        tpu.enqueue_dma source(%dma_start3A_92 : memref<25x80xi32, #tpu.memory_space<hbm>>) target(%arg9 : memref<25x80xi32, #tpu.memory_space<vmem>>) target_semaphore(%run_scoped3A : memref<!tpu.dma_semaphore, #tpu.memory_space<semaphore_mem>>)
        %dma_wait3A_93 = arith.constant 0 : i32
        %dma_wait3A_94 = arith.constant 0 : i32
        %dma_wait3A_95 = tpu.memref_slice %arg4[%arg0, %arg1, %scan3A_7, %dma_wait3A_93, %dma_wait3A_94] : memref<2x16x5x25x80xi32, #tpu.memory_space<hbm>> -> memref<1x1x1x25x80xi32, #tpu.memory_space<hbm>>
        %dma_wait3A_96 = tpu.memref_squeeze %dma_wait3A_95 : memref<1x1x1x25x80xi32, #tpu.memory_space<hbm>> -> memref<25x80xi32, #tpu.memory_space<hbm>>
        %dma_wait3A_97 = arith.constant 0 : i32
        %dma_wait3A_98 = arith.constant 0 : i32
        %dma_wait3A_99 = tpu.memref_slice %arg4[%arg0, %arg1, %scan3A_7, %dma_wait3A_97, %dma_wait3A_98] : memref<2x16x5x25x80xi32, #tpu.memory_space<hbm>> -> memref<1x1x1x25x80xi32, #tpu.memory_space<hbm>>
        %dma_wait3A_100 = tpu.memref_squeeze %dma_wait3A_99 : memref<1x1x1x25x80xi32, #tpu.memory_space<hbm>> -> memref<25x80xi32, #tpu.memory_space<hbm>>
        tpu.wait_dma2 semaphore(%run_scoped3A : memref<!tpu.dma_semaphore, #tpu.memory_space<semaphore_mem>>) src(%dma_wait3A_100 : memref<25x80xi32, #tpu.memory_space<hbm>>) dst(%arg9 : memref<25x80xi32, #tpu.memory_space<vmem>>)
        tpu.yield
      }) : () -> ()
      "tpu.region"() ({
        %run_scoped3A = tpu.sem_alloc : memref<!tpu.dma_semaphore, #tpu.memory_space<semaphore_mem>>
        %dma_start3A_85 = arith.constant 0 : i32
        %dma_start3A_86 = tpu.memref_slice %arg5[%arg0, %arg1, %scan3A_7, %dma_start3A_85] : memref<2x16x5x2000xf32, #tpu.memory_space<hbm>> -> memref<1x1x1x2000xf32, #tpu.memory_space<hbm>>
        %dma_start3A_87 = tpu.memref_squeeze %dma_start3A_86 : memref<1x1x1x2000xf32, #tpu.memory_space<hbm>> -> memref<2000xf32, #tpu.memory_space<hbm>>
        %dma_start3A_88 = arith.constant 0 : i32
        %dma_start3A_89 = tpu.memref_slice %arg5[%arg0, %arg1, %scan3A_7, %dma_start3A_88] : memref<2x16x5x2000xf32, #tpu.memory_space<hbm>> -> memref<1x1x1x2000xf32, #tpu.memory_space<hbm>>
        %dma_start3A_90 = tpu.memref_squeeze %dma_start3A_89 : memref<1x1x1x2000xf32, #tpu.memory_space<hbm>> -> memref<2000xf32, #tpu.memory_space<hbm>>
        tpu.enqueue_dma source(%dma_start3A_90 : memref<2000xf32, #tpu.memory_space<hbm>>) target(%arg10 : memref<2000xf32, #tpu.memory_space<vmem>>) target_semaphore(%run_scoped3A : memref<!tpu.dma_semaphore, #tpu.memory_space<semaphore_mem>>)
        %dma_wait3A_91 = arith.constant 0 : i32
        %dma_wait3A_92 = tpu.memref_slice %arg5[%arg0, %arg1, %scan3A_7, %dma_wait3A_91] : memref<2x16x5x2000xf32, #tpu.memory_space<hbm>> -> memref<1x1x1x2000xf32, #tpu.memory_space<hbm>>
        %dma_wait3A_93 = tpu.memref_squeeze %dma_wait3A_92 : memref<1x1x1x2000xf32, #tpu.memory_space<hbm>> -> memref<2000xf32, #tpu.memory_space<hbm>>
        %dma_wait3A_94 = arith.constant 0 : i32
        %dma_wait3A_95 = tpu.memref_slice %arg5[%arg0, %arg1, %scan3A_7, %dma_wait3A_94] : memref<2x16x5x2000xf32, #tpu.memory_space<hbm>> -> memref<1x1x1x2000xf32, #tpu.memory_space<hbm>>
        %dma_wait3A_96 = tpu.memref_squeeze %dma_wait3A_95 : memref<1x1x1x2000xf32, #tpu.memory_space<hbm>> -> memref<2000xf32, #tpu.memory_space<hbm>>
        tpu.wait_dma2 semaphore(%run_scoped3A : memref<!tpu.dma_semaphore, #tpu.memory_space<semaphore_mem>>) src(%dma_wait3A_96 : memref<2000xf32, #tpu.memory_space<hbm>>) dst(%arg10 : memref<2000xf32, #tpu.memory_space<vmem>>)
        tpu.yield
      }) : () -> ()
      %multiple_of3A_8 = arith.constant 0 : i32
      %multiple_of3A_9 = tpu.assume_multiple %multiple_of3A_8, 8 : i32
      %dma_start3A = arith.constant 0 : i32
      %dma_start3A_10 = arith.constant 0 : i32
      %dma_start3A_11 = arith.constant 0 : i32
      %dma_start3A_12 = arith.constant 0 : i32
      %dma_start3A_13 = tpu.memref_slice %arg11[%dma_start3A, %dma_start3A_11, %dma_start3A_12] : memref<3x80x128xf32, #tpu.memory_space<vmem>> -> memref<1x80x128xf32, #tpu.memory_space<vmem>>
      %dma_start3A_14 = tpu.memref_squeeze %dma_start3A_13 : memref<1x80x128xf32, #tpu.memory_space<vmem>> -> memref<80x128xf32, #tpu.memory_space<vmem>>
      %dma_start3A_15 = tpu.memref_slice %arg8[%multiple_of3A_9] : memref<2000xi32, #tpu.memory_space<vmem>> -> memref<80xi32, #tpu.memory_space<vmem>>
      %dma_start3A_16 = arith.constant 0 : i32
      %dma_start3A_17 = arith.constant 0 : i32
      %dma_start3A_18 = tpu.memref_slice %arg2[%dma_start3A_16, %dma_start3A_17] : memref<10000x128xf32, #tpu.memory_space<hbm>> -> memref<10000x128xf32, #tpu.memory_space<hbm>>
      %dma_start3A_19 = tpu.memref_slice %arg13[%dma_start3A_10] : memref<3x!tpu.dma_semaphore, #tpu.memory_space<semaphore_mem>> -> memref<1x!tpu.dma_semaphore, #tpu.memory_space<semaphore_mem>>
      %dma_start3A_20 = tpu.memref_squeeze %dma_start3A_19 : memref<1x!tpu.dma_semaphore, #tpu.memory_space<semaphore_mem>> -> memref<!tpu.dma_semaphore, #tpu.memory_space<semaphore_mem>>
      tpu.enqueue_indirect_dma source(%dma_start3A_18 : memref<10000x128xf32, #tpu.memory_space<hbm>>) target(%dma_start3A_14 : memref<80x128xf32, #tpu.memory_space<vmem>>) offsets(%dma_start3A_15 : memref<80xi32, #tpu.memory_space<vmem>>) semaphore(%dma_start3A_20 : memref<!tpu.dma_semaphore, #tpu.memory_space<semaphore_mem>>)
      %multiple_of3A_21 = arith.constant 80 : i32
      %multiple_of3A_22 = tpu.assume_multiple %multiple_of3A_21, 8 : i32
      %dma_start3A_23 = arith.constant 1 : i32
      %dma_start3A_24 = arith.constant 1 : i32
      %dma_start3A_25 = arith.constant 0 : i32
      %dma_start3A_26 = arith.constant 0 : i32
      %dma_start3A_27 = tpu.memref_slice %arg11[%dma_start3A_23, %dma_start3A_25, %dma_start3A_26] : memref<3x80x128xf32, #tpu.memory_space<vmem>> -> memref<1x80x128xf32, #tpu.memory_space<vmem>>
      %dma_start3A_28 = tpu.memref_squeeze %dma_start3A_27 : memref<1x80x128xf32, #tpu.memory_space<vmem>> -> memref<80x128xf32, #tpu.memory_space<vmem>>
      %dma_start3A_29 = tpu.memref_slice %arg8[%multiple_of3A_22] : memref<2000xi32, #tpu.memory_space<vmem>> -> memref<80xi32, #tpu.memory_space<vmem>>
      %dma_start3A_30 = arith.constant 0 : i32
      %dma_start3A_31 = arith.constant 0 : i32
      %dma_start3A_32 = tpu.memref_slice %arg2[%dma_start3A_30, %dma_start3A_31] : memref<10000x128xf32, #tpu.memory_space<hbm>> -> memref<10000x128xf32, #tpu.memory_space<hbm>>
      %dma_start3A_33 = tpu.memref_slice %arg13[%dma_start3A_24] : memref<3x!tpu.dma_semaphore, #tpu.memory_space<semaphore_mem>> -> memref<1x!tpu.dma_semaphore, #tpu.memory_space<semaphore_mem>>
      %dma_start3A_34 = tpu.memref_squeeze %dma_start3A_33 : memref<1x!tpu.dma_semaphore, #tpu.memory_space<semaphore_mem>> -> memref<!tpu.dma_semaphore, #tpu.memory_space<semaphore_mem>>
      tpu.enqueue_indirect_dma source(%dma_start3A_32 : memref<10000x128xf32, #tpu.memory_space<hbm>>) target(%dma_start3A_28 : memref<80x128xf32, #tpu.memory_space<vmem>>) offsets(%dma_start3A_29 : memref<80xi32, #tpu.memory_space<vmem>>) semaphore(%dma_start3A_34 : memref<!tpu.dma_semaphore, #tpu.memory_space<semaphore_mem>>)
      %scan3A_35 = arith.constant 0 : i32
      %scan3A_36 = arith.constant 0 : i32
      %scan3A_37 = arith.constant 25 : i32
      %scan3A_38 = arith.addi %scan3A_36, %scan3A_37 : i32
      %scan3A_39 = arith.constant 1 : i32
      scf.for %scan3A_85 = %scan3A_36 to %scan3A_38 step %scan3A_39  : i32 {
        %rem3A = arith.constant 3 : i32
        %rem3A_86 = arith.remsi %scan3A_85, %rem3A : i32
        %mul3A_87 = arith.constant 80 : i32
        %mul3A_88 = arith.muli %scan3A_85, %mul3A_87 : i32
        %multiple_of3A_89 = tpu.assume_multiple %mul3A_88, 8 : i32
        %dma_wait3A_90 = arith.constant 0 : i32
        %dma_wait3A_91 = arith.constant 0 : i32
        %dma_wait3A_92 = tpu.memref_slice %arg11[%rem3A_86, %dma_wait3A_90, %dma_wait3A_91] : memref<3x80x128xf32, #tpu.memory_space<vmem>> -> memref<1x80x128xf32, #tpu.memory_space<vmem>>
        %dma_wait3A_93 = tpu.memref_squeeze %dma_wait3A_92 : memref<1x80x128xf32, #tpu.memory_space<vmem>> -> memref<80x128xf32, #tpu.memory_space<vmem>>
        %dma_wait3A_94 = tpu.memref_slice %arg8[%multiple_of3A_89] : memref<2000xi32, #tpu.memory_space<vmem>> -> memref<80xi32, #tpu.memory_space<vmem>>
        %dma_wait3A_95 = arith.constant 0 : i32
        %dma_wait3A_96 = arith.constant 0 : i32
        %dma_wait3A_97 = tpu.memref_slice %arg2[%dma_wait3A_95, %dma_wait3A_96] : memref<10000x128xf32, #tpu.memory_space<hbm>> -> memref<10000x128xf32, #tpu.memory_space<hbm>>
        %dma_wait3A_98 = tpu.memref_slice %arg13[%rem3A_86] : memref<3x!tpu.dma_semaphore, #tpu.memory_space<semaphore_mem>> -> memref<1x!tpu.dma_semaphore, #tpu.memory_space<semaphore_mem>>
        %dma_wait3A_99 = tpu.memref_squeeze %dma_wait3A_98 : memref<1x!tpu.dma_semaphore, #tpu.memory_space<semaphore_mem>> -> memref<!tpu.dma_semaphore, #tpu.memory_space<semaphore_mem>>
        tpu.wait_indirect_dma semaphore(%dma_wait3A_99 : memref<!tpu.dma_semaphore, #tpu.memory_space<semaphore_mem>>) src(%dma_wait3A_97 : memref<10000x128xf32, #tpu.memory_space<hbm>>) dst(%dma_wait3A_93 : memref<80x128xf32, #tpu.memory_space<vmem>>)
        %parallel_loop3A = arith.constant 0 : i32
        %parallel_loop3A_100 = arith.constant 80 : i32
        %parallel_loop3A_101 = arith.constant 1 : i32
        scf.for %parallel_loop3A_117 = %parallel_loop3A to %parallel_loop3A_100 step %parallel_loop3A_101  : i32 {
          %parallel_loop3A_118 = arith.constant 80 : i32
          %parallel_loop3A_119 = arith.muli %scan3A_85, %parallel_loop3A_118 : i32
          %parallel_loop3A_120 = arith.addi %parallel_loop3A_119, %parallel_loop3A_117 : i32
          %parallel_loop3A_121 = vector.broadcast %parallel_loop3A_120 : i32 to vector<16xi32>
          %parallel_loop3A_122 = tpu.vector_load_idx %arg10[%parallel_loop3A_121] : memref<2000xf32, #tpu.memory_space<vmem>>[vector<16xi32>], vector<16xf32>,
          %parallel_loop3A_123 = arith.index_cast %rem3A_86 : i32 to index
          %parallel_loop3A_124 = arith.index_cast %parallel_loop3A_117 : i32 to index
          %parallel_loop3A_125 = arith.constant 0 : index
          %parallel_loop3A_126 = tpu.vector_load %arg11[%parallel_loop3A_123, %parallel_loop3A_124, %parallel_loop3A_125] {strides = array<i32>} : memref<3x80x128xf32, #tpu.memory_space<vmem>>, vector<16xf32>,
          %parallel_loop3A_127 = arith.mulf %parallel_loop3A_126, %parallel_loop3A_122 : vector<16xf32>
          %parallel_loop3A_128 = arith.index_cast %rem3A_86 : i32 to index
          %parallel_loop3A_129 = arith.index_cast %parallel_loop3A_117 : i32 to index
          %parallel_loop3A_130 = arith.constant 0 : index
          %parallel_loop3A_131 = tpu.vector_load %arg11[%parallel_loop3A_128, %parallel_loop3A_129, %parallel_loop3A_130] {strides = array<i32>} : memref<3x80x128xf32, #tpu.memory_space<vmem>>, vector<16xf32>,
          tpu.vector_store %arg11[%parallel_loop3A_128, %parallel_loop3A_129, %parallel_loop3A_130], %parallel_loop3A_127 {strides = array<i32>} : memref<3x80x128xf32, #tpu.memory_space<vmem>>, vector<16xf32>,
          %parallel_loop3A_132 = arith.index_cast %rem3A_86 : i32 to index
          %parallel_loop3A_133 = arith.index_cast %parallel_loop3A_117 : i32 to index
          %parallel_loop3A_134 = arith.constant 16 : index
          %parallel_loop3A_135 = tpu.vector_load %arg11[%parallel_loop3A_132, %parallel_loop3A_133, %parallel_loop3A_134] {strides = array<i32>} : memref<3x80x128xf32, #tpu.memory_space<vmem>>, vector<16xf32>,
          %parallel_loop3A_136 = arith.mulf %parallel_loop3A_135, %parallel_loop3A_122 : vector<16xf32>
          %parallel_loop3A_137 = arith.index_cast %rem3A_86 : i32 to index
          %parallel_loop3A_138 = arith.index_cast %parallel_loop3A_117 : i32 to index
          %parallel_loop3A_139 = arith.constant 16 : index
          %parallel_loop3A_140 = tpu.vector_load %arg11[%parallel_loop3A_137, %parallel_loop3A_138, %parallel_loop3A_139] {strides = array<i32>} : memref<3x80x128xf32, #tpu.memory_space<vmem>>, vector<16xf32>,
          tpu.vector_store %arg11[%parallel_loop3A_137, %parallel_loop3A_138, %parallel_loop3A_139], %parallel_loop3A_136 {strides = array<i32>} : memref<3x80x128xf32, #tpu.memory_space<vmem>>, vector<16xf32>,
          %parallel_loop3A_141 = arith.index_cast %rem3A_86 : i32 to index
          %parallel_loop3A_142 = arith.index_cast %parallel_loop3A_117 : i32 to index
          %parallel_loop3A_143 = arith.constant 32 : index
          %parallel_loop3A_144 = tpu.vector_load %arg11[%parallel_loop3A_141, %parallel_loop3A_142, %parallel_loop3A_143] {strides = array<i32>} : memref<3x80x128xf32, #tpu.memory_space<vmem>>, vector<16xf32>,
          %parallel_loop3A_145 = arith.mulf %parallel_loop3A_144, %parallel_loop3A_122 : vector<16xf32>
          %parallel_loop3A_146 = arith.index_cast %rem3A_86 : i32 to index
          %parallel_loop3A_147 = arith.index_cast %parallel_loop3A_117 : i32 to index
          %parallel_loop3A_148 = arith.constant 32 : index
          %parallel_loop3A_149 = tpu.vector_load %arg11[%parallel_loop3A_146, %parallel_loop3A_147, %parallel_loop3A_148] {strides = array<i32>} : memref<3x80x128xf32, #tpu.memory_space<vmem>>, vector<16xf32>,
          tpu.vector_store %arg11[%parallel_loop3A_146, %parallel_loop3A_147, %parallel_loop3A_148], %parallel_loop3A_145 {strides = array<i32>} : memref<3x80x128xf32, #tpu.memory_space<vmem>>, vector<16xf32>,
          %parallel_loop3A_150 = arith.index_cast %rem3A_86 : i32 to index
          %parallel_loop3A_151 = arith.index_cast %parallel_loop3A_117 : i32 to index
          %parallel_loop3A_152 = arith.constant 48 : index
          %parallel_loop3A_153 = tpu.vector_load %arg11[%parallel_loop3A_150, %parallel_loop3A_151, %parallel_loop3A_152] {strides = array<i32>} : memref<3x80x128xf32, #tpu.memory_space<vmem>>, vector<16xf32>,
          %parallel_loop3A_154 = arith.mulf %parallel_loop3A_153, %parallel_loop3A_122 : vector<16xf32>
          %parallel_loop3A_155 = arith.index_cast %rem3A_86 : i32 to index
          %parallel_loop3A_156 = arith.index_cast %parallel_loop3A_117 : i32 to index
          %parallel_loop3A_157 = arith.constant 48 : index
          %parallel_loop3A_158 = tpu.vector_load %arg11[%parallel_loop3A_155, %parallel_loop3A_156, %parallel_loop3A_157] {strides = array<i32>} : memref<3x80x128xf32, #tpu.memory_space<vmem>>, vector<16xf32>,
          tpu.vector_store %arg11[%parallel_loop3A_155, %parallel_loop3A_156, %parallel_loop3A_157], %parallel_loop3A_154 {strides = array<i32>} : memref<3x80x128xf32, #tpu.memory_space<vmem>>, vector<16xf32>,
          %parallel_loop3A_159 = arith.index_cast %rem3A_86 : i32 to index
          %parallel_loop3A_160 = arith.index_cast %parallel_loop3A_117 : i32 to index
          %parallel_loop3A_161 = arith.constant 64 : index
          %parallel_loop3A_162 = tpu.vector_load %arg11[%parallel_loop3A_159, %parallel_loop3A_160, %parallel_loop3A_161] {strides = array<i32>} : memref<3x80x128xf32, #tpu.memory_space<vmem>>, vector<16xf32>,
          %parallel_loop3A_163 = arith.mulf %parallel_loop3A_162, %parallel_loop3A_122 : vector<16xf32>
          %parallel_loop3A_164 = arith.index_cast %rem3A_86 : i32 to index
          %parallel_loop3A_165 = arith.index_cast %parallel_loop3A_117 : i32 to index
          %parallel_loop3A_166 = arith.constant 64 : index
          %parallel_loop3A_167 = tpu.vector_load %arg11[%parallel_loop3A_164, %parallel_loop3A_165, %parallel_loop3A_166] {strides = array<i32>} : memref<3x80x128xf32, #tpu.memory_space<vmem>>, vector<16xf32>,
          tpu.vector_store %arg11[%parallel_loop3A_164, %parallel_loop3A_165, %parallel_loop3A_166], %parallel_loop3A_163 {strides = array<i32>} : memref<3x80x128xf32, #tpu.memory_space<vmem>>, vector<16xf32>,
          %parallel_loop3A_168 = arith.index_cast %rem3A_86 : i32 to index
          %parallel_loop3A_169 = arith.index_cast %parallel_loop3A_117 : i32 to index
          %parallel_loop3A_170 = arith.constant 80 : index
          %parallel_loop3A_171 = tpu.vector_load %arg11[%parallel_loop3A_168, %parallel_loop3A_169, %parallel_loop3A_170] {strides = array<i32>} : memref<3x80x128xf32, #tpu.memory_space<vmem>>, vector<16xf32>,
          %parallel_loop3A_172 = arith.mulf %parallel_loop3A_171, %parallel_loop3A_122 : vector<16xf32>
          %parallel_loop3A_173 = arith.index_cast %rem3A_86 : i32 to index
          %parallel_loop3A_174 = arith.index_cast %parallel_loop3A_117 : i32 to index
          %parallel_loop3A_175 = arith.constant 80 : index
          %parallel_loop3A_176 = tpu.vector_load %arg11[%parallel_loop3A_173, %parallel_loop3A_174, %parallel_loop3A_175] {strides = array<i32>} : memref<3x80x128xf32, #tpu.memory_space<vmem>>, vector<16xf32>,
          tpu.vector_store %arg11[%parallel_loop3A_173, %parallel_loop3A_174, %parallel_loop3A_175], %parallel_loop3A_172 {strides = array<i32>} : memref<3x80x128xf32, #tpu.memory_space<vmem>>, vector<16xf32>,
          %parallel_loop3A_177 = arith.index_cast %rem3A_86 : i32 to index
          %parallel_loop3A_178 = arith.index_cast %parallel_loop3A_117 : i32 to index
          %parallel_loop3A_179 = arith.constant 96 : index
          %parallel_loop3A_180 = tpu.vector_load %arg11[%parallel_loop3A_177, %parallel_loop3A_178, %parallel_loop3A_179] {strides = array<i32>} : memref<3x80x128xf32, #tpu.memory_space<vmem>>, vector<16xf32>,
          %parallel_loop3A_181 = arith.mulf %parallel_loop3A_180, %parallel_loop3A_122 : vector<16xf32>
          %parallel_loop3A_182 = arith.index_cast %rem3A_86 : i32 to index
          %parallel_loop3A_183 = arith.index_cast %parallel_loop3A_117 : i32 to index
          %parallel_loop3A_184 = arith.constant 96 : index
          %parallel_loop3A_185 = tpu.vector_load %arg11[%parallel_loop3A_182, %parallel_loop3A_183, %parallel_loop3A_184] {strides = array<i32>} : memref<3x80x128xf32, #tpu.memory_space<vmem>>, vector<16xf32>,
          tpu.vector_store %arg11[%parallel_loop3A_182, %parallel_loop3A_183, %parallel_loop3A_184], %parallel_loop3A_181 {strides = array<i32>} : memref<3x80x128xf32, #tpu.memory_space<vmem>>, vector<16xf32>,
          %parallel_loop3A_186 = arith.index_cast %rem3A_86 : i32 to index
          %parallel_loop3A_187 = arith.index_cast %parallel_loop3A_117 : i32 to index
          %parallel_loop3A_188 = arith.constant 112 : index
          %parallel_loop3A_189 = tpu.vector_load %arg11[%parallel_loop3A_186, %parallel_loop3A_187, %parallel_loop3A_188] {strides = array<i32>} : memref<3x80x128xf32, #tpu.memory_space<vmem>>, vector<16xf32>,
          %parallel_loop3A_190 = arith.mulf %parallel_loop3A_189, %parallel_loop3A_122 : vector<16xf32>
          %parallel_loop3A_191 = arith.index_cast %rem3A_86 : i32 to index
          %parallel_loop3A_192 = arith.index_cast %parallel_loop3A_117 : i32 to index
          %parallel_loop3A_193 = arith.constant 112 : index
          %parallel_loop3A_194 = tpu.vector_load %arg11[%parallel_loop3A_191, %parallel_loop3A_192, %parallel_loop3A_193] {strides = array<i32>} : memref<3x80x128xf32, #tpu.memory_space<vmem>>, vector<16xf32>,
          tpu.vector_store %arg11[%parallel_loop3A_191, %parallel_loop3A_192, %parallel_loop3A_193], %parallel_loop3A_190 {strides = array<i32>} : memref<3x80x128xf32, #tpu.memory_space<vmem>>, vector<16xf32>,
        } {sc.loop_unroll_factor = 4 : i64, sc.parallel_access}
        %dma_start3A_102 = arith.constant 0 : i32
        %dma_start3A_103 = arith.constant 0 : i32
        %dma_start3A_104 = tpu.memref_slice %arg11[%rem3A_86, %dma_start3A_102, %dma_start3A_103] : memref<3x80x128xf32, #tpu.memory_space<vmem>> -> memref<1x80x128xf32, #tpu.memory_space<vmem>>
        %dma_start3A_105 = tpu.memref_squeeze %dma_start3A_104 : memref<1x80x128xf32, #tpu.memory_space<vmem>> -> memref<80x128xf32, #tpu.memory_space<vmem>>
        %dma_start3A_106 = arith.constant 0 : i32
        %dma_start3A_107 = tpu.memref_slice %arg9[%scan3A_85, %dma_start3A_106] : memref<25x80xi32, #tpu.memory_space<vmem>> -> memref<1x80xi32, #tpu.memory_space<vmem>>
        %dma_start3A_108 = tpu.memref_squeeze %dma_start3A_107 : memref<1x80xi32, #tpu.memory_space<vmem>> -> memref<80xi32, #tpu.memory_space<vmem>>
        %dma_start3A_109 = arith.constant 0 : i32
        %dma_start3A_110 = arith.constant 0 : i32
        %dma_start3A_111 = tpu.memref_slice %arg12[%dma_start3A_109, %dma_start3A_110] : memref<10240x128xf32, #tpu.memory_space<vmem_shared>> -> memref<10240x128xf32, #tpu.memory_space<vmem_shared>>
        %dma_start3A_112 = tpu.memref_slice %arg14[%rem3A_86] : memref<3x!tpu.dma_semaphore, #tpu.memory_space<semaphore_mem>> -> memref<1x!tpu.dma_semaphore, #tpu.memory_space<semaphore_mem>>
        %dma_start3A_113 = tpu.memref_squeeze %dma_start3A_112 : memref<1x!tpu.dma_semaphore, #tpu.memory_space<semaphore_mem>> -> memref<!tpu.dma_semaphore, #tpu.memory_space<semaphore_mem>>
        tpu.enqueue_indirect_dma source(%dma_start3A_105 : memref<80x128xf32, #tpu.memory_space<vmem>>) target(%dma_start3A_111 : memref<10240x128xf32, #tpu.memory_space<vmem_shared>>) offsets(%dma_start3A_108 : memref<80xi32, #tpu.memory_space<vmem>>) semaphore(%dma_start3A_113 : memref<!tpu.dma_semaphore, #tpu.memory_space<semaphore_mem>>) {add = true}
        %add3A = arith.constant 2 : i32
        %add3A_114 = arith.addi %scan3A_85, %add3A : i32
        %lt3A = arith.constant 25 : i32
        %lt3A_115 = arith.cmpi slt, %add3A_114, %lt3A : i32
        %convert_element_type3A = arith.extui %lt3A_115 : i1 to i32
        %cond3A = arith.constant 0 : i32
        %cond3A_116 = arith.cmpi ne, %convert_element_type3A, %cond3A : i32
        scf.if %cond3A_116 {
          %add3A_117 = arith.constant 2 : i32
          %add3A_118 = arith.addi %scan3A_85, %add3A_117 : i32
          %rem3A_119 = arith.constant 3 : i32
          %rem3A_120 = arith.remsi %add3A_118, %rem3A_119 : i32
          %gt3A = arith.constant 0 : i32
          %gt3A_121 = arith.cmpi sgt, %scan3A_85, %gt3A : i32
          %convert_element_type3A_122 = arith.extui %gt3A_121 : i1 to i32
          %cond3A_123 = arith.constant 0 : i32
          %cond3A_124 = arith.cmpi ne, %convert_element_type3A_122, %cond3A_123 : i32
          scf.if %cond3A_124 {
            %sub3A = arith.constant 1 : i32
            %sub3A_140 = arith.subi %scan3A_85, %sub3A : i32
            %dma_wait3A_141 = arith.constant 0 : i32
            %dma_wait3A_142 = arith.constant 0 : i32
            %dma_wait3A_143 = tpu.memref_slice %arg11[%rem3A_120, %dma_wait3A_141, %dma_wait3A_142] : memref<3x80x128xf32, #tpu.memory_space<vmem>> -> memref<1x80x128xf32, #tpu.memory_space<vmem>>
            %dma_wait3A_144 = tpu.memref_squeeze %dma_wait3A_143 : memref<1x80x128xf32, #tpu.memory_space<vmem>> -> memref<80x128xf32, #tpu.memory_space<vmem>>
            %dma_wait3A_145 = arith.constant 0 : i32
            %dma_wait3A_146 = tpu.memref_slice %arg9[%sub3A_140, %dma_wait3A_145] : memref<25x80xi32, #tpu.memory_space<vmem>> -> memref<1x80xi32, #tpu.memory_space<vmem>>
            %dma_wait3A_147 = tpu.memref_squeeze %dma_wait3A_146 : memref<1x80xi32, #tpu.memory_space<vmem>> -> memref<80xi32, #tpu.memory_space<vmem>>
            %dma_wait3A_148 = arith.constant 0 : i32
            %dma_wait3A_149 = arith.constant 0 : i32
            %dma_wait3A_150 = tpu.memref_slice %arg12[%dma_wait3A_148, %dma_wait3A_149] : memref<10240x128xf32, #tpu.memory_space<vmem_shared>> -> memref<10240x128xf32, #tpu.memory_space<vmem_shared>>
            %dma_wait3A_151 = tpu.memref_slice %arg14[%rem3A_120] : memref<3x!tpu.dma_semaphore, #tpu.memory_space<semaphore_mem>> -> memref<1x!tpu.dma_semaphore, #tpu.memory_space<semaphore_mem>>
            %dma_wait3A_152 = tpu.memref_squeeze %dma_wait3A_151 : memref<1x!tpu.dma_semaphore, #tpu.memory_space<semaphore_mem>> -> memref<!tpu.dma_semaphore, #tpu.memory_space<semaphore_mem>>
            tpu.wait_indirect_dma semaphore(%dma_wait3A_152 : memref<!tpu.dma_semaphore, #tpu.memory_space<semaphore_mem>>) src(%dma_wait3A_144 : memref<80x128xf32, #tpu.memory_space<vmem>>) dst(%dma_wait3A_150 : memref<10240x128xf32, #tpu.memory_space<vmem_shared>>)
          } else {
          }
          %add3A_125 = arith.constant 2 : i32
          %add3A_126 = arith.addi %scan3A_85, %add3A_125 : i32
          %mul3A_127 = arith.constant 80 : i32
          %mul3A_128 = arith.muli %add3A_126, %mul3A_127 : i32
          %multiple_of3A_129 = tpu.assume_multiple %mul3A_128, 8 : i32
          %dma_start3A_130 = arith.constant 0 : i32
          %dma_start3A_131 = arith.constant 0 : i32
          %dma_start3A_132 = tpu.memref_slice %arg11[%rem3A_120, %dma_start3A_130, %dma_start3A_131] : memref<3x80x128xf32, #tpu.memory_space<vmem>> -> memref<1x80x128xf32, #tpu.memory_space<vmem>>
          %dma_start3A_133 = tpu.memref_squeeze %dma_start3A_132 : memref<1x80x128xf32, #tpu.memory_space<vmem>> -> memref<80x128xf32, #tpu.memory_space<vmem>>
          %dma_start3A_134 = tpu.memref_slice %arg8[%multiple_of3A_129] : memref<2000xi32, #tpu.memory_space<vmem>> -> memref<80xi32, #tpu.memory_space<vmem>>
          %dma_start3A_135 = arith.constant 0 : i32
          %dma_start3A_136 = arith.constant 0 : i32
          %dma_start3A_137 = tpu.memref_slice %arg2[%dma_start3A_135, %dma_start3A_136] : memref<10000x128xf32, #tpu.memory_space<hbm>> -> memref<10000x128xf32, #tpu.memory_space<hbm>>
          %dma_start3A_138 = tpu.memref_slice %arg13[%rem3A_120] : memref<3x!tpu.dma_semaphore, #tpu.memory_space<semaphore_mem>> -> memref<1x!tpu.dma_semaphore, #tpu.memory_space<semaphore_mem>>
          %dma_start3A_139 = tpu.memref_squeeze %dma_start3A_138 : memref<1x!tpu.dma_semaphore, #tpu.memory_space<semaphore_mem>> -> memref<!tpu.dma_semaphore, #tpu.memory_space<semaphore_mem>>
          tpu.enqueue_indirect_dma source(%dma_start3A_137 : memref<10000x128xf32, #tpu.memory_space<hbm>>) target(%dma_start3A_133 : memref<80x128xf32, #tpu.memory_space<vmem>>) offsets(%dma_start3A_134 : memref<80xi32, #tpu.memory_space<vmem>>) semaphore(%dma_start3A_139 : memref<!tpu.dma_semaphore, #tpu.memory_space<semaphore_mem>>)
        } else {
        }
      }
      %scan3A_40 = arith.constant 25 : i32
      %dma_wait3A = arith.constant 1 : i32
      %dma_wait3A_41 = arith.constant 22 : i32
      %dma_wait3A_42 = arith.constant 1 : i32
      %dma_wait3A_43 = arith.constant 0 : i32
      %dma_wait3A_44 = arith.constant 0 : i32
      %dma_wait3A_45 = tpu.memref_slice %arg11[%dma_wait3A, %dma_wait3A_43, %dma_wait3A_44] : memref<3x80x128xf32, #tpu.memory_space<vmem>> -> memref<1x80x128xf32, #tpu.memory_space<vmem>>
      %dma_wait3A_46 = tpu.memref_squeeze %dma_wait3A_45 : memref<1x80x128xf32, #tpu.memory_space<vmem>> -> memref<80x128xf32, #tpu.memory_space<vmem>>
      %dma_wait3A_47 = arith.constant 0 : i32
      %dma_wait3A_48 = tpu.memref_slice %arg9[%dma_wait3A_41, %dma_wait3A_47] : memref<25x80xi32, #tpu.memory_space<vmem>> -> memref<1x80xi32, #tpu.memory_space<vmem>>
      %dma_wait3A_49 = tpu.memref_squeeze %dma_wait3A_48 : memref<1x80xi32, #tpu.memory_space<vmem>> -> memref<80xi32, #tpu.memory_space<vmem>>
      %dma_wait3A_50 = arith.constant 0 : i32
      %dma_wait3A_51 = arith.constant 0 : i32
      %dma_wait3A_52 = tpu.memref_slice %arg12[%dma_wait3A_50, %dma_wait3A_51] : memref<10240x128xf32, #tpu.memory_space<vmem_shared>> -> memref<10240x128xf32, #tpu.memory_space<vmem_shared>>
      %dma_wait3A_53 = tpu.memref_slice %arg14[%dma_wait3A_42] : memref<3x!tpu.dma_semaphore, #tpu.memory_space<semaphore_mem>> -> memref<1x!tpu.dma_semaphore, #tpu.memory_space<semaphore_mem>>
      %dma_wait3A_54 = tpu.memref_squeeze %dma_wait3A_53 : memref<1x!tpu.dma_semaphore, #tpu.memory_space<semaphore_mem>> -> memref<!tpu.dma_semaphore, #tpu.memory_space<semaphore_mem>>
      tpu.wait_indirect_dma semaphore(%dma_wait3A_54 : memref<!tpu.dma_semaphore, #tpu.memory_space<semaphore_mem>>) src(%dma_wait3A_46 : memref<80x128xf32, #tpu.memory_space<vmem>>) dst(%dma_wait3A_52 : memref<10240x128xf32, #tpu.memory_space<vmem_shared>>)
      %dma_wait3A_55 = arith.constant 2 : i32
      %dma_wait3A_56 = arith.constant 23 : i32
      %dma_wait3A_57 = arith.constant 2 : i32
      %dma_wait3A_58 = arith.constant 0 : i32
      %dma_wait3A_59 = arith.constant 0 : i32
      %dma_wait3A_60 = tpu.memref_slice %arg11[%dma_wait3A_55, %dma_wait3A_58, %dma_wait3A_59] : memref<3x80x128xf32, #tpu.memory_space<vmem>> -> memref<1x80x128xf32, #tpu.memory_space<vmem>>
      %dma_wait3A_61 = tpu.memref_squeeze %dma_wait3A_60 : memref<1x80x128xf32, #tpu.memory_space<vmem>> -> memref<80x128xf32, #tpu.memory_space<vmem>>
      %dma_wait3A_62 = arith.constant 0 : i32
      %dma_wait3A_63 = tpu.memref_slice %arg9[%dma_wait3A_56, %dma_wait3A_62] : memref<25x80xi32, #tpu.memory_space<vmem>> -> memref<1x80xi32, #tpu.memory_space<vmem>>
      %dma_wait3A_64 = tpu.memref_squeeze %dma_wait3A_63 : memref<1x80xi32, #tpu.memory_space<vmem>> -> memref<80xi32, #tpu.memory_space<vmem>>
      %dma_wait3A_65 = arith.constant 0 : i32
      %dma_wait3A_66 = arith.constant 0 : i32
      %dma_wait3A_67 = tpu.memref_slice %arg12[%dma_wait3A_65, %dma_wait3A_66] : memref<10240x128xf32, #tpu.memory_space<vmem_shared>> -> memref<10240x128xf32, #tpu.memory_space<vmem_shared>>
      %dma_wait3A_68 = tpu.memref_slice %arg14[%dma_wait3A_57] : memref<3x!tpu.dma_semaphore, #tpu.memory_space<semaphore_mem>> -> memref<1x!tpu.dma_semaphore, #tpu.memory_space<semaphore_mem>>
      %dma_wait3A_69 = tpu.memref_squeeze %dma_wait3A_68 : memref<1x!tpu.dma_semaphore, #tpu.memory_space<semaphore_mem>> -> memref<!tpu.dma_semaphore, #tpu.memory_space<semaphore_mem>>
      tpu.wait_indirect_dma semaphore(%dma_wait3A_69 : memref<!tpu.dma_semaphore, #tpu.memory_space<semaphore_mem>>) src(%dma_wait3A_61 : memref<80x128xf32, #tpu.memory_space<vmem>>) dst(%dma_wait3A_67 : memref<10240x128xf32, #tpu.memory_space<vmem_shared>>)
      %dma_wait3A_70 = arith.constant 0 : i32
      %dma_wait3A_71 = arith.constant 24 : i32
      %dma_wait3A_72 = arith.constant 0 : i32
      %dma_wait3A_73 = arith.constant 0 : i32
      %dma_wait3A_74 = arith.constant 0 : i32
      %dma_wait3A_75 = tpu.memref_slice %arg11[%dma_wait3A_70, %dma_wait3A_73, %dma_wait3A_74] : memref<3x80x128xf32, #tpu.memory_space<vmem>> -> memref<1x80x128xf32, #tpu.memory_space<vmem>>
      %dma_wait3A_76 = tpu.memref_squeeze %dma_wait3A_75 : memref<1x80x128xf32, #tpu.memory_space<vmem>> -> memref<80x128xf32, #tpu.memory_space<vmem>>
      %dma_wait3A_77 = arith.constant 0 : i32
      %dma_wait3A_78 = tpu.memref_slice %arg9[%dma_wait3A_71, %dma_wait3A_77] : memref<25x80xi32, #tpu.memory_space<vmem>> -> memref<1x80xi32, #tpu.memory_space<vmem>>
      %dma_wait3A_79 = tpu.memref_squeeze %dma_wait3A_78 : memref<1x80xi32, #tpu.memory_space<vmem>> -> memref<80xi32, #tpu.memory_space<vmem>>
      %dma_wait3A_80 = arith.constant 0 : i32
      %dma_wait3A_81 = arith.constant 0 : i32
      %dma_wait3A_82 = tpu.memref_slice %arg12[%dma_wait3A_80, %dma_wait3A_81] : memref<10240x128xf32, #tpu.memory_space<vmem_shared>> -> memref<10240x128xf32, #tpu.memory_space<vmem_shared>>
      %dma_wait3A_83 = tpu.memref_slice %arg14[%dma_wait3A_72] : memref<3x!tpu.dma_semaphore, #tpu.memory_space<semaphore_mem>> -> memref<1x!tpu.dma_semaphore, #tpu.memory_space<semaphore_mem>>
      %dma_wait3A_84 = tpu.memref_squeeze %dma_wait3A_83 : memref<1x!tpu.dma_semaphore, #tpu.memory_space<semaphore_mem>> -> memref<!tpu.dma_semaphore, #tpu.memory_space<semaphore_mem>>
      tpu.wait_indirect_dma semaphore(%dma_wait3A_84 : memref<!tpu.dma_semaphore, #tpu.memory_space<semaphore_mem>>) src(%dma_wait3A_76 : memref<80x128xf32, #tpu.memory_space<vmem>>) dst(%dma_wait3A_82 : memref<10240x128xf32, #tpu.memory_space<vmem_shared>>)
    }
    %scan3A_5 = arith.constant 5 : i32
    %barrier3A_6 = arith.constant 0 : index
    tpu.barrier barrier_id(%barrier3A_6)
    "tpu.region"() ({
      %run_scoped3A = tpu.sem_alloc : memref<!tpu.dma_semaphore, #tpu.memory_space<semaphore_mem>>
      %dma_start3A = arith.constant 0 : i32
      %dma_start3A_7 = tpu.memref_slice %arg7[%arg0, %multiple_of3A, %dma_start3A] : memref<2x10240x128xf32, #tpu.memory_space<hbm>> -> memref<1x640x128xf32, #tpu.memory_space<hbm>>
      %dma_start3A_8 = tpu.memref_squeeze %dma_start3A_7 : memref<1x640x128xf32, #tpu.memory_space<hbm>> -> memref<640x128xf32, #tpu.memory_space<hbm>>
      %dma_start3A_9 = arith.constant 0 : i32
      %dma_start3A_10 = tpu.memref_slice %arg12[%multiple_of3A, %dma_start3A_9] : memref<10240x128xf32, #tpu.memory_space<vmem_shared>> -> memref<640x128xf32, #tpu.memory_space<vmem_shared>>
      tpu.enqueue_dma source(%dma_start3A_10 : memref<640x128xf32, #tpu.memory_space<vmem_shared>>) target(%dma_start3A_8 : memref<640x128xf32, #tpu.memory_space<hbm>>) target_semaphore(%run_scoped3A : memref<!tpu.dma_semaphore, #tpu.memory_space<semaphore_mem>>)
      %dma_wait3A = arith.constant 0 : i32
      %dma_wait3A_11 = tpu.memref_slice %arg7[%arg0, %multiple_of3A, %dma_wait3A] : memref<2x10240x128xf32, #tpu.memory_space<hbm>> -> memref<1x640x128xf32, #tpu.memory_space<hbm>>
      %dma_wait3A_12 = tpu.memref_squeeze %dma_wait3A_11 : memref<1x640x128xf32, #tpu.memory_space<hbm>> -> memref<640x128xf32, #tpu.memory_space<hbm>>
      %dma_wait3A_13 = arith.constant 0 : i32
      %dma_wait3A_14 = tpu.memref_slice %arg12[%multiple_of3A, %dma_wait3A_13] : memref<10240x128xf32, #tpu.memory_space<vmem_shared>> -> memref<640x128xf32, #tpu.memory_space<vmem_shared>>
      tpu.wait_dma2 semaphore(%run_scoped3A : memref<!tpu.dma_semaphore, #tpu.memory_space<semaphore_mem>>) src(%dma_wait3A_14 : memref<640x128xf32, #tpu.memory_space<vmem_shared>>) dst(%dma_wait3A_12 : memref<640x128xf32, #tpu.memory_space<hbm>>)
      tpu.yield
    }) : () -> ()
    return
  }
}

module attributes {stable_mosaic.version = 14 : i64} {
  func.func @_tc1_body(%arg0: i32, %arg1: memref<2000x1xf32, #tpu.memory_space<vmem>>, %arg2: memref<2000x1xf32, #tpu.memory_space<vmem>>, %arg3: memref<2000x128xf32, #tpu.memory_space<vmem>>, %arg4: memref<128x128xf32, #tpu.memory_space<vmem>>, %arg5: memref<2000x128xf32, #tpu.memory_space<vmem>>, %arg6: memref<2000x1xf32, #tpu.memory_space<vmem>>) attributes {dimension_semantics = [#tpu.dimension_semantics<arbitrary>], iteration_bounds = array<i64: 5>, scalar_prefetch = 0 : i64, scratch_operands = 0 : i64, tpu.core_type = #tpu.core_type<tc>, window_params = [{transform_indices = @transform_0, window_bounds = array<i64: 2000, 1>}, {transform_indices = @transform_1, window_bounds = array<i64: 2000, 1>}, {transform_indices = @transform_2, window_bounds = array<i64: 2000, 128>}, {pipeline_mode = #tpu.pipeline_mode<synchronous>, transform_indices = @transform_3, window_bounds = array<i64: 128, 128>}, {transform_indices = @transform_4, window_bounds = array<i64: 2000, 128>}, {transform_indices = @transform_5, window_bounds = array<i64: 2000, 1>}]} {
    %get3A = arith.constant 0 : index
    %get3A_0 = arith.constant 0 : index
    %get3A_1 = vector.load %arg1[%get3A, %get3A_0] : memref<2000x1xf32, #tpu.memory_space<vmem>>, vector<2000x1xf32>
    %get3A_2 = arith.constant 0 : index
    %get3A_3 = arith.constant 0 : index
    %get3A_4 = vector.load %arg2[%get3A_2, %get3A_3] : memref<2000x1xf32, #tpu.memory_space<vmem>>, vector<2000x1xf32>
    %add3A = arith.addf %get3A_1, %get3A_4 : vector<2000x1xf32>
    %add3A_5 = arith.constant 1.000000e+00 : f32
    %add3A_6 = vector.broadcast %add3A_5 : f32 to vector<2000x1xf32>
    %add3A_7 = arith.addf %add3A, %add3A_6 : vector<2000x1xf32>
    %gt3A = arith.constant 0.000000e+00 : f32
    %gt3A_8 = vector.broadcast %gt3A : f32 to vector<2000x1xf32>
    %gt3A_9 = arith.cmpf ogt, %add3A_7, %gt3A_8 : vector<2000x1xf32>
    %rsqrt3A = math.rsqrt %add3A_7 : vector<2000x1xf32>
    %jit3A = arith.constant 0.000000e+00 : f32
    %broadcast_in_dim3A = vector.broadcast %jit3A : f32 to vector<2000x1xf32>
    %select_n3A = arith.select %gt3A_9, %rsqrt3A, %broadcast_in_dim3A : vector<2000x1xi1>, vector<2000x1xf32>
    %get3A_10 = arith.constant 0 : index
    %get3A_11 = arith.constant 0 : index
    %get3A_12 = vector.load %arg3[%get3A_10, %get3A_11] : memref<2000x128xf32, #tpu.memory_space<vmem>>, vector<2000x128xf32>
    %get3A_13 = arith.constant 0 : index
    %get3A_14 = arith.constant 0 : index
    %get3A_15 = vector.load %arg4[%get3A_13, %get3A_14] : memref<128x128xf32, #tpu.memory_space<vmem>>, vector<128x128xf32>
    %dot_general3A = arith.constant dense<0.000000e+00> : vector<2000x128xf32>
    %dot_general3A_16 = tpu.matmul %get3A_12, %get3A_15, %dot_general3A {dimension_numbers = #tpu.dot_dimension_numbers<[1], [0], [0], [1], [0, 0, 1, 1], [], []>, transpose_lhs_hint = false} : vector<2000x128xf32>, vector<128x128xf32>, vector<2000x128xf32> -> vector<2000x128xf32>
    %mul3A = vector.broadcast %select_n3A : vector<2000x1xf32> to vector<2000x128xf32>
    %mul3A_17 = arith.mulf %mul3A, %dot_general3A_16 : vector<2000x128xf32>
    %swap3A = arith.constant 0 : index
    %swap3A_18 = arith.constant 0 : index
    %swap3A_19 = vector.load %arg5[%swap3A, %swap3A_18] : memref<2000x128xf32, #tpu.memory_space<vmem>>, vector<2000x128xf32>
    tpu.vector_store %arg5[%swap3A, %swap3A_18], %mul3A_17 {strides = array<i32>} : memref<2000x128xf32, #tpu.memory_space<vmem>>, vector<2000x128xf32>,
    %swap3A_20 = arith.constant 0 : index
    %swap3A_21 = arith.constant 0 : index
    %swap3A_22 = vector.load %arg6[%swap3A_20, %swap3A_21] : memref<2000x1xf32, #tpu.memory_space<vmem>>, vector<2000x1xf32>
    tpu.vector_store %arg6[%swap3A_20, %swap3A_21], %select_n3A {strides = array<i32>} : memref<2000x1xf32, #tpu.memory_space<vmem>>, vector<2000x1xf32>,
    return
  }
  func.func @transform_0(%arg0: i32) -> (i32, i32) {
    %c0_i32 = arith.constant 0 : i32
    %c0_i32_0 = arith.constant 0 : i32
    return %arg0, %c0_i32 : i32, i32
  }
  func.func @transform_1(%arg0: i32) -> (i32, i32) {
    %c0_i32 = arith.constant 0 : i32
    %c0_i32_0 = arith.constant 0 : i32
    return %arg0, %c0_i32 : i32, i32
  }
  func.func @transform_2(%arg0: i32) -> (i32, i32) {
    %c0_i32 = arith.constant 0 : i32
    %c0_i32_0 = arith.constant 0 : i32
    return %arg0, %c0_i32 : i32, i32
  }
  func.func @transform_3(%arg0: i32) -> (i32, i32) {
    %c0_i32 = arith.constant 0 : i32
    %c0_i32_0 = arith.constant 0 : i32
    %c0_i32_1 = arith.constant 0 : i32
    return %c0_i32, %c0_i32_0 : i32, i32
  }
  func.func @transform_4(%arg0: i32) -> (i32, i32) {
    %c0_i32 = arith.constant 0 : i32
    %c0_i32_0 = arith.constant 0 : i32
    return %arg0, %c0_i32 : i32, i32
  }
  func.func @transform_5(%arg0: i32) -> (i32, i32) {
    %c0_i32 = arith.constant 0 : i32
    %c0_i32_0 = arith.constant 0 : i32
    return %arg0, %c0_i32 : i32, i32
  }
}

module attributes {stable_mosaic.version = 14 : i64} {
  func.func @_tc2_body(%arg0: i32, %arg1: memref<2000x128xf32, #tpu.memory_space<vmem>>, %arg2: memref<2000x128xf32, #tpu.memory_space<vmem>>, %arg3: memref<2000x128xf32, #tpu.memory_space<vmem>>, %arg4: memref<2000x1xf32, #tpu.memory_space<vmem>>, %arg5: memref<1x128xf32, #tpu.memory_space<vmem>>, %arg6: memref<128x128xf32, #tpu.memory_space<vmem>>, %arg7: memref<2000x128xf32, #tpu.memory_space<vmem>>) attributes {dimension_semantics = [#tpu.dimension_semantics<arbitrary>], iteration_bounds = array<i64: 5>, scalar_prefetch = 0 : i64, scratch_operands = 0 : i64, tpu.core_type = #tpu.core_type<tc>, window_params = [{transform_indices = @transform_0, window_bounds = array<i64: 2000, 128>}, {transform_indices = @transform_1, window_bounds = array<i64: 2000, 128>}, {transform_indices = @transform_2, window_bounds = array<i64: 2000, 128>}, {transform_indices = @transform_3, window_bounds = array<i64: 2000, 1>}, {pipeline_mode = #tpu.pipeline_mode<synchronous>, transform_indices = @transform_4, window_bounds = array<i64: 1, 128>}, {pipeline_mode = #tpu.pipeline_mode<synchronous>, transform_indices = @transform_5, window_bounds = array<i64: 128, 128>}, {transform_indices = @transform_6, window_bounds = array<i64: 2000, 128>}]} {
    %get3A = arith.constant 0 : index
    %get3A_0 = arith.constant 0 : index
    %get3A_1 = vector.load %arg4[%get3A, %get3A_0] : memref<2000x1xf32, #tpu.memory_space<vmem>>, vector<2000x1xf32>
    %get3A_2 = arith.constant 0 : index
    %get3A_3 = arith.constant 0 : index
    %get3A_4 = vector.load %arg1[%get3A_2, %get3A_3] : memref<2000x128xf32, #tpu.memory_space<vmem>>, vector<2000x128xf32>
    %get3A_5 = arith.constant 0 : index
    %get3A_6 = arith.constant 0 : index
    %get3A_7 = vector.load %arg2[%get3A_5, %get3A_6] : memref<2000x128xf32, #tpu.memory_space<vmem>>, vector<2000x128xf32>
    %add3A = arith.addf %get3A_4, %get3A_7 : vector<2000x128xf32>
    %get3A_8 = arith.constant 0 : index
    %get3A_9 = arith.constant 0 : index
    %get3A_10 = vector.load %arg3[%get3A_8, %get3A_9] : memref<2000x128xf32, #tpu.memory_space<vmem>>, vector<2000x128xf32>
    %add3A_11 = arith.addf %add3A, %get3A_10 : vector<2000x128xf32>
    %mul3A = vector.broadcast %get3A_1 : vector<2000x1xf32> to vector<2000x128xf32>
    %mul3A_12 = arith.mulf %mul3A, %add3A_11 : vector<2000x128xf32>
    %get3A_13 = arith.constant 0 : index
    %get3A_14 = arith.constant 0 : index
    %get3A_15 = vector.load %arg5[%get3A_13, %get3A_14] : memref<1x128xf32, #tpu.memory_space<vmem>>, vector<1x128xf32>
    %add3A_16 = vector.broadcast %get3A_15 : vector<1x128xf32> to vector<2000x128xf32>
    %add3A_17 = arith.addf %mul3A_12, %add3A_16 : vector<2000x128xf32>
    %max3A = arith.constant 0.000000e+00 : f32
    %max3A_18 = vector.broadcast %max3A : f32 to vector<2000x128xf32>
    %max3A_19 = arith.maximumf %add3A_17, %max3A_18 : vector<2000x128xf32>
    %get3A_20 = arith.constant 0 : index
    %get3A_21 = arith.constant 0 : index
    %get3A_22 = vector.load %arg6[%get3A_20, %get3A_21] : memref<128x128xf32, #tpu.memory_space<vmem>>, vector<128x128xf32>
    %dot_general3A = arith.constant dense<0.000000e+00> : vector<2000x128xf32>
    %dot_general3A_23 = tpu.matmul %max3A_19, %get3A_22, %dot_general3A {dimension_numbers = #tpu.dot_dimension_numbers<[1], [0], [0], [1], [0, 0, 1, 1], [], []>, transpose_lhs_hint = false} : vector<2000x128xf32>, vector<128x128xf32>, vector<2000x128xf32> -> vector<2000x128xf32>
    %mul3A_24 = vector.broadcast %get3A_1 : vector<2000x1xf32> to vector<2000x128xf32>
    %mul3A_25 = arith.mulf %mul3A_24, %dot_general3A_23 : vector<2000x128xf32>
    %swap3A = arith.constant 0 : index
    %swap3A_26 = arith.constant 0 : index
    %swap3A_27 = vector.load %arg7[%swap3A, %swap3A_26] : memref<2000x128xf32, #tpu.memory_space<vmem>>, vector<2000x128xf32>
    tpu.vector_store %arg7[%swap3A, %swap3A_26], %mul3A_25 {strides = array<i32>} : memref<2000x128xf32, #tpu.memory_space<vmem>>, vector<2000x128xf32>,
    return
  }
  func.func @transform_0(%arg0: i32) -> (i32, i32) {
    %c0_i32 = arith.constant 0 : i32
    %c0_i32_0 = arith.constant 0 : i32
    return %arg0, %c0_i32 : i32, i32
  }
  func.func @transform_1(%arg0: i32) -> (i32, i32) {
    %c0_i32 = arith.constant 0 : i32
    %c0_i32_0 = arith.constant 0 : i32
    return %arg0, %c0_i32 : i32, i32
  }
  func.func @transform_2(%arg0: i32) -> (i32, i32) {
    %c0_i32 = arith.constant 0 : i32
    %c0_i32_0 = arith.constant 0 : i32
    return %arg0, %c0_i32 : i32, i32
  }
  func.func @transform_3(%arg0: i32) -> (i32, i32) {
    %c0_i32 = arith.constant 0 : i32
    %c0_i32_0 = arith.constant 0 : i32
    return %arg0, %c0_i32 : i32, i32
  }
  func.func @transform_4(%arg0: i32) -> (i32, i32) {
    %c0_i32 = arith.constant 0 : i32
    %c0_i32_0 = arith.constant 0 : i32
    %c0_i32_1 = arith.constant 0 : i32
    return %c0_i32, %c0_i32_0 : i32, i32
  }
  func.func @transform_5(%arg0: i32) -> (i32, i32) {
    %c0_i32 = arith.constant 0 : i32
    %c0_i32_0 = arith.constant 0 : i32
    %c0_i32_1 = arith.constant 0 : i32
    return %c0_i32, %c0_i32_0 : i32, i32
  }
  func.func @transform_6(%arg0: i32) -> (i32, i32) {
    %c0_i32 = arith.constant 0 : i32
    %c0_i32_0 = arith.constant 0 : i32
    return %arg0, %c0_i32 : i32, i32
  }
}

module attributes {stable_mosaic.version = 14 : i64} {
  func.func @_tc3_body(%arg0: i32, %arg1: memref<2000x128xf32, #tpu.memory_space<vmem>>, %arg2: memref<2000x128xf32, #tpu.memory_space<vmem>>, %arg3: memref<2000x128xf32, #tpu.memory_space<vmem>>, %arg4: memref<2000x1xf32, #tpu.memory_space<vmem>>, %arg5: memref<1x128xf32, #tpu.memory_space<vmem>>, %arg6: memref<1x128xf32, #tpu.memory_space<vmem>>, %arg7: memref<1x128xf32, #tpu.memory_space<vmem>>, %arg8: memref<2000x128xf32, #tpu.memory_space<vmem>>) attributes {dimension_semantics = [#tpu.dimension_semantics<arbitrary>], iteration_bounds = array<i64: 5>, scalar_prefetch = 0 : i64, scratch_operands = 0 : i64, tpu.core_type = #tpu.core_type<tc>, window_params = [{transform_indices = @transform_0, window_bounds = array<i64: 2000, 128>}, {transform_indices = @transform_1, window_bounds = array<i64: 2000, 128>}, {transform_indices = @transform_2, window_bounds = array<i64: 2000, 128>}, {transform_indices = @transform_3, window_bounds = array<i64: 2000, 1>}, {pipeline_mode = #tpu.pipeline_mode<synchronous>, transform_indices = @transform_4, window_bounds = array<i64: 1, 128>}, {pipeline_mode = #tpu.pipeline_mode<synchronous>, transform_indices = @transform_5, window_bounds = array<i64: 1, 128>}, {pipeline_mode = #tpu.pipeline_mode<synchronous>, transform_indices = @transform_6, window_bounds = array<i64: 1, 128>}, {transform_indices = @transform_7, window_bounds = array<i64: 2000, 128>}]} {
    %get3A = arith.constant 0 : index
    %get3A_0 = arith.constant 0 : index
    %get3A_1 = vector.load %arg4[%get3A, %get3A_0] : memref<2000x1xf32, #tpu.memory_space<vmem>>, vector<2000x1xf32>
    %get3A_2 = arith.constant 0 : index
    %get3A_3 = arith.constant 0 : index
    %get3A_4 = vector.load %arg1[%get3A_2, %get3A_3] : memref<2000x128xf32, #tpu.memory_space<vmem>>, vector<2000x128xf32>
    %get3A_5 = arith.constant 0 : index
    %get3A_6 = arith.constant 0 : index
    %get3A_7 = vector.load %arg2[%get3A_5, %get3A_6] : memref<2000x128xf32, #tpu.memory_space<vmem>>, vector<2000x128xf32>
    %add3A = arith.addf %get3A_4, %get3A_7 : vector<2000x128xf32>
    %get3A_8 = arith.constant 0 : index
    %get3A_9 = arith.constant 0 : index
    %get3A_10 = vector.load %arg3[%get3A_8, %get3A_9] : memref<2000x128xf32, #tpu.memory_space<vmem>>, vector<2000x128xf32>
    %add3A_11 = arith.addf %add3A, %get3A_10 : vector<2000x128xf32>
    %mul3A = vector.broadcast %get3A_1 : vector<2000x1xf32> to vector<2000x128xf32>
    %mul3A_12 = arith.mulf %mul3A, %add3A_11 : vector<2000x128xf32>
    %get3A_13 = arith.constant 0 : index
    %get3A_14 = arith.constant 0 : index
    %get3A_15 = vector.load %arg5[%get3A_13, %get3A_14] : memref<1x128xf32, #tpu.memory_space<vmem>>, vector<1x128xf32>
    %add3A_16 = vector.broadcast %get3A_15 : vector<1x128xf32> to vector<2000x128xf32>
    %add3A_17 = arith.addf %mul3A_12, %add3A_16 : vector<2000x128xf32>
    %reduce_sum3A = arith.constant dense<0.000000e+00> : vector<2000xf32>
    %reduce_sum3A_18 = vector.multi_reduction <add>, %add3A_17, %reduce_sum3A [1] : vector<2000x128xf32> to vector<2000xf32>
    %broadcast_in_dim3A = vector.shape_cast %reduce_sum3A_18 : vector<2000xf32> to vector<2000x1xf32>
    %div3A = arith.constant 1.280000e+02 : f32
    %div3A_19 = vector.broadcast %div3A : f32 to vector<2000x1xf32>
    %div3A_20 = arith.divf %broadcast_in_dim3A, %div3A_19 : vector<2000x1xf32>
    %sub3A = vector.broadcast %div3A_20 : vector<2000x1xf32> to vector<2000x128xf32>
    %sub3A_21 = arith.subf %add3A_17, %sub3A : vector<2000x128xf32>
    %integer_pow3A = arith.mulf %sub3A_21, %sub3A_21 : vector<2000x128xf32>
    %reduce_sum3A_22 = arith.constant dense<0.000000e+00> : vector<2000xf32>
    %reduce_sum3A_23 = vector.multi_reduction <add>, %integer_pow3A, %reduce_sum3A_22 [1] : vector<2000x128xf32> to vector<2000xf32>
    %broadcast_in_dim3A_24 = vector.shape_cast %reduce_sum3A_23 : vector<2000xf32> to vector<2000x1xf32>
    %div3A_25 = arith.constant 1.280000e+02 : f32
    %div3A_26 = vector.broadcast %div3A_25 : f32 to vector<2000x1xf32>
    %div3A_27 = arith.divf %broadcast_in_dim3A_24, %div3A_26 : vector<2000x1xf32>
    %sub3A_28 = vector.broadcast %div3A_20 : vector<2000x1xf32> to vector<2000x128xf32>
    %sub3A_29 = arith.subf %add3A_17, %sub3A_28 : vector<2000x128xf32>
    %add3A_30 = arith.constant 9.99999974E-6 : f32
    %add3A_31 = vector.broadcast %add3A_30 : f32 to vector<2000x1xf32>
    %add3A_32 = arith.addf %div3A_27, %add3A_31 : vector<2000x1xf32>
    %rsqrt3A = math.rsqrt %add3A_32 : vector<2000x1xf32>
    %mul3A_33 = vector.broadcast %rsqrt3A : vector<2000x1xf32> to vector<2000x128xf32>
    %mul3A_34 = arith.mulf %sub3A_29, %mul3A_33 : vector<2000x128xf32>
    %get3A_35 = arith.constant 0 : index
    %get3A_36 = arith.constant 0 : index
    %get3A_37 = vector.load %arg6[%get3A_35, %get3A_36] : memref<1x128xf32, #tpu.memory_space<vmem>>, vector<1x128xf32>
    %mul3A_38 = vector.broadcast %get3A_37 : vector<1x128xf32> to vector<2000x128xf32>
    %mul3A_39 = arith.mulf %mul3A_34, %mul3A_38 : vector<2000x128xf32>
    %get3A_40 = arith.constant 0 : index
    %get3A_41 = arith.constant 0 : index
    %get3A_42 = vector.load %arg7[%get3A_40, %get3A_41] : memref<1x128xf32, #tpu.memory_space<vmem>>, vector<1x128xf32>
    %add3A_43 = vector.broadcast %get3A_42 : vector<1x128xf32> to vector<2000x128xf32>
    %add3A_44 = arith.addf %mul3A_39, %add3A_43 : vector<2000x128xf32>
    %swap3A = arith.constant 0 : index
    %swap3A_45 = arith.constant 0 : index
    %swap3A_46 = vector.load %arg8[%swap3A, %swap3A_45] : memref<2000x128xf32, #tpu.memory_space<vmem>>, vector<2000x128xf32>
    tpu.vector_store %arg8[%swap3A, %swap3A_45], %add3A_44 {strides = array<i32>} : memref<2000x128xf32, #tpu.memory_space<vmem>>, vector<2000x128xf32>,
    return
  }
  func.func @transform_0(%arg0: i32) -> (i32, i32) {
    %c0_i32 = arith.constant 0 : i32
    %c0_i32_0 = arith.constant 0 : i32
    return %arg0, %c0_i32 : i32, i32
  }
  func.func @transform_1(%arg0: i32) -> (i32, i32) {
    %c0_i32 = arith.constant 0 : i32
    %c0_i32_0 = arith.constant 0 : i32
    return %arg0, %c0_i32 : i32, i32
  }
  func.func @transform_2(%arg0: i32) -> (i32, i32) {
    %c0_i32 = arith.constant 0 : i32
    %c0_i32_0 = arith.constant 0 : i32
    return %arg0, %c0_i32 : i32, i32
  }
  func.func @transform_3(%arg0: i32) -> (i32, i32) {
    %c0_i32 = arith.constant 0 : i32
    %c0_i32_0 = arith.constant 0 : i32
    return %arg0, %c0_i32 : i32, i32
  }
  func.func @transform_4(%arg0: i32) -> (i32, i32) {
    %c0_i32 = arith.constant 0 : i32
    %c0_i32_0 = arith.constant 0 : i32
    %c0_i32_1 = arith.constant 0 : i32
    return %c0_i32, %c0_i32_0 : i32, i32
  }
  func.func @transform_5(%arg0: i32) -> (i32, i32) {
    %c0_i32 = arith.constant 0 : i32
    %c0_i32_0 = arith.constant 0 : i32
    %c0_i32_1 = arith.constant 0 : i32
    return %c0_i32, %c0_i32_0 : i32, i32
  }
  func.func @transform_6(%arg0: i32) -> (i32, i32) {
    %c0_i32 = arith.constant 0 : i32
    %c0_i32_0 = arith.constant 0 : i32
    %c0_i32_1 = arith.constant 0 : i32
    return %c0_i32, %c0_i32_0 : i32, i32
  }
  func.func @transform_7(%arg0: i32) -> (i32, i32) {
    %c0_i32 = arith.constant 0 : i32
    %c0_i32_0 = arith.constant 0 : i32
    return %arg0, %c0_i32 : i32, i32
  }
}

</mosaic_0001>

<sc_bundles>
// kernel: kernel.11.cloned.1.call-start
scs
__scs_entry_jumppad:
0x0: {  	(pc) =	sbr.rel $0x88, $3  }
0x1: {  	(tag) =	ssettag $0x0;
	lr =	simm.s32 $0x1  }
0x2: {  	[smem:$0x3F98] =	sst lr;
	_ =	strace $0xD0000000  }
0x3: {  	_ = 	snop  }
0x4: {  	_ = 	snop  }
0x5: {  	_ = 	snop  }
0x6: {  	_ = 	snop  }
0x7: {  	_ = 	snop  }
__scs_overlays_trampoline_lowered:
0x8: {  	[smem:$0x3FA7] =	sst s0  }
0x9: {  	[smem:$0x3FA8] =	sst s1  }
0xa: {  	[smem:$0x3FA9] =	sst s2  }
0xb: {  	[smem:$0x3FAA] =	sst s3  }
0xc: {  	[smem:$0x3FAB] =	sst s4  }
0xd: {  	[smem:$0x3FAC] =	sst s5  }
0xe: {  	[smem:$0x3FAD] =	sst s6  }
0xf: {  	[smem:$0x3FAE] =	sst s7  }
0x10: {  	[smem:$0x3FAF] =	sst s8  }
0x11: {  	[smem:$0x3FB0] =	sst s9;
	s0 =	simm.s32 @!p0 $0x0  }
0x12: {  	s1 =	sld [smem:$0x3F96];
	s0 =	simm.s32 @p0 $0x1  }
0x13: {  	[smem:$0x3FB1] =	sst s0;
	s0 =	simm.s32 @!p1 $0x0  }
0x14: {  	s2 =	sld [smem:$0x3F95];
	s0 =	simm.s32 @p1 $0x1  }
0x15: {  	[smem:$0x3FB2] =	sst s0;
	s0 =	simm.s32 @!p2 $0x0  }
0x16: {  	s3 =	sld [smem:$0x3FDB];
	s0 =	simm.s32 @p2 $0x1  }
0x17: {  	s4 =	simm.s32 $0x1BF5;
	[smem:$0x3FB4] =	sst s0  }
0x18: {  	s0 =	sld [smem:$0x3F97];
	_ =	swait.ge [sflag:s4], $0x0  }
0x19: {  	s7 =	sld [smem:$0x3F98]  }
0x1a: {  	s8 =	sadd.s32 $0xFFFFE003, lr  }
0x1b: {  	s9 =	sadd.s32 $0xFFFFFEF7, lr;
	s5 =	simm.s32 $0xFFFFFFFF;
	p2 =	slt.u32 s8, $0xFFFFF086  }
0x1c: {  	p1 =	slt.u32 s9, $0xF7A;
	s5 =	simm.s32 @!p2 $0x0  }
0x1d: {  	s5 =	simm.s32 @p1 $0x1;
	p0 =	seq.s32 s7, s2  }
0x1e: {  	s7 =	smul.u32 @!p0 $0xF7A, s2;
	p2 =	seq.s32 @!p0 s5, $0x0  }
0x1f: {  	s9 =	smul.u32 $0xF7A, s1;
	s8 =	simm.s32 @!p0 $0x1BF5;
	p2 =	por !p2, p0  }
0x20: {  	[sflag:s8] =	ssyncset.s32 @!p0 $0xFFFFF086;
	s6 =	sadd.s32 @!p0 s3, s7;
	s7 =	simm.s32 @!p0 $0x108  }
0x21: {  	s3 =	sadd.s32 s3, s9;
	s6 =	sadd.s32 @!p0 $0x88, s6;
	s7 =	simm.s32 @p2 $0x1082  }
0x22: {  	[simem:s7], [sflag:s8] =	dma.local @!p0 [hbm:s6], $0xF7A  }
0x23: {  	s9 =	sor.u32 $0xD0000000, s2;
	s6 =	simm.s32 $0x108;
	_ =	swait.ge @!p0 [sflag:s8], $0x0  }
0x24: {  	s3 =	sadd.s32 $0x88, s3;
	s6 =	simm.s32 @!p1 $0x1082;
	[sflag:s4] =	ssyncset.s32 $0xFFFFF086  }
0x25: {  	[simem:s6], [sflag:s4] =	dma.local [hbm:s3], $0xF7A  }
0x26: {  	[smem:$0x3F98] =	sst s1;
	(tag) =	ssettag s2;
	_ =	strace s9  }
0x27: {  	s1 =	sld [smem:$0x3FA8]  }
0x28: {  	s2 =	sld [smem:$0x3FA9]  }
0x29: {  	s4 =	sld [smem:$0x3FAB]  }
0x2a: {  	p0 =	seq.s32 s5, $0x0;
	s5 =	sld [smem:$0x3FAC]  }
0x2b: {  	s6 =	sld [smem:$0x3FAD]  }
0x2c: {  	s7 =	sld [smem:$0x3FAE]  }
0x2d: {  	s3 =	simm.s32 $0x108;
	s8 =	sld [smem:$0x3FAF]  }
0x2e: {  	s3 =	simm.s32 @!p0 $0x1082;
	s9 =	sld [smem:$0x3FB0]  }
0x2f: {  	lr =	sadd.s32 s0, s3;
	s0 =	sld [smem:$0x3FA7]  }
0x30: {  	s3 =	sld [smem:$0x3FAA]  }
0x31: {  	[smem:$0x3FB3] =	sst s10  }
0x32: {  	s10 =	sld [smem:$0x3FB1];
	_ =	sdelay $0x3  }
0x33: {  	p0 =	seq.s32 s10, $0x1;
	s10 =	sld [smem:$0x3FB3];
	_ =	sdelay $0x3  }
0x34: {  	[smem:$0x3FB3] =	sst s10  }
0x35: {  	s10 =	sld [smem:$0x3FB2];
	_ =	sdelay $0x3  }
0x36: {  	p1 =	seq.s32 s10, $0x1;
	s10 =	sld [smem:$0x3FB3];
	_ =	sdelay $0x3  }
0x37: {  	[smem:$0x3FB3] =	sst s10  }
0x38: {  	s10 =	sld [smem:$0x3FB4]  }
0x39: {  	_ = 	snop;
	(pc) =	sbr.ind lr, $3  }
0x3a: {  	_ = 	snop  }
0x3b: {  	_ = 	snop  }
0x3c: {  	p2 =	seq.s32 s10, $0x1;
	s10 =	sld [smem:$0x3FB3]  }
0x3d: {  	_ =	shalt  }
0x3e: {  	_ =	shalt  }
0x3f: {  	_ =	shalt  }
0x40: {  	_ =	shalt  }
0x41: {  	_ =	shalt  }
0x42: {  	_ =	shalt  }
0x43: {  	_ =	shalt  }
0x44: {  	_ =	shalt  }
0x45: {  	_ =	shalt  }
0x46: {  	_ =	shalt  }
0x47: {  	_ =	shalt  }
0x48: {  	_ =	shalt  }
0x49: {  	_ =	shalt  }
0x4a: {  	_ =	shalt  }
0x4b: {  	_ =	shalt  }
0x4c: {  	_ =	shalt  }
0x4d: {  	_ =	shalt  }
0x4e: {  	_ =	shalt  }
0x4f: {  	_ =	shalt  }
0x50: {  	_ =	shalt  }
0x51: {  	_ =	shalt  }
0x52: {  	_ =	shalt  }
0x53: {  	_ =	shalt  }
0x54: {  	_ =	shalt  }
0x55: {  	_ =	shalt  }
0x56: {  	_ =	shalt  }
0x57: {  	_ =	shalt  }
0x58: {  	_ =	shalt  }
0x59: {  	_ =	shalt  }
0x5a: {  	_ =	shalt  }
0x5b: {  	_ =	shalt  }
0x5c: {  	_ =	shalt  }
0x5d: {  	_ =	shalt  }
0x5e: {  	_ =	shalt  }
0x5f: {  	_ =	shalt  }
0x60: {  	_ =	shalt  }
0x61: {  	_ =	shalt  }
0x62: {  	_ =	shalt  }
0x63: {  	_ =	shalt  }
0x64: {  	_ =	shalt  }
0x65: {  	_ =	shalt  }
0x66: {  	_ =	shalt  }
0x67: {  	_ =	shalt  }
0x68: {  	_ =	shalt  }
0x69: {  	_ =	shalt  }
0x6a: {  	_ =	shalt  }
0x6b: {  	_ =	shalt  }
0x6c: {  	_ =	shalt  }
0x6d: {  	_ =	shalt  }
0x6e: {  	_ =	shalt  }
0x6f: {  	_ =	shalt  }
0x70: {  	_ =	shalt  }
0x71: {  	_ =	shalt  }
0x72: {  	_ =	shalt  }
0x73: {  	_ =	shalt  }
0x74: {  	_ =	shalt  }
0x75: {  	_ =	shalt  }
0x76: {  	_ =	shalt  }
0x77: {  	_ =	shalt  }
0x78: {  	_ =	shalt  }
0x79: {  	_ =	shalt  }
0x7a: {  	_ =	shalt  }
0x7b: {  	_ =	shalt  }
0x7c: {  	_ =	shalt  }
0x7d: {  	_ =	shalt  }
0x7e: {  	_ =	shalt  }
0x7f: {  	_ =	shalt  }
0x80: {  	_ =	shalt  }
0x81: {  	_ =	shalt  }
0x82: {  	_ =	shalt  }
0x83: {  	_ =	shalt  }
0x84: {  	_ =	shalt  }
0x85: {  	_ =	shalt  }
0x86: {  	_ =	shalt  }
0x87: {  	_ =	shalt  }
.Lfunc_end0:
.L_simem_size_0:
called_computation.1_lowered:
.L_overlay_start_0:
0x88: {  	s2 =	sld [smem:$0x3FD9]  }
0x89: {  	s3 =	sld [smem:$0x3FFE];
	_ =	sdelay $0x1  }
0x8a: {  	s1 =	srdreg.scid  }
0x8b: {  	s0 =	sand.u32 $0x1, s1  }
0x8c: {  	s17 =	sshll.u32 s0, $0xA;
	s2 =	sadd.s32 s3, s2  }
0x8d: {  	s2 =	sadd.s32 s2, s17  }
0x8e: {  	[smem:$0x3FBF] =	sst s2  }
0x8f: {  	_ = 	snop  }
0x90: {  	s2 =	sld [smem:$0x3FD0];
	(tm) =	ssettm $0x1  }
0x91: {  	s18 =	sld [smem:$0x3FFB];
	_ =	sdelay $0x3  }
0x92: {  	_ =	strace s18  }
0x93: {  	s3 =	sld [smem:$0x3FFC];
	_ =	sdelay $0x3  }
0x94: {  	_ =	strace s3  }
0x95: {  	s3 =	sld [smem:$0x3FFD];
	_ =	sdelay $0x3  }
0x96: {  	_ =	strace s3  }
0x97: {  	_ =	strace $0x8FFFFFFF  }
0x98: {  	s19 =	sld [smem:$0x3FDB];
	_ =	sdelay $0x1  }
0x99: {  	s4 =	simm.s32 $_scs_section_size  }
0x9a: {  	s5 =	simm.s32 $_size__tile_overlayer_lowered;
	s6 =	simm.s32 $_tile_overlayer_lowered  }
0x9b: {  	s22 =	simm.s32 $0x1BFF;
	s21 =	sshll.u32 s6, $0x1;
	s3 =	sadd.s32 s4, s19  }
0x9c: {  	s7 =	simm.s32 $0x0;
	s20 =	sshll.u32 s5, $0x1;
	s5 =	sadd.s32 s21, s3  }
0x9d: {  	[timem:s7], [sflag:s22] =	dma.local [hbm:s5], s20  }
0x9e: {  	_ =	swait.ge [sflag:s22], s20  }
0x9f: {  	s4 =	ssub.s32 $0x0, s20;
	[sflag:s22] =	ssyncset.done $0x0  }
0xa0: {  	[sflag:s22] =	ssyncadd.s32 s4;
	_ =	sdelay $0x1  }
0xa1: {  	s23 =	simm.s32 $0x1B8B  }
0xa2: {  	_ =	swait.ge [sflag:s23], $0x1  }
0xa3: {  	[sflag:s23] =	ssyncset.done $0x0  }
0xa4: {  	s25 =	simm.s32 $0x1B8E;
	s24 =	sld [smem:$0x3FFE];
	[sflag:s23] =	ssyncadd.s32 $0xFFFFFFFF  }
0xa5: {  	s26 =	simm.s32 $execute0_lowered;
	[smem:$0x3FD2] =	sst s25  }
0xa6: {  	s5 =	sshll.u32 s26, $0x1;
	_ =	strace $0x80000049;
	[dreg:$0x1] =	wrdreg $0xFFFFFFFF  }
0xa7: {  	s28 =	simm.s32 $_size_execute0_lowered;
	s3 =	sadd.s32 s3, s5;
	[dreg:$0x0] =	wrdreg $0x0  }
0xa8: {  	s5 =	sshll.u32 s28, $0x1;
	[dreg:$0x2] =	wrdreg s3  }
0xa9: {  	[dreg:$0x3] =	wrdreg s5  }
0xaa: {  	[dreg:$0x4] =	wrdreg $0xC0  }
0xab: {  	_ =	task [dreg:s7], $0x5FFFF  }
0xac: {  	[dreg:$0x1] =	wrdreg $0xFFFFFFFF  }
0xad: {  	[dreg:$0x0] =	wrdreg $0x60  }
0xae: {  	[dreg:$0x2] =	wrdreg s2  }
0xaf: {  	[dreg:$0x3] =	wrdreg s24  }
0xb0: {  	[dreg:$0x4] =	wrdreg $0x98000  }
0xb1: {  	[dreg:$0x5] =	wrdreg $0x9  }
0xb2: {  	_ =	task.clear_ibuf [dreg:s7], $0x6FFFF;
	_ =	strace $0x90000049  }
0xb3: {  	s29 =	simm.s32 $0x9;
	_ =	strace $0x8000004B  }
0xb4: {  	_ =	swait.ge [sflag:s29], $0x1  }
0xb5: {  	[sflag:s29] =	ssyncadd.s32 $0xFFFFFFFF  }
0xb6: {  	_ =	strace $0x9000004B  }
0xb7: {  	_ =	sfence  }
0xb8: {  	s30 =	sld [smem:$0x0];
	_ =	sdelay $0x2  }
0xb9: {  	s31 =	sshll.u32 s1, $0xD;
	s1 =	sshrl.u32 s1, $0x2  }
0xba: {  	s3 =	sand.u32 $0x4000, s31;
	s1 =	sadd.s32 s1, s30  }
0xbb: {  	s0 =	sor.u32 s3, s0;
	s1 =	sshll.u32 s1, $0x11  }
0xbc: {  	s0 =	sor.u32 s1, s0  }
0xbd: {  	s0 =	sadd.s32 $0x8F2B, s0  }
0xbe: {  	[sflag:s0] =	ssyncadd.remote.s32 $0x1  }
0xbf: {  	_ =	sfence.sel $0xFFFF  }
0xc0: {  	[dreg:$0x0] =	wrdreg $0xFFFFFFFF;
	(pc) =	sbr.abs _section_cstart, $3  }
0xc1: {  	[dreg:$0x1] =	wrdreg $0xFFFFFFFF  }
0xc2: {  	_ =	task.clear_ibuf [dreg:s7], $0x2FFFF;
	_ =	strace $0x9FFFFFFF  }
0xc3: {  	(tm) =	ssettm $0x7FFFFFFF  }
tec
execute0_lowered:
.L_overlay_start_1:
0x0: {  	(tag) =	ssettag $0x1  }
0x1: {  	s1 =	rddreg [dreg:$0x0]  }
0x2: {  	s0 =	rddreg [dreg:$0x1]  }
0x3: {  	s3 =	rddreg [dreg:$0x2];
	s18 =	simm.s32 $0x0  }
0x4: {  	s4 =	stileid.u32;
	s2 =	srdreg.scid;
	s15 =	simm.s32 $0x7  }
0x5: {  	s16 =	simm.s32 $0x80;
	s17 =	simm.s32 $0x400;
	s19 =	simm.s32 $0x1800  }
0x6: {  	s20 =	simm.s32 $0x50;
	s21 =	simm.s32 $0x2000;
	s22 =	simm.s32 $0x4800  }
0x7: {  	s23 =	simm.s32 $0x5;
	[smem:$0x7FF] =	sst s18;
	s8 =	smul.u32 $0x14000, s4  }
0x8: {  	s2 =	sand.u32 $0x1, s2;
	s5 =	sadd.s32 $0x38400, s0;
	s11 =	smul.u32 $0x50000, s4  }
0x9: {  	s6 =	sadd.s32 $0x24400, s0;
	s7 =	sadd.s32 $0x14400, s0;
	s14 =	smul.u32 $0x5000, s4  }
0xa: {  	s28 =	sshll.u32 s4, $0x6;
	s13 =	sshll.u32 s4, $0xB;
	s9 =	smul.u32 $0x140000, s2  }
0xb: {  	_ =	strace $0x8000004A;
	s24 =	ssub.s32 $0x2, s2;
	s29 =	smul.u32 $0x50000, s2  }
0xc: {  	s2 =	sshll.u32 s2, $0xF;
	s4 =	sor.u32 $0x1C07, s28;
	s10 =	sshrl.u32 s8, $0x3  }
0xd: {  	s12 =	sshrl.u32 s24, $0x1;
	s26 =	sshrl.u32 s11, $0x2;
	[dreg:$0x6] =	wrdreg s4  }
0xe: {  	s8 =	sadd.s32 s8, s9;
	s10 =	sadd.s32 s10, s0;
	s25 =	ssub.s32 s24, s12  }
0xf: {  	s9 =	sadd.s32 s26, s3;
	s8 =	sshrl.u32 s8, $0x3;
	s30 =	sadd.s32 $0x6F600, s10  }
0x10: {  	s10 =	sor.u32 s13, s2;
	s31 =	smax.u32 s25, $0x1;
	[dreg:$0x5] =	wrdreg s30  }
0x11: {  	s2 =	sshrl.u32 s9, $0x3;
	s0 =	sadd.s32 s8, s0;
	[dreg:$0x8] =	wrdreg s31  }
0x12: {  	s11 =	sadd.s32 s14, s29;
	[dreg:$0x9] =	wrdreg s2;
	s0 =	sadd.s32 $0x97600, s0  }
0x13: {  	s24 =	simm.s32 $0x6;
	s25 =	simm.s32 $0x4;
	[dreg:$0x7] =	wrdreg s0  }
.LBB2_1:
0x14: {  	[dreg:$0x4] =	wrdreg s18  }
0x15: {  	s0 =	rddreg [dreg:$0x5]  }
0x16: {  	[spmem:s2], [sflag:s4] =	dma.local [hbm:s0], $0x2800  }
0x17: {  	_ =	swait.ge [sflag:s15], $0x2800  }
0x18: {  	[sflag:s15] =	ssyncset.done $0x0  }
0x19: {  	[sflag:s15] =	ssyncadd.s32 $0xFFFFD800  }
0x1a: {  	s26 =	simm.s32 $0x0;
	[bflag:$0x0] =	sbarrier.arrive $0xFFFF  }
.LBB2_2:
0x1b: {  	s0 =	sshll.u32 s26, $0x4  }
0x1c: {  	s0 =	sadd.s32 s10, s0  }
0x1d: {  	s28 =	simm.s32 $0x0;
	s31 =	sshll.u32 s26, $0xC;
	s2 =	sadd.s32 s5, s0  }
0x1e: {  	[tilespmem:s28], [sflag:$0x7] =	stream.strided.gather [hbm4b:s2+s16], $0x800, s17, s16, $0x38;
	[tilespmem:$0x1D800] =	vst v63  }
0x1f: {  	s2 =	sadd.s32 s31, s11;
	_ =	swait.ge [sflag:s15], $0x800  }
0x20: {  	s2 =	sshrl.u32 s2, $0x3;
	[sflag:s15] =	ssyncset.done $0x0  }
0x21: {  	s4 =	simm.s32 $0x800;
	s2 =	sadd.s32 s6, s2;
	[sflag:s15] =	ssyncadd.s32 $0xFFFFF800  }
0x22: {  	[tilespmem:s4], [sflag:$0x7] =	stream.linear.gather [hbm4b:s2+s28], $0xC80, $0x38;
	[tilespmem:$0x1D800] =	vst v63  }
0x23: {  	_ =	swait.ge [sflag:s15], $0xC80  }
0x24: {  	[sflag:s15] =	ssyncset.done $0x0  }
0x25: {  	s0 =	sadd.s32 s7, s0;
	[sflag:s15] =	ssyncadd.s32 $0xFFFFF380  }
0x26: {  	[tilespmem:s19], [sflag:$0x7] =	stream.strided.gather [hbm4b:s0+s16], $0x800, s17, s16, $0x38;
	[tilespmem:$0x1D800] =	vst v63  }
0x27: {  	_ =	swait.ge [sflag:s15], $0x800  }
0x28: {  	[sflag:s15] =	ssyncset.done $0x0  }
0x29: {  	[sflag:s15] =	ssyncadd.s32 $0xFFFFF800  }
0x2a: {  	[tilespmem:s21], [sflag:$0x1] =	stream.indirect.gather [hbm4b:s1+s20], $0x80, s28, s20, $0xb8;
	[tilespmem:$0x1D800] =	vst v63  }
0x2b: {  	s12 =	simm.s32 $0x21F0;
	s30 =	simm.s32 $0x0  }
0x2c: {  	[tilespmem:s22], [sflag:$0x2] =	stream.indirect.gather [hbm4b:s1+s20], $0x80, s20, s20, $0xb8;
	[tilespmem:$0x1D800] =	vst v63  }
.LBB2_3:
0x2d: {  	s0 =	smulhi.u32 $0xAAAAAAAB, s30  }
0x2e: {  	s2 =	smul.u32 $0xAB, s30;
	_ =	sdelay $0x1  }
0x2f: {  	s0 =	sshrl.u32 s0, $0x1;
	s2 =	sshrl.u32 s2, $0x9  }
0x30: {  	s8 =	sadd.s32 $0xFFFFFFFC, s28;
	s0 =	smul.u32 $0xFFFE2000, s0;
	s2 =	sand.u32 $0x7F, s2  }
0x31: {  	s9 =	sadd.s32 $0x6, s8;
	s2 =	smul.u32 $0x3, s2  }
0x32: {  	v0 =	vmov s9  }
0x33: {  	v1 =	vand.u32 $0xFFFFFFFE, v0;
	s0 =	sshra.s32 s0, $0x2;
	s2 =	ssub.s32 s30, s2  }
0x34: {  	v1 =	vbroadcast v1, $0x0;
	v0 =	vmov s0;
	s31 =	sand.u32 $0xFF, s2  }
0x35: {  	s14 =	sadd.s32 $0x1, s31  }
0x36: {  	s18 =	sadd.s32 $0x4, s8;
	_ =	swait.ge [sflag:s14], $0x2800  }
0x37: {  	v2 =	vmov s18;
	[sflag:s14] =	ssyncset.done $0x0  }
0x38: {  	v2 =	vand.u32 $0xFFFFFFFC, v2;
	[sflag:s14] =	ssyncadd.s32 $0xFFFFD800  }
0x39: {  	v2 =	vbroadcast v2, $0x0;
	v3 =	vld.idx.msk [tilespmem:v0+s12+$0xFFFFFF10 ss:$0x1], $0xffff  }
0x3a: {  	s2 =	sadd.s32 $0x5, s8;
	v8 =	vld.idx.msk [tilespmem:v1+s19+$0x0], $0xffff  }
0x3b: {  	v1 =	vmov s2  }
0x3c: {  	v1 =	vand.u32 $0xFFFFFFFD, v1  }
0x3d: {  	v1 =	vbroadcast v1, $0x0  }
0x3e: {  	s4 =	sadd.s32 $0x7, s8  }
0x3f: {  	v4 =	vmov s4;
	v2 =	vld.idx.msk [tilespmem:v2+s19+$0x0], $0xffff;
	v3 =	vmul.f32 v3, v8  }
0x40: {  	v5 =	vld.idx.msk [tilespmem:v0+s12+$0xFFFFFE10 ss:$0x1], $0xffff  }
0x41: {  	[tilespmem:v0+s12+$0xFFFFFF10 ss:$0x1] =	vst.idx.msk $0xffff, v3  }
0x42: {  	v6 =	vld.idx.msk [tilespmem:v0+s12+$0xFFFFFF20 ss:$0x1], $0xffff  }
0x43: {  	v3 =	vld.idx.msk [tilespmem:v1+s19+$0x0], $0xffff  }
0x44: {  	v1 =	vld.idx.msk [tilespmem:v4+s19+$0x0], $0xffff  }
0x45: {  	v4 =	vmul.f32 v5, v2;
	v5 =	vld.idx.msk [tilespmem:v0+s12+$0xFFFFFE90 ss:$0x1], $0xffff  }
0x46: {  	v7 =	vld.idx.msk [tilespmem:v0+s12+$0xFFFFFF90 ss:$0x1], $0xffff;
	_ =	sdelay $0x1  }
0x47: {  	[tilespmem:v0+s12+$0xFFFFFE10 ss:$0x1] =	vst.idx.msk $0xffff, v4;
	v6 =	vmul.f32 v6, v8  }
0x48: {  	v4 =	vld.idx.msk [tilespmem:v0+s12+$0xFFFFFE20 ss:$0x1], $0xffff  }
0x49: {  	v5 =	vmul.f32 v5, v3;
	[tilespmem:v0+s12+$0xFFFFFF20 ss:$0x1] =	vst.idx.msk $0xffff, v6  }
0x4a: {  	v7 =	vmul.f32 v7, v1;
	v6 =	vld.idx.msk [tilespmem:v0+s12+$0xFFFFFF30 ss:$0x1], $0xffff  }
0x4b: {  	[tilespmem:v0+s12+$0xFFFFFE90 ss:$0x1] =	vst.idx.msk $0xffff, v5  }
0x4c: {  	[tilespmem:v0+s12+$0xFFFFFF90 ss:$0x1] =	vst.idx.msk $0xffff, v7;
	v5 =	vld.idx.msk [tilespmem:v0+s12+$0xFFFFFEA0 ss:$0x1], $0xffff  }
0x4d: {  	v4 =	vmul.f32 v4, v2;
	v7 =	vld.idx.msk [tilespmem:v0+s12+$0xFFFFFFA0 ss:$0x1], $0xffff;
	_ =	sdelay $0x1  }
0x4e: {  	s8 =	sadd.s32 $0x0, s28;
	[tilespmem:v0+s12+$0xFFFFFE20 ss:$0x1] =	vst.idx.msk $0xffff, v4;
	v6 =	vmul.f32 v6, v8  }
0x4f: {  	s9 =	sadd.s32 $0x6, s8;
	v4 =	vld.idx.msk [tilespmem:v0+s12+$0xFFFFFE30 ss:$0x1], $0xffff  }
0x50: {  	s13 =	sadd.s32 $0x4, s8;
	v5 =	vmul.f32 v5, v3;
	[tilespmem:v0+s12+$0xFFFFFF30 ss:$0x1] =	vst.idx.msk $0xffff, v6;
	v6 =	vmov s9  }
0x51: {  	v10 =	vmov s13;
	s14 =	sadd.s32 $0x5, s8;
	v7 =	vmul.f32 v7, v1;
	v6 =	vand.u32 $0xFFFFFFFE, v6  }
0x52: {  	[tilespmem:v0+s12+$0xFFFFFEA0 ss:$0x1] =	vst.idx.msk $0xffff, v5;
	v5 =	vand.u32 $0xFFFFFFFC, v10;
	v10 =	vmov s14;
	v9 =	vld.idx.msk [tilespmem:v0+s12+$0xFFFFFF40 ss:$0x1], $0xffff;
	v6 =	vbroadcast v6, $0x0  }
0x53: {  	s0 =	sadd.s32 $0x200, s12;
	[tilespmem:v0+s12+$0xFFFFFFA0 ss:$0x1] =	vst.idx.msk $0xffff, v7;
	v5 =	vbroadcast v5, $0x0;
	v7 =	vand.u32 $0xFFFFFFFD, v10  }
0x54: {  	v14 =	vld.idx.msk [tilespmem:v0+s0+$0xFFFFFF10 ss:$0x1], $0xffff;
	v4 =	vmul.f32 v4, v2;
	v12 =	vbroadcast v7, $0x0  }
0x55: {  	v11 =	vld.idx.msk [tilespmem:v0+s12+$0xFFFFFEB0 ss:$0x1], $0xffff  }
0x56: {  	v10 =	vld.idx.msk [tilespmem:v0+s12+$0xFFFFFFB0 ss:$0x1], $0xffff;
	[tilespmem:v0+s12+$0xFFFFFE30 ss:$0x1] =	vst.idx.msk $0xffff, v4  }
0x57: {  	v4 =	vmul.f32 v9, v8;
	v9 =	vld.idx.msk [tilespmem:v0+s12+$0xFFFFFE40 ss:$0x1], $0xffff  }
0x58: {  	s18 =	sadd.s32 $0x7, s8;
	v7 =	vld.idx.msk [tilespmem:v6+s19+$0x0], $0xffff  }
0x59: {  	v13 =	vmov s18;
	v6 =	vld.idx.msk [tilespmem:v5+s19+$0x0], $0xffff  }
0x5a: {  	v5 =	vld.idx.msk [tilespmem:v12+s19+$0x0], $0xffff  }
0x5b: {  	[tilespmem:v0+s12+$0xFFFFFF40 ss:$0x1] =	vst.idx.msk $0xffff, v4;
	v12 =	vld.idx.msk [tilespmem:v0+s0+$0xFFFFFE10 ss:$0x1], $0xffff  }
0x5c: {  	v11 =	vmul.f32 v11, v3;
	v15 =	vld.idx.msk [tilespmem:v0+s12+$0xFFFFFF50 ss:$0x1], $0xffff  }
0x5d: {  	v16 =	vld.idx.msk [tilespmem:v0+s0+$0xFFFFFF90 ss:$0x1], $0xffff;
	v10 =	vmul.f32 v10, v1  }
0x5e: {  	v4 =	vld.idx.msk [tilespmem:v13+s19+$0x0], $0xffff;
	[tilespmem:v0+s12+$0xFFFFFEB0 ss:$0x1] =	vst.idx.msk $0xffff, v11;
	v9 =	vmul.f32 v9, v2  }
0x5f: {  	[tilespmem:v0+s12+$0xFFFFFFB0 ss:$0x1] =	vst.idx.msk $0xffff, v10;
	v13 =	vmul.f32 v14, v7;
	v14 =	vld.idx.msk [tilespmem:v0+s0+$0xFFFFFE90 ss:$0x1], $0xffff  }
0x60: {  	v12 =	vmul.f32 v12, v6;
	[tilespmem:v0+s12+$0xFFFFFE40 ss:$0x1] =	vst.idx.msk $0xffff, v9;
	v9 =	vld.idx.msk [tilespmem:v0+s12+$0xFFFFFFC0 ss:$0x1], $0xffff  }
0x61: {  	v15 =	vmul.f32 v15, v8;
	[tilespmem:v0+s0+$0xFFFFFF10 ss:$0x1] =	vst.idx.msk $0xffff, v13;
	v13 =	vld.idx.msk [tilespmem:v0+s12+$0xFFFFFEC0 ss:$0x1], $0xffff  }
0x62: {  	[tilespmem:v0+s0+$0xFFFFFE10 ss:$0x1] =	vst.idx.msk $0xffff, v12;
	v11 =	vld.idx.msk [tilespmem:v0+s0+$0xFFFFFF20 ss:$0x1], $0xffff  }
0x63: {  	v12 =	vmul.f32 v16, v4;
	[tilespmem:v0+s12+$0xFFFFFF50 ss:$0x1] =	vst.idx.msk $0xffff, v15;
	v15 =	vld.idx.msk [tilespmem:v0+s12+$0xFFFFFE50 ss:$0x1], $0xffff  }
0x64: {  	v10 =	vld.idx.msk [tilespmem:v0+s12+$0xFFFFFF60 ss:$0x1], $0xffff;
	v14 =	vmul.f32 v14, v5  }
0x65: {  	v16 =	vld.idx.msk [tilespmem:v0+s0+$0xFFFFFE20 ss:$0x1], $0xffff;
	[tilespmem:v0+s0+$0xFFFFFF90 ss:$0x1] =	vst.idx.msk $0xffff, v12;
	v9 =	vmul.f32 v9, v1  }
0x66: {  	[tilespmem:v0+s0+$0xFFFFFE90 ss:$0x1] =	vst.idx.msk $0xffff, v14;
	v13 =	vmul.f32 v13, v3  }
0x67: {  	v12 =	vld.idx.msk [tilespmem:v0+s0+$0xFFFFFFA0 ss:$0x1], $0xffff;
	[tilespmem:v0+s12+$0xFFFFFFC0 ss:$0x1] =	vst.idx.msk $0xffff, v9;
	v11 =	vmul.f32 v11, v7  }
0x68: {  	v14 =	vld.idx.msk [tilespmem:v0+s0+$0xFFFFFEA0 ss:$0x1], $0xffff;
	v15 =	vmul.f32 v15, v2;
	[tilespmem:v0+s12+$0xFFFFFEC0 ss:$0x1] =	vst.idx.msk $0xffff, v13  }
0x69: {  	v10 =	vmul.f32 v10, v8;
	[tilespmem:v0+s0+$0xFFFFFF20 ss:$0x1] =	vst.idx.msk $0xffff, v11;
	v13 =	vld.idx.msk [tilespmem:v0+s12+$0xFFFFFED0 ss:$0x1], $0xffff  }
0x6a: {  	v9 =	vmul.f32 v16, v6;
	[tilespmem:v0+s12+$0xFFFFFE50 ss:$0x1] =	vst.idx.msk $0xffff, v15;
	v11 =	vld.idx.msk [tilespmem:v0+s0+$0xFFFFFF30 ss:$0x1], $0xffff  }
0x6b: {  	[tilespmem:v0+s12+$0xFFFFFF60 ss:$0x1] =	vst.idx.msk $0xffff, v10;
	v16 =	vld.idx.msk [tilespmem:v0+s12+$0xFFFFFE60 ss:$0x1], $0xffff  }
0x6c: {  	[tilespmem:v0+s0+$0xFFFFFE20 ss:$0x1] =	vst.idx.msk $0xffff, v9;
	v9 =	vmul.f32 v12, v4;
	v10 =	vld.idx.msk [tilespmem:v0+s12+$0xFFFFFF70 ss:$0x1], $0xffff  }
0x6d: {  	v15 =	vld.idx.msk [tilespmem:v0+s12+$0xFFFFFFD0 ss:$0x1], $0xffff;
	v14 =	vmul.f32 v14, v5  }
0x6e: {  	[tilespmem:v0+s0+$0xFFFFFFA0 ss:$0x1] =	vst.idx.msk $0xffff, v9;
	v13 =	vmul.f32 v13, v3  }
0x6f: {  	s4 =	sadd.s32 $0x4, s28;
	s8 =	sadd.s32 $0x200, s0;
	v12 =	vld.idx.msk [tilespmem:v0+s0+$0xFFFFFE30 ss:$0x1], $0xffff;
	[tilespmem:v0+s0+$0xFFFFFEA0 ss:$0x1] =	vst.idx.msk $0xffff, v14;
	v11 =	vmul.f32 v11, v7  }
0x70: {  	v21 =	vld.idx.msk [tilespmem:v0+s8+$0xFFFFFF10 ss:$0x1], $0xffff;
	s9 =	sadd.s32 $0x6, s4;
	v16 =	vmul.f32 v16, v2;
	[tilespmem:v0+s12+$0xFFFFFED0 ss:$0x1] =	vst.idx.msk $0xffff, v13  }
0x71: {  	v17 =	vld.idx.msk [tilespmem:v0+s0+$0xFFFFFFB0 ss:$0x1], $0xffff;
	v9 =	vmul.f32 v10, v8;
	v10 =	vmov s9;
	[tilespmem:v0+s0+$0xFFFFFF30 ss:$0x1] =	vst.idx.msk $0xffff, v11  }
0x72: {  	s13 =	sadd.s32 $0x4, s4;
	v11 =	vmul.f32 v15, v1;
	v10 =	vand.u32 $0xFFFFFFFE, v10;
	[tilespmem:v0+s12+$0xFFFFFE60 ss:$0x1] =	vst.idx.msk $0xffff, v16;
	v13 =	vld.idx.msk [tilespmem:v0+s0+$0xFFFFFF40 ss:$0x1], $0xffff  }
0x73: {  	s14 =	sadd.s32 $0x5, s4;
	v14 =	vld.idx.msk [tilespmem:v0+s0+$0xFFFFFEB0 ss:$0x1], $0xffff;
	[tilespmem:v0+s12+$0xFFFFFF70 ss:$0x1] =	vst.idx.msk $0xffff, v9;
	v9 =	vmov s13;
	v10 =	vbroadcast v10, $0x0  }
0x74: {  	v12 =	vmul.f32 v12, v6;
	v15 =	vld.idx.msk [tilespmem:v0+s12+$0xFFFFFEE0 ss:$0x1], $0xffff;
	[tilespmem:v0+s12+$0xFFFFFFD0 ss:$0x1] =	vst.idx.msk $0xffff, v11;
	v9 =	vand.u32 $0xFFFFFFFC, v9;
	v11 =	vmov s14  }
0x75: {  	v19 =	vld.idx.msk [tilespmem:v0+s12+$0xFFFFFE70 ss:$0x1], $0xffff;
	v9 =	vbroadcast v9, $0x0;
	v11 =	vand.u32 $0xFFFFFFFD, v11  }
0x76: {  	[tilespmem:v0+s0+$0xFFFFFE30 ss:$0x1] =	vst.idx.msk $0xffff, v12;
	v18 =	vld.idx.msk [tilespmem:v0+s12+$0xFFFFFF80 ss:$0x1], $0xffff;
	v20 =	vbroadcast v11, $0x0  }
0x77: {  	v12 =	vld.idx.msk [tilespmem:v0+s0+$0xFFFFFE40 ss:$0x1], $0xffff;
	v11 =	vmul.f32 v13, v7  }
0x78: {  	s2 =	sadd.s32 $0x7, s4;
	v16 =	vld.idx.msk [tilespmem:v0+s12+$0xFFFFFFE0 ss:$0x1], $0xffff  }
0x79: {  	v13 =	vmov s2;
	[tilespmem:v0+s0+$0xFFFFFF40 ss:$0x1] =	vst.idx.msk $0xffff, v11;
	v11 =	vld.idx.msk [tilespmem:v10+s19+$0x0], $0xffff  }
0x7a: {  	v22 =	vld.idx.msk [tilespmem:v0+s0+$0xFFFFFF50 ss:$0x1], $0xffff  }
0x7b: {  	v10 =	vmul.f32 v14, v5;
	v14 =	vmul.f32 v18, v8;
	v9 =	vld.idx.msk [tilespmem:v9+s19+$0x0], $0xffff  }
0x7c: {  	v8 =	vld.idx.msk [tilespmem:v20+s19+$0x0], $0xffff  }
0x7d: {  	v17 =	vmul.f32 v17, v4;
	[tilespmem:v0+s12+$0xFFFFFF80 ss:$0x1] =	vst.idx.msk $0xffff, v14;
	v14 =	vld.idx.msk [tilespmem:v0+s8+$0xFFFFFE10 ss:$0x1], $0xffff  }
0x7e: {  	[tilespmem:v0+s0+$0xFFFFFEB0 ss:$0x1] =	vst.idx.msk $0xffff, v10;
	v10 =	vld.idx.msk [tilespmem:v13+s19+$0x0], $0xffff;
	v13 =	vmul.f32 v15, v3  }
0x7f: {  	[tilespmem:v0+s0+$0xFFFFFFB0 ss:$0x1] =	vst.idx.msk $0xffff, v17;
	v15 =	vld.idx.msk [tilespmem:v0+s8+$0xFFFFFE90 ss:$0x1], $0xffff;
	v17 =	vmul.f32 v21, v11  }
0x80: {  	v12 =	vmul.f32 v12, v6;
	[tilespmem:v0+s12+$0xFFFFFEE0 ss:$0x1] =	vst.idx.msk $0xffff, v13;
	v13 =	vld.idx.msk [tilespmem:v0+s8+$0xFFFFFF90 ss:$0x1], $0xffff  }
0x81: {  	v18 =	vmul.f32 v22, v7;
	[tilespmem:v0+s8+$0xFFFFFF10 ss:$0x1] =	vst.idx.msk $0xffff, v17;
	v17 =	vld.idx.msk [tilespmem:v0+s0+$0xFFFFFEC0 ss:$0x1], $0xffff  }
0x82: {  	v16 =	vmul.f32 v16, v1;
	[tilespmem:v0+s0+$0xFFFFFE40 ss:$0x1] =	vst.idx.msk $0xffff, v12;
	v12 =	vmul.f32 v14, v9;
	v14 =	vld.idx.msk [tilespmem:v0+s0+$0xFFFFFFC0 ss:$0x1], $0xffff  }
0x83: {  	v20 =	vld.idx.msk [tilespmem:v0+s8+$0xFFFFFF20 ss:$0x1], $0xffff;
	[tilespmem:v0+s0+$0xFFFFFF50 ss:$0x1] =	vst.idx.msk $0xffff, v18;
	v18 =	vmul.f32 v19, v2  }
0x84: {  	[tilespmem:v0+s12+$0xFFFFFFE0 ss:$0x1] =	vst.idx.msk $0xffff, v16;
	v16 =	vld.idx.msk [tilespmem:v0+s0+$0xFFFFFF60 ss:$0x1], $0xffff  }
0x85: {  	v15 =	vmul.f32 v15, v8;
	[tilespmem:v0+s12+$0xFFFFFE70 ss:$0x1] =	vst.idx.msk $0xffff, v18;
	v18 =	vld.idx.msk [tilespmem:v0+s0+$0xFFFFFE50 ss:$0x1], $0xffff  }
0x86: {  	[tilespmem:v0+s8+$0xFFFFFE10 ss:$0x1] =	vst.idx.msk $0xffff, v12;
	v12 =	vmul.f32 v13, v10;
	v13 =	vld.idx.msk [tilespmem:v0+s12+$0xFFFFFEF0 ss:$0x1], $0xffff  }
0x87: {  	v19 =	vld.idx.msk [tilespmem:v0+s8+$0xFFFFFE20 ss:$0x1], $0xffff;
	[tilespmem:v0+s8+$0xFFFFFE90 ss:$0x1] =	vst.idx.msk $0xffff, v15;
	v15 =	vmul.f32 v17, v5  }
0x88: {  	v17 =	vld.idx.msk [tilespmem:v0+s8+$0xFFFFFEA0 ss:$0x1], $0xffff;
	[tilespmem:v0+s8+$0xFFFFFF90 ss:$0x1] =	vst.idx.msk $0xffff, v12;
	v14 =	vmul.f32 v14, v4  }
0x89: {  	v20 =	vmul.f32 v20, v11;
	v12 =	vld.idx.msk [tilespmem:v0+s8+$0xFFFFFFA0 ss:$0x1], $0xffff;
	[tilespmem:v0+s0+$0xFFFFFEC0 ss:$0x1] =	vst.idx.msk $0xffff, v15  }
0x8a: {  	v15 =	vmul.f32 v16, v7;
	[tilespmem:v0+s0+$0xFFFFFFC0 ss:$0x1] =	vst.idx.msk $0xffff, v14;
	v16 =	vld.idx.msk [tilespmem:v0+s0+$0xFFFFFED0 ss:$0x1], $0xffff  }
0x8b: {  	[tilespmem:v0+s8+$0xFFFFFF20 ss:$0x1] =	vst.idx.msk $0xffff, v20;
	v18 =	vmul.f32 v18, v6;
	v14 =	vld.idx.msk [tilespmem:v0+s0+$0xFFFFFFD0 ss:$0x1], $0xffff  }
0x8c: {  	v19 =	vmul.f32 v19, v9;
	v20 =	vld.idx.msk [tilespmem:v0+s8+$0xFFFFFF30 ss:$0x1], $0xffff;
	[tilespmem:v0+s0+$0xFFFFFF60 ss:$0x1] =	vst.idx.msk $0xffff, v15  }
0x8d: {  	v15 =	vmul.f32 v13, v3;
	v62 =	vld.idx.msk [tilespmem:v0+s0+$0xFFFFFF70 ss:$0x1], $0xffff;
	[tilespmem:v0+s0+$0xFFFFFE50 ss:$0x1] =	vst.idx.msk $0xffff, v18  }
0x8e: {  	v17 =	vmul.f32 v17, v8;
	[tilespmem:v0+s8+$0xFFFFFE20 ss:$0x1] =	vst.idx.msk $0xffff, v19;
	v13 =	vld.idx.msk [tilespmem:v0+s0+$0xFFFFFE60 ss:$0x1], $0xffff  }
0x8f: {  	s18 =	smul.u32 $0xA000, s31;
	[tilespmem:v0+s12+$0xFFFFFEF0 ss:$0x1] =	vst.idx.msk $0xffff, v15;
	v18 =	vmul.f32 v12, v10;
	v12 =	vld.idx.msk [tilespmem:v0+s12+$0xFFFFFFF0 ss:$0x1], $0xffff  }
0x90: {  	v15 =	vld.idx.msk [tilespmem:v0+s8+$0xFFFFFE30 ss:$0x1], $0xffff;
	[tilespmem:v0+s8+$0xFFFFFEA0 ss:$0x1] =	vst.idx.msk $0xffff, v17;
	v63 =	vmul.f32 v16, v5  }
0x91: {  	s29 =	smov.u32 s12;
	s2 =	sshrl.u32 s18, $0x2;
	v16 =	vld.idx.msk [tilespmem:v0+s8+$0xFFFFFEB0 ss:$0x1], $0xffff;
	[tilespmem:v0+s8+$0xFFFFFFA0 ss:$0x1] =	vst.idx.msk $0xffff, v18;
	v19 =	vmul.f32 v20, v11  }
0x92: {  	s9 =	simm.s32 $0x8;
	s13 =	smov.u32 s8;
	s2 =	sadd.s32 $0x2000, s2;
	v17 =	vld.idx.msk [tilespmem:v0+s8+$0xFFFFFFB0 ss:$0x1], $0xffff;
	[tilespmem:v0+s0+$0xFFFFFED0 ss:$0x1] =	vst.idx.msk $0xffff, v63;
	v18 =	vmul.f32 v62, v7  }
.LBB2_4:
0x93: {  	s14 =	sadd.s32 s9, s28;
	[tilespmem:v0+s8+$0xFFFFFF30 ss:$0x1] =	vst.idx.msk $0xffff, v19;
	v19 =	vld.idx.msk [tilespmem:v0+s0+$0xFFFFFEE0 ss:$0x1], $0xffff;
	v14 =	vmul.f32 v14, v4  }
0x94: {  	s9 =	sadd.s32 $0x4, s9;
	v13 =	vmul.f32 v13, v6;
	s4 =	sadd.s32 $0x4, s14;
	s18 =	sadd.s32 $0x6, s14;
	v20 =	vld.idx.msk [tilespmem:v0+s8+$0xFFFFFF40 ss:$0x1], $0xffff;
	[tilespmem:v0+s0+$0xFFFFFF70 ss:$0x1] =	vst.idx.msk $0xffff, v18  }
0x95: {  	p0 =	slt.u32 s9, $0x4C;
	v12 =	vmul.f32 v12, v1;
	v18 =	vmov s4;
	s4 =	sadd.s32 $0x5, s14;
	v21 =	vmov s18;
	s14 =	sadd.s32 $0x7, s14;
	v22 =	vld.idx.msk [tilespmem:v0+s0+$0xFFFFFF80 ss:$0x1], $0xffff;
	[tilespmem:v0+s0+$0xFFFFFFD0 ss:$0x1] =	vst.idx.msk $0xffff, v14  }
0x96: {  	v14 =	vand.u32 $0xFFFFFFFC, v18;
	v18 =	vmov s4;
	v21 =	vand.u32 $0xFFFFFFFE, v21;
	[tilespmem:v0+s0+$0xFFFFFE60 ss:$0x1] =	vst.idx.msk $0xffff, v13;
	v13 =	vld.idx.msk [tilespmem:v0+s0+$0xFFFFFFE0 ss:$0x1], $0xffff  }
0x97: {  	v14 =	vbroadcast v14, $0x0;
	v18 =	vand.u32 $0xFFFFFFFD, v18;
	v21 =	vbroadcast v21, $0x0;
	v23 =	vld.idx.msk [tilespmem:v0+s0+$0xFFFFFE70 ss:$0x1], $0xffff;
	[tilespmem:v0+s29+$0xFFFFFFF0 ss:$0x1] =	vst.idx.msk $0xffff, v12  }
0x98: {  	v15 =	vmul.f32 v15, v9;
	v12 =	vbroadcast v18, $0x0;
	v18 =	vmov s14;
	v24 =	vld.idx.msk [tilespmem:v0+s29+$0xFFFFFE80 ss:$0x1], $0xffff  }
0x99: {  	v16 =	vmul.f32 v16, v8;
	v17 =	vmul.f32 v17, v10;
	v25 =	vld.idx.msk [tilespmem:v0+s29+$0xFFFFFF00 ss:$0x1], $0xffff  }
0x9a: {  	v19 =	vmul.f32 v19, v5;
	[tilespmem:v0+s8+$0xFFFFFE30 ss:$0x1] =	vst.idx.msk $0xffff, v15;
	v15 =	vmul.f32 v20, v11;
	v20 =	vld.idx.msk [tilespmem:v0+s29+$0x0 ss:$0x1], $0xffff  }
0x9b: {  	s8 =	sadd.s32 $0x200, s8;
	v26 =	vld.idx.msk [tilespmem:v0+s13+$0xFFFFFE40 ss:$0x1], $0xffff;
	[tilespmem:v0+s13+$0xFFFFFEB0 ss:$0x1] =	vst.idx.msk $0xffff, v16;
	v16 =	vmul.f32 v22, v7;
	v7 =	vmov v11  }
0x9c: {  	v13 =	vmul.f32 v13, v4;
	v22 =	vld.idx.msk [tilespmem:v0+s8+$0xFFFFFF10 ss:$0x1], $0xffff;
	[tilespmem:v0+s13+$0xFFFFFF40 ss:$0x1] =	vst.idx.msk $0xffff, v15  }
0x9d: {  	v15 =	vmul.f32 v23, v6;
	v11 =	vld.idx.msk [tilespmem:v21+s19+$0x0], $0xffff;
	[tilespmem:v0+s0+$0xFFFFFF80 ss:$0x1] =	vst.idx.msk $0xffff, v16  }
0x9e: {  	v16 =	vld.idx.msk [tilespmem:v0+s13+$0xFFFFFF50 ss:$0x1], $0xffff;
	[tilespmem:v0+s13+$0xFFFFFFB0 ss:$0x1] =	vst.idx.msk $0xffff, v17;
	v17 =	vmul.f32 v24, v2;
	v2 =	vmov v6;
	v6 =	vmov v9  }
0x9f: {  	v9 =	vld.idx.msk [tilespmem:v14+s19+$0x0], $0xffff;
	[tilespmem:v0+s0+$0xFFFFFEE0 ss:$0x1] =	vst.idx.msk $0xffff, v19;
	v14 =	vmul.f32 v25, v3;
	v3 =	vmov v5;
	v5 =	vmov v8  }
0xa0: {  	v8 =	vld.idx.msk [tilespmem:v12+s19+$0x0], $0xffff;
	[tilespmem:v0+s0+$0xFFFFFFE0 ss:$0x1] =	vst.idx.msk $0xffff, v13;
	v12 =	vmul.f32 v20, v1;
	v1 =	vmov v4;
	v4 =	vmov v10  }
0xa1: {  	v13 =	vmul.f32 v26, v6;
	v10 =	vld.idx.msk [tilespmem:v18+s19+$0x0], $0xffff;
	[tilespmem:v0+s0+$0xFFFFFE70 ss:$0x1] =	vst.idx.msk $0xffff, v15  }
0xa2: {  	v15 =	vld.idx.msk [tilespmem:v0+s8+$0xFFFFFE10 ss:$0x1], $0xffff;
	[tilespmem:v0+s29+$0xFFFFFE80 ss:$0x1] =	vst.idx.msk $0xffff, v17  }
0xa3: {  	v18 =	vmul.f32 v22, v11;
	v17 =	vld.idx.msk [tilespmem:v0+s8+$0xFFFFFE90 ss:$0x1], $0xffff;
	[tilespmem:v0+s13+$0xFFFFFE40 ss:$0x1] =	vst.idx.msk $0xffff, v13  }
0xa4: {  	v16 =	vmul.f32 v16, v7;
	v13 =	vld.idx.msk [tilespmem:v0+s8+$0xFFFFFF90 ss:$0x1], $0xffff;
	[tilespmem:v0+s29+$0xFFFFFF00 ss:$0x1] =	vst.idx.msk $0xffff, v14  }
0xa5: {  	[tilespmem:v0+s8+$0xFFFFFF10 ss:$0x1] =	vst.idx.msk $0xffff, v18;
	v14 =	vld.idx.msk [tilespmem:v0+s13+$0xFFFFFEC0 ss:$0x1], $0xffff  }
0xa6: {  	v18 =	vld.idx.msk [tilespmem:v0+s8+$0xFFFFFF20 ss:$0x1], $0xffff;
	[tilespmem:v0+s13+$0xFFFFFF50 ss:$0x1] =	vst.idx.msk $0xffff, v16  }
0xa7: {  	v16 =	vld.idx.msk [tilespmem:v0+s13+$0xFFFFFF60 ss:$0x1], $0xffff;
	[tilespmem:v0+s29+$0x0 ss:$0x1] =	vst.idx.msk $0xffff, v12;
	s29 =	smov.u32 s0;
	s0 =	smov.u32 s13;
	s13 =	smov.u32 s8  }
0xa8: {  	v12 =	vmul.f32 v15, v9;
	v15 =	vld.idx.msk [tilespmem:v0+s0+$0xFFFFFFC0 ss:$0x1], $0xffff  }
0xa9: {  	v17 =	vmul.f32 v17, v8;
	v19 =	vld.idx.msk [tilespmem:v0+s0+$0xFFFFFE50 ss:$0x1], $0xffff  }
0xaa: {  	[tilespmem:v0+s8+$0xFFFFFE10 ss:$0x1] =	vst.idx.msk $0xffff, v12;
	v12 =	vmul.f32 v13, v10;
	v13 =	vld.idx.msk [tilespmem:v0+s29+$0xFFFFFEF0 ss:$0x1], $0xffff  }
0xab: {  	v14 =	vmul.f32 v14, v5;
	v20 =	vld.idx.msk [tilespmem:v0+s8+$0xFFFFFE20 ss:$0x1], $0xffff;
	[tilespmem:v0+s8+$0xFFFFFE90 ss:$0x1] =	vst.idx.msk $0xffff, v17  }
0xac: {  	v18 =	vmul.f32 v18, v11;
	v17 =	vld.idx.msk [tilespmem:v0+s8+$0xFFFFFEA0 ss:$0x1], $0xffff;
	[tilespmem:v0+s8+$0xFFFFFF90 ss:$0x1] =	vst.idx.msk $0xffff, v12  }
0xad: {  	v12 =	vld.idx.msk [tilespmem:v0+s8+$0xFFFFFFA0 ss:$0x1], $0xffff;
	[tilespmem:v0+s0+$0xFFFFFEC0 ss:$0x1] =	vst.idx.msk $0xffff, v14;
	v14 =	vmul.f32 v16, v7  }
0xae: {  	v15 =	vmul.f32 v15, v4;
	[tilespmem:v0+s8+$0xFFFFFF20 ss:$0x1] =	vst.idx.msk $0xffff, v18;
	v16 =	vld.idx.msk [tilespmem:v0+s0+$0xFFFFFED0 ss:$0x1], $0xffff  }
0xaf: {  	v19 =	vmul.f32 v19, v6;
	v18 =	vld.idx.msk [tilespmem:v0+s8+$0xFFFFFF30 ss:$0x1], $0xffff;
	[tilespmem:v0+s0+$0xFFFFFF60 ss:$0x1] =	vst.idx.msk $0xffff, v14  }
0xb0: {  	v21 =	vld.idx.msk [tilespmem:v0+s0+$0xFFFFFF70 ss:$0x1], $0xffff;
	[tilespmem:v0+s0+$0xFFFFFFC0 ss:$0x1] =	vst.idx.msk $0xffff, v15;
	v15 =	vmul.f32 v13, v3  }
0xb1: {  	v20 =	vmul.f32 v20, v9;
	[tilespmem:v0+s0+$0xFFFFFE50 ss:$0x1] =	vst.idx.msk $0xffff, v19;
	v14 =	vld.idx.msk [tilespmem:v0+s0+$0xFFFFFFD0 ss:$0x1], $0xffff  }
.Ltmp0:
0xb2: {  	v17 =	vmul.f32 v17, v8;
	v13 =	vld.idx.msk [tilespmem:v0+s0+$0xFFFFFE60 ss:$0x1], $0xffff;
	[tilespmem:v0+s29+$0xFFFFFEF0 ss:$0x1] =	vst.idx.msk $0xffff, v15;
	(pc) =	sbr.rel @p0 .LBB2_4-.Ltmp0, $4  }
0xb3: {  	[tilespmem:v0+s8+$0xFFFFFE20 ss:$0x1] =	vst.idx.msk $0xffff, v20;
	v20 =	vmul.f32 v12, v10;
	v12 =	vld.idx.msk [tilespmem:v0+s29+$0xFFFFFFF0 ss:$0x1], $0xffff  }
0xb4: {  	v22 =	vmul.f32 v16, v5;
	v15 =	vld.idx.msk [tilespmem:v0+s8+$0xFFFFFE30 ss:$0x1], $0xffff;
	[tilespmem:v0+s8+$0xFFFFFEA0 ss:$0x1] =	vst.idx.msk $0xffff, v17  }
0xb5: {  	v19 =	vmul.f32 v18, v11;
	v16 =	vld.idx.msk [tilespmem:v0+s8+$0xFFFFFEB0 ss:$0x1], $0xffff;
	[tilespmem:v0+s8+$0xFFFFFFA0 ss:$0x1] =	vst.idx.msk $0xffff, v20  }
0xb6: {  	v18 =	vmul.f32 v21, v7;
	v17 =	vld.idx.msk [tilespmem:v0+s8+$0xFFFFFFB0 ss:$0x1], $0xffff;
	[tilespmem:v0+s0+$0xFFFFFED0 ss:$0x1] =	vst.idx.msk $0xffff, v22  }
0xb7: {  	_ =	sdelay $0x2  }
0xb8: {  	v15 =	vmul.f32 v15, v9  }
0xb9: {  	[tilespmem:v0+s8+$0xFFFFFF30 ss:$0x1] =	vst.idx.msk $0xffff, v19;
	v16 =	vmul.f32 v16, v8  }
0xba: {  	v19 =	vld.idx.msk [tilespmem:v0+s8+$0xFFFFFF40 ss:$0x1], $0xffff;
	v17 =	vmul.f32 v17, v10;
	[tilespmem:v0+s8+$0xFFFFFE30 ss:$0x1] =	vst.idx.msk $0xffff, v15  }
0xbb: {  	v15 =	vld.idx.msk [tilespmem:v0+s13+$0xFFFFFE40 ss:$0x1], $0xffff;
	[tilespmem:v0+s13+$0xFFFFFEB0 ss:$0x1] =	vst.idx.msk $0xffff, v16  }
0xbc: {  	[tilespmem:v0+s13+$0xFFFFFFB0 ss:$0x1] =	vst.idx.msk $0xffff, v17;
	v25 =	vld.idx.msk [tilespmem:v0+s13+$0xFFFFFEC0 ss:$0x1], $0xffff  }
0xbd: {  	v26 =	vld.idx.msk [tilespmem:v0+s13+$0xFFFFFFC0 ss:$0x1], $0xffff;
	_ =	sdelay $0x1  }
0xbe: {  	v24 =	vmul.f32 v19, v11  }
0xbf: {  	v15 =	vmul.f32 v15, v9  }
0xc0: {  	[tilespmem:v0+s13+$0xFFFFFF40 ss:$0x1] =	vst.idx.msk $0xffff, v24;
	v17 =	vmul.f32 v25, v8  }
0xc1: {  	v16 =	vld.idx.msk [tilespmem:v0+s13+$0xFFFFFF50 ss:$0x1], $0xffff;
	[tilespmem:v0+s13+$0xFFFFFE40 ss:$0x1] =	vst.idx.msk $0xffff, v15;
	v27 =	vmul.f32 v26, v10  }
0xc2: {  	v28 =	vld.idx.msk [tilespmem:v0+s13+$0xFFFFFE50 ss:$0x1], $0xffff;
	[tilespmem:v0+s13+$0xFFFFFEC0 ss:$0x1] =	vst.idx.msk $0xffff, v17  }
0xc3: {  	v14 =	vmul.f32 v14, v4;
	v17 =	vld.idx.msk [tilespmem:v0+s13+$0xFFFFFED0 ss:$0x1], $0xffff;
	[tilespmem:v0+s13+$0xFFFFFFC0 ss:$0x1] =	vst.idx.msk $0xffff, v27  }
0xc4: {  	v13 =	vmul.f32 v13, v6;
	[tilespmem:v0+s0+$0xFFFFFF70 ss:$0x1] =	vst.idx.msk $0xffff, v18;
	v15 =	vld.idx.msk [tilespmem:v0+s13+$0xFFFFFFD0 ss:$0x1], $0xffff  }
0xc5: {  	v30 =	vld.idx.msk [tilespmem:v0+s0+$0xFFFFFEE0 ss:$0x1], $0xffff;
	v12 =	vmul.f32 v12, v1;
	[tilespmem:v0+s0+$0xFFFFFFD0 ss:$0x1] =	vst.idx.msk $0xffff, v14  }
0xc6: {  	v41 =	vld.idx.msk [tilespmem:v0+s29+$0xFFFFFE80 ss:$0x1], $0xffff;
	[tilespmem:v0+s0+$0xFFFFFE60 ss:$0x1] =	vst.idx.msk $0xffff, v13;
	v16 =	vmul.f32 v16, v11  }
0xc7: {  	v18 =	vld.idx.msk [tilespmem:v0+s0+$0xFFFFFF80 ss:$0x1], $0xffff;
	[tilespmem:v0+s29+$0xFFFFFFF0 ss:$0x1] =	vst.idx.msk $0xffff, v12;
	v31 =	vmul.f32 v28, v9  }
0xc8: {  	v32 =	vld.idx.msk [tilespmem:v0+s0+$0xFFFFFFE0 ss:$0x1], $0xffff;
	[tilespmem:v0+s13+$0xFFFFFF50 ss:$0x1] =	vst.idx.msk $0xffff, v16;
	v33 =	vmul.f32 v17, v8  }
0xc9: {  	v29 =	vld.idx.msk [tilespmem:v0+s13+$0xFFFFFF60 ss:$0x1], $0xffff;
	[tilespmem:v0+s13+$0xFFFFFE50 ss:$0x1] =	vst.idx.msk $0xffff, v31;
	v35 =	vmul.f32 v15, v10  }
0xca: {  	v39 =	vmul.f32 v30, v5;
	v36 =	vld.idx.msk [tilespmem:v0+s13+$0xFFFFFE60 ss:$0x1], $0xffff;
	[tilespmem:v0+s13+$0xFFFFFED0 ss:$0x1] =	vst.idx.msk $0xffff, v33  }
0xcb: {  	v2 =	vmul.f32 v41, v2;
	v38 =	vld.idx.msk [tilespmem:v0+s13+$0xFFFFFEE0 ss:$0x1], $0xffff;
	[tilespmem:v0+s13+$0xFFFFFFD0 ss:$0x1] =	vst.idx.msk $0xffff, v35  }
0xcc: {  	v7 =	vmul.f32 v18, v7;
	[tilespmem:v0+s0+$0xFFFFFEE0 ss:$0x1] =	vst.idx.msk $0xffff, v39;
	v40 =	vld.idx.msk [tilespmem:v0+s13+$0xFFFFFFE0 ss:$0x1], $0xffff  }
0xcd: {  	v45 =	vld.idx.msk [tilespmem:v0+s29+$0xFFFFFF00 ss:$0x1], $0xffff;
	[tilespmem:v0+s29+$0xFFFFFE80 ss:$0x1] =	vst.idx.msk $0xffff, v2;
	v42 =	vmul.f32 v32, v4  }
0xce: {  	v34 =	vld.idx.msk [tilespmem:v0+s0+$0xFFFFFE70 ss:$0x1], $0xffff;
	[tilespmem:v0+s0+$0xFFFFFF80 ss:$0x1] =	vst.idx.msk $0xffff, v7;
	v37 =	vmul.f32 v29, v11  }
0xcf: {  	v46 =	vld.idx.msk [tilespmem:v0+s0+$0xFFFFFEF0 ss:$0x1], $0xffff;
	[tilespmem:v0+s0+$0xFFFFFFE0 ss:$0x1] =	vst.idx.msk $0xffff, v42;
	v15 =	vmul.f32 v36, v9  }
0xd0: {  	v18 =	vld.idx.msk [tilespmem:v0+s0+$0xFFFFFFF0 ss:$0x1], $0xffff;
	[tilespmem:v0+s13+$0xFFFFFF60 ss:$0x1] =	vst.idx.msk $0xffff, v37;
	v14 =	vmul.f32 v38, v8  }
0xd1: {  	v44 =	vld.idx.msk [tilespmem:v0+s13+$0xFFFFFF70 ss:$0x1], $0xffff;
	[tilespmem:v0+s13+$0xFFFFFE60 ss:$0x1] =	vst.idx.msk $0xffff, v15;
	v7 =	vmul.f32 v40, v10  }
0xd2: {  	v3 =	vmul.f32 v45, v3;
	v15 =	vld.idx.msk [tilespmem:v0+s13+$0xFFFFFE70 ss:$0x1], $0xffff;
	[tilespmem:v0+s13+$0xFFFFFEE0 ss:$0x1] =	vst.idx.msk $0xffff, v14  }
0xd3: {  	v43 =	vmul.f32 v34, v6;
	[tilespmem:v0+s13+$0xFFFFFFE0 ss:$0x1] =	vst.idx.msk $0xffff, v7;
	v47 =	vld.idx.msk [tilespmem:v0+s13+$0xFFFFFEF0 ss:$0x1], $0xffff  }
0xd4: {  	[tilespmem:v0+s29+$0xFFFFFF00 ss:$0x1] =	vst.idx.msk $0xffff, v3;
	v12 =	vmul.f32 v46, v5;
	v48 =	vld.idx.msk [tilespmem:v0+s13+$0xFFFFFFF0 ss:$0x1], $0xffff  }
0xd5: {  	v49 =	vld.idx.msk [tilespmem:v0+s29+$0x0 ss:$0x1], $0xffff;
	[tilespmem:v0+s0+$0xFFFFFE70 ss:$0x1] =	vst.idx.msk $0xffff, v43;
	v51 =	vmul.f32 v18, v4  }
0xd6: {  	v52 =	vld.idx.msk [tilespmem:v0+s0+$0xFFFFFE80 ss:$0x1], $0xffff;
	[tilespmem:v0+s0+$0xFFFFFEF0 ss:$0x1] =	vst.idx.msk $0xffff, v12;
	v13 =	vmul.f32 v44, v11  }
0xd7: {  	v53 =	vld.idx.msk [tilespmem:v0+s0+$0xFFFFFF00 ss:$0x1], $0xffff;
	[tilespmem:v0+s0+$0xFFFFFFF0 ss:$0x1] =	vst.idx.msk $0xffff, v51;
	v15 =	vmul.f32 v15, v9  }
0xd8: {  	v54 =	vld.idx.msk [tilespmem:v0+s0+$0x0 ss:$0x1], $0xffff;
	[tilespmem:v0+s13+$0xFFFFFF70 ss:$0x1] =	vst.idx.msk $0xffff, v13;
	v7 =	vmul.f32 v47, v8  }
0xd9: {  	v50 =	vld.idx.msk [tilespmem:v0+s13+$0xFFFFFF80 ss:$0x1], $0xffff;
	[tilespmem:v0+s13+$0xFFFFFE70 ss:$0x1] =	vst.idx.msk $0xffff, v15;
	v2 =	vmul.f32 v48, v10  }
0xda: {  	v55 =	vmul.f32 v49, v1;
	[tilespmem:v0+s13+$0xFFFFFEF0 ss:$0x1] =	vst.idx.msk $0xffff, v7;
	v56 =	vld.idx.msk [tilespmem:v0+s13+$0xFFFFFE80 ss:$0x1], $0xffff  }
0xdb: {  	v58 =	vmul.f32 v52, v6;
	[tilespmem:v0+s13+$0xFFFFFFF0 ss:$0x1] =	vst.idx.msk $0xffff, v2;
	v57 =	vld.idx.msk [tilespmem:v0+s13+$0xFFFFFF00 ss:$0x1], $0xffff  }
0xdc: {  	[tilespmem:v0+s29+$0x0 ss:$0x1] =	vst.idx.msk $0xffff, v55;
	v60 =	vmul.f32 v53, v5;
	v59 =	vld.idx.msk [tilespmem:v0+s13+$0x0 ss:$0x1], $0xffff  }
0xdd: {  	[tilespmem:v0+s0+$0xFFFFFE80 ss:$0x1] =	vst.idx.msk $0xffff, v58;
	v61 =	vmul.f32 v54, v4  }
0xde: {  	s4 =	sadd.s32 $0x2, s30;
	p0 =	sgt.u32 s30, $0x16;
	[tilespmem:v0+s0+$0xFFFFFF00 ss:$0x1] =	vst.idx.msk $0xffff, v60;
	v3 =	vmul.f32 v50, v11  }
0xdf: {  	s8 =	smul.u32 @!p0 $0xAB, s4;
	[tilespmem:v0+s0+$0x0 ss:$0x1] =	vst.idx.msk $0xffff, v61;
	v62 =	vmul.f32 v56, v9  }
0xe0: {  	[tilespmem:v0+s13+$0xFFFFFF80 ss:$0x1] =	vst.idx.msk $0xffff, v3;
	v2 =	vmul.f32 v57, v8  }
0xe1: {  	s8 =	sshrl.u32 @!p0 s8, $0x9;
	s29 =	sshll.u32 s30, $0x7;
	v63 =	vmul.f32 v59, v10;
	[tilespmem:v0+s13+$0xFFFFFE80 ss:$0x1] =	vst.idx.msk $0xffff, v62  }
0xe2: {  	s8 =	sand.u32 @!p0 $0x7F, s8;
	s0 =	sand.u32 $0x3FFFFF80, s29;
	[tilespmem:v0+s13+$0xFFFFFF00 ss:$0x1] =	vst.idx.msk $0xffff, v2  }
0xe3: {  	s9 =	sadd.s32 $0x4, s31;
	s8 =	smul.u32 @!p0 $0x3, s8;
	s0 =	sadd.s32 $0x800, s0;
	[tilespmem:v0+s13+$0x0 ss:$0x1] =	vst.idx.msk $0xffff, v63  }
0xe4: {  	[spmem:s3] =	stream.indirect.scatter.add.f32 [tilespmem:s2], [sflag:s9], $0x80, s0, s20, $0xb8;
	[tilespmem:$0x1D800] =	vst v63  }
0xe5: {  	p1 =	seq.s32 @!p0 s30, $0x0;
	s0 =	ssub.s32 @!p0 s4, s8  }
0xe6: {  	p1 =	por p1, p0;
	s4 =	smul.u32 @!p0 $0x140, s4;
	s0 =	sand.u32 @!p0 $0xFF, s0  }
0xe7: {  	s2 =	sadd.s32 @!p1 $0x4, s0;
	s8 =	smul.u32 @!p0 $0xA000, s0  }
0xe8: {  	s30 =	sadd.s32 $0x1, s30;
	s4 =	sshra.s32 @!p0 s4, $0x2;
	_ =	swait.ge @!p1 [sflag:s2], $0x2800  }
0xe9: {  	s0 =	sadd.s32 @!p0 $0x1, s0;
	[sflag:s2] =	ssyncset.done @!p1 $0x0;
	s8 =	sshrl.u32 @!p0 s8, $0x2  }
0xea: {  	[sflag:s2] =	ssyncadd.s32 @!p1 $0xFFFFD800;
	s2 =	sadd.s32 @!p0 $0x2000, s8;
	s8 =	simm.s32 @!p0 $0x50  }
0xeb: {  	[tilespmem:s2], [sflag:s0] =	stream.indirect.gather @!p0 [hbm4b:s1+s8], $0x80, s4, s8, $0xb8;
	[tilespmem:$0x1D800] =	vst v63  }
0xec: {  	p0 =	sne.s32 s30, $0x19  }
.Ltmp1:
0xed: {  	_ = 	snop;
	(pc) =	sbr.rel @p0 .LBB2_3-.Ltmp1, $2  }
0xee: {  	_ =	sdelay $0x2  }
0xef: {  	s12 =	sadd.s32 $0x2800, s12;
	s28 =	sadd.s32 $0x50, s28  }
0xf0: {  	_ =	swait.ge [sflag:s23], $0x2800  }
0xf1: {  	[sflag:s23] =	ssyncset.done $0x0  }
0xf2: {  	s26 =	sadd.s32 $0x1, s26;
	[sflag:s23] =	ssyncadd.s32 $0xFFFFD800  }
0xf3: {  	p0 =	sne.s32 s26, $0x5;
	_ =	swait.ge [sflag:s24], $0x2800  }
.Ltmp2:
0xf4: {  	[sflag:s24] =	ssyncset.done $0x0;
	(pc) =	sbr.rel @p0 .LBB2_2-.Ltmp2, $4  }
0xf5: {  	[sflag:s24] =	ssyncadd.s32 $0xFFFFD800  }
0xf6: {  	_ =	swait.ge [sflag:s25], $0x2800  }
0xf7: {  	[sflag:s25] =	ssyncset.done $0x0  }
0xf8: {  	[sflag:s25] =	ssyncadd.s32 $0xFFFFD800  }
0xf9: {  	[bflag:$0x0] =	sbarrier.arrive $0xFFFF  }
0xfa: {  	s4 =	rddreg [dreg:$0x6]  }
0xfb: {  	s0 =	rddreg [dreg:$0x7]  }
0xfc: {  	s2 =	rddreg [dreg:$0x9]  }
0xfd: {  	[hbm:s0], [sflag:s4] =	dma.local [spmem:s2], $0x2800  }
0xfe: {  	_ =	swait.ge [sflag:s15], $0x2800  }
0xff: {  	s18 =	rddreg [dreg:$0x4]  }
0x100: {  	s31 =	rddreg [dreg:$0x8];
	s18 =	sadd.s32 $0x1, s18  }
0x101: {  	p0 =	sne.s32 s18, s31  }
.Ltmp3:
0x102: {  	_ = 	snop;
	(pc) =	sbr.rel @p0 .LBB2_1-.Ltmp3, $3  }
0x103: {  	_ =	sdelay $0x1  }
0x104: {  	[sflag:s15] =	ssyncset.done $0x0  }
0x105: {  	[sflag:s15] =	ssyncadd.s32 $0xFFFFD800  }
0x106: {  	_ =	sfence.sel $0x180000  }
0x107: {  	[bflag:$0x0] =	sbarrier.arrive $0xFFFF  }
0x108: {  	_ =	strace $0x9000004A  }
0x109: {  	s0 =	stileid.u32;
	[bflag:$0x2] =	sbarrier.arrive $0xFFFF  }
0x10a: {  	p0 =	sne.s32 s0, $0x0;
	s0 =	rddreg [dreg:$0x3]  }
0x10b: {  	s0 =	sadd.s32 @!p0 $0x100000, s0  }
0x10c: {  	[sflag:s0] =	ssyncadd.tile.s32 @!p0 $0x1;
	_ =	shalt  }
.Lfunc_end2:
_tile_overlayer_lowered:
.L_overlay_start_2:
0x10d: {  	(tag) =	ssettag $0x2  }
0x10e: {  	s0 =	rddreg [dreg:$0x0];
	s2 =	stileid.u32  }
0x10f: {  	s1 =	rddreg [dreg:$0x1];
	p0 =	sne.s32 s2, $0x0  }
0x110: {  	s3 =	rddreg [dreg:$0x2];
	[bflag:$0x3] =	sbarrier.arrive $0xFFFF;
	s2 =	simm.s32 @!p0 $0x1C07  }
0x111: {  	[timem:s3], [sflag:s2] =	dma.local @!p0 [hbm:s0], s1  }
0x112: {  	s0 =	simm.s32 @!p0 $0x7  }
0x113: {  	_ =	swait.ge @!p0 [sflag:s0], s1  }
0x114: {  	s1 =	ssub.s32 @!p0 $0x0, s1;
	[sflag:s0] =	ssyncset.done @!p0 $0x0  }
0x115: {  	[sflag:s0] =	ssyncadd.s32 @!p0 s1  }
0x116: {  	[bflag:$0x3] =	sbarrier.arrive $0xFFFF  }
0x117: {  	_ =	shalt  }

// kernel: kernel.14.cloned.1.call-start
scs
__scs_entry_jumppad:
0x0: {  	(pc) =	sbr.rel $0x88, $3  }
0x1: {  	(tag) =	ssettag $0x0;
	lr =	simm.s32 $0x1  }
0x2: {  	[smem:$0x3F98] =	sst lr;
	_ =	strace $0xD0000000  }
0x3: {  	_ = 	snop  }
0x4: {  	_ = 	snop  }
0x5: {  	_ = 	snop  }
0x6: {  	_ = 	snop  }
0x7: {  	_ = 	snop  }
__scs_overlays_trampoline_lowered:
0x8: {  	[smem:$0x3FA7] =	sst s0  }
0x9: {  	[smem:$0x3FA8] =	sst s1  }
0xa: {  	[smem:$0x3FA9] =	sst s2  }
0xb: {  	[smem:$0x3FAA] =	sst s3  }
0xc: {  	[smem:$0x3FAB] =	sst s4  }
0xd: {  	[smem:$0x3FAC] =	sst s5  }
0xe: {  	[smem:$0x3FAD] =	sst s6  }
0xf: {  	[smem:$0x3FAE] =	sst s7  }
0x10: {  	[smem:$0x3FAF] =	sst s8  }
0x11: {  	[smem:$0x3FB0] =	sst s9;
	s0 =	simm.s32 @!p0 $0x0  }
0x12: {  	s1 =	sld [smem:$0x3F96];
	s0 =	simm.s32 @p0 $0x1  }
0x13: {  	[smem:$0x3FB1] =	sst s0;
	s0 =	simm.s32 @!p1 $0x0  }
0x14: {  	s2 =	sld [smem:$0x3F95];
	s0 =	simm.s32 @p1 $0x1  }
0x15: {  	[smem:$0x3FB2] =	sst s0;
	s0 =	simm.s32 @!p2 $0x0  }
0x16: {  	s3 =	sld [smem:$0x3FDB];
	s0 =	simm.s32 @p2 $0x1  }
0x17: {  	s4 =	simm.s32 $0x1BF5;
	[smem:$0x3FB4] =	sst s0  }
0x18: {  	s0 =	sld [smem:$0x3F97];
	_ =	swait.ge [sflag:s4], $0x0  }
0x19: {  	s7 =	sld [smem:$0x3F98]  }
0x1a: {  	s8 =	sadd.s32 $0xFFFFE003, lr  }
0x1b: {  	s9 =	sadd.s32 $0xFFFFFEF7, lr;
	s5 =	simm.s32 $0xFFFFFFFF;
	p2 =	slt.u32 s8, $0xFFFFF086  }
0x1c: {  	p1 =	slt.u32 s9, $0xF7A;
	s5 =	simm.s32 @!p2 $0x0  }
0x1d: {  	s5 =	simm.s32 @p1 $0x1;
	p0 =	seq.s32 s7, s2  }
0x1e: {  	s7 =	smul.u32 @!p0 $0xF7A, s2;
	p2 =	seq.s32 @!p0 s5, $0x0  }
0x1f: {  	s9 =	smul.u32 $0xF7A, s1;
	s8 =	simm.s32 @!p0 $0x1BF5;
	p2 =	por !p2, p0  }
0x20: {  	[sflag:s8] =	ssyncset.s32 @!p0 $0xFFFFF086;
	s6 =	sadd.s32 @!p0 s3, s7;
	s7 =	simm.s32 @!p0 $0x108  }
0x21: {  	s3 =	sadd.s32 s3, s9;
	s6 =	sadd.s32 @!p0 $0x88, s6;
	s7 =	simm.s32 @p2 $0x1082  }
0x22: {  	[simem:s7], [sflag:s8] =	dma.local @!p0 [hbm:s6], $0xF7A  }
0x23: {  	s9 =	sor.u32 $0xD0000000, s2;
	s6 =	simm.s32 $0x108;
	_ =	swait.ge @!p0 [sflag:s8], $0x0  }
0x24: {  	s3 =	sadd.s32 $0x88, s3;
	s6 =	simm.s32 @!p1 $0x1082;
	[sflag:s4] =	ssyncset.s32 $0xFFFFF086  }
0x25: {  	[simem:s6], [sflag:s4] =	dma.local [hbm:s3], $0xF7A  }
0x26: {  	[smem:$0x3F98] =	sst s1;
	(tag) =	ssettag s2;
	_ =	strace s9  }
0x27: {  	s1 =	sld [smem:$0x3FA8]  }
0x28: {  	s2 =	sld [smem:$0x3FA9]  }
0x29: {  	s4 =	sld [smem:$0x3FAB]  }
0x2a: {  	p0 =	seq.s32 s5, $0x0;
	s5 =	sld [smem:$0x3FAC]  }
0x2b: {  	s6 =	sld [smem:$0x3FAD]  }
0x2c: {  	s7 =	sld [smem:$0x3FAE]  }
0x2d: {  	s3 =	simm.s32 $0x108;
	s8 =	sld [smem:$0x3FAF]  }
0x2e: {  	s3 =	simm.s32 @!p0 $0x1082;
	s9 =	sld [smem:$0x3FB0]  }
0x2f: {  	lr =	sadd.s32 s0, s3;
	s0 =	sld [smem:$0x3FA7]  }
0x30: {  	s3 =	sld [smem:$0x3FAA]  }
0x31: {  	[smem:$0x3FB3] =	sst s10  }
0x32: {  	s10 =	sld [smem:$0x3FB1];
	_ =	sdelay $0x3  }
0x33: {  	p0 =	seq.s32 s10, $0x1;
	s10 =	sld [smem:$0x3FB3];
	_ =	sdelay $0x3  }
0x34: {  	[smem:$0x3FB3] =	sst s10  }
0x35: {  	s10 =	sld [smem:$0x3FB2];
	_ =	sdelay $0x3  }
0x36: {  	p1 =	seq.s32 s10, $0x1;
	s10 =	sld [smem:$0x3FB3];
	_ =	sdelay $0x3  }
0x37: {  	[smem:$0x3FB3] =	sst s10  }
0x38: {  	s10 =	sld [smem:$0x3FB4]  }
0x39: {  	_ = 	snop;
	(pc) =	sbr.ind lr, $3  }
0x3a: {  	_ = 	snop  }
0x3b: {  	_ = 	snop  }
0x3c: {  	p2 =	seq.s32 s10, $0x1;
	s10 =	sld [smem:$0x3FB3]  }
0x3d: {  	_ =	shalt  }
0x3e: {  	_ =	shalt  }
0x3f: {  	_ =	shalt  }
0x40: {  	_ =	shalt  }
0x41: {  	_ =	shalt  }
0x42: {  	_ =	shalt  }
0x43: {  	_ =	shalt  }
0x44: {  	_ =	shalt  }
0x45: {  	_ =	shalt  }
0x46: {  	_ =	shalt  }
0x47: {  	_ =	shalt  }
0x48: {  	_ =	shalt  }
0x49: {  	_ =	shalt  }
0x4a: {  	_ =	shalt  }
0x4b: {  	_ =	shalt  }
0x4c: {  	_ =	shalt  }
0x4d: {  	_ =	shalt  }
0x4e: {  	_ =	shalt  }
0x4f: {  	_ =	shalt  }
0x50: {  	_ =	shalt  }
0x51: {  	_ =	shalt  }
0x52: {  	_ =	shalt  }
0x53: {  	_ =	shalt  }
0x54: {  	_ =	shalt  }
0x55: {  	_ =	shalt  }
0x56: {  	_ =	shalt  }
0x57: {  	_ =	shalt  }
0x58: {  	_ =	shalt  }
0x59: {  	_ =	shalt  }
0x5a: {  	_ =	shalt  }
0x5b: {  	_ =	shalt  }
0x5c: {  	_ =	shalt  }
0x5d: {  	_ =	shalt  }
0x5e: {  	_ =	shalt  }
0x5f: {  	_ =	shalt  }
0x60: {  	_ =	shalt  }
0x61: {  	_ =	shalt  }
0x62: {  	_ =	shalt  }
0x63: {  	_ =	shalt  }
0x64: {  	_ =	shalt  }
0x65: {  	_ =	shalt  }
0x66: {  	_ =	shalt  }
0x67: {  	_ =	shalt  }
0x68: {  	_ =	shalt  }
0x69: {  	_ =	shalt  }
0x6a: {  	_ =	shalt  }
0x6b: {  	_ =	shalt  }
0x6c: {  	_ =	shalt  }
0x6d: {  	_ =	shalt  }
0x6e: {  	_ =	shalt  }
0x6f: {  	_ =	shalt  }
0x70: {  	_ =	shalt  }
0x71: {  	_ =	shalt  }
0x72: {  	_ =	shalt  }
0x73: {  	_ =	shalt  }
0x74: {  	_ =	shalt  }
0x75: {  	_ =	shalt  }
0x76: {  	_ =	shalt  }
0x77: {  	_ =	shalt  }
0x78: {  	_ =	shalt  }
0x79: {  	_ =	shalt  }
0x7a: {  	_ =	shalt  }
0x7b: {  	_ =	shalt  }
0x7c: {  	_ =	shalt  }
0x7d: {  	_ =	shalt  }
0x7e: {  	_ =	shalt  }
0x7f: {  	_ =	shalt  }
0x80: {  	_ =	shalt  }
0x81: {  	_ =	shalt  }
0x82: {  	_ =	shalt  }
0x83: {  	_ =	shalt  }
0x84: {  	_ =	shalt  }
0x85: {  	_ =	shalt  }
0x86: {  	_ =	shalt  }
0x87: {  	_ =	shalt  }
.Lfunc_end0:
.L_simem_size_0:
called_computation.2_lowered:
.L_overlay_start_0:
0x88: {  	s2 =	sld [smem:$0x3FD9]  }
0x89: {  	s3 =	sld [smem:$0x3FFE];
	_ =	sdelay $0x1  }
0x8a: {  	s1 =	srdreg.scid  }
0x8b: {  	s0 =	sand.u32 $0x1, s1  }
0x8c: {  	s17 =	sshll.u32 s0, $0xA;
	s2 =	sadd.s32 s3, s2  }
0x8d: {  	s2 =	sadd.s32 s2, s17  }
0x8e: {  	[smem:$0x3FBF] =	sst s2  }
0x8f: {  	_ = 	snop  }
0x90: {  	s2 =	sld [smem:$0x3FD0];
	(tm) =	ssettm $0x1  }
0x91: {  	s18 =	sld [smem:$0x3FFB];
	_ =	sdelay $0x3  }
0x92: {  	_ =	strace s18  }
0x93: {  	s3 =	sld [smem:$0x3FFC];
	_ =	sdelay $0x3  }
0x94: {  	_ =	strace s3  }
0x95: {  	s3 =	sld [smem:$0x3FFD];
	_ =	sdelay $0x3  }
0x96: {  	_ =	strace s3  }
0x97: {  	_ =	strace $0x8FFFFFFF  }
0x98: {  	s19 =	sld [smem:$0x3FDB];
	_ =	sdelay $0x1  }
0x99: {  	s4 =	simm.s32 $_scs_section_size  }
0x9a: {  	s5 =	simm.s32 $_size__tile_overlayer_lowered;
	s6 =	simm.s32 $_tile_overlayer_lowered  }
0x9b: {  	s22 =	simm.s32 $0x1BFF;
	s21 =	sshll.u32 s6, $0x1;
	s3 =	sadd.s32 s4, s19  }
0x9c: {  	s7 =	simm.s32 $0x0;
	s20 =	sshll.u32 s5, $0x1;
	s5 =	sadd.s32 s21, s3  }
0x9d: {  	[timem:s7], [sflag:s22] =	dma.local [hbm:s5], s20  }
0x9e: {  	_ =	swait.ge [sflag:s22], s20  }
0x9f: {  	s4 =	ssub.s32 $0x0, s20;
	[sflag:s22] =	ssyncset.done $0x0  }
0xa0: {  	[sflag:s22] =	ssyncadd.s32 s4;
	_ =	sdelay $0x1  }
0xa1: {  	s23 =	simm.s32 $0x1B8B  }
0xa2: {  	_ =	swait.ge [sflag:s23], $0x1  }
0xa3: {  	[sflag:s23] =	ssyncset.done $0x0  }
0xa4: {  	s25 =	simm.s32 $0x1B8E;
	s24 =	sld [smem:$0x3FFE];
	[sflag:s23] =	ssyncadd.s32 $0xFFFFFFFF  }
0xa5: {  	s26 =	simm.s32 $execute0_lowered;
	[smem:$0x3FD2] =	sst s25  }
0xa6: {  	s5 =	sshll.u32 s26, $0x1;
	_ =	strace $0x8000004C;
	[dreg:$0x1] =	wrdreg $0xFFFFFFFF  }
0xa7: {  	s28 =	simm.s32 $_size_execute0_lowered;
	s3 =	sadd.s32 s3, s5;
	[dreg:$0x0] =	wrdreg $0x0  }
0xa8: {  	s5 =	sshll.u32 s28, $0x1;
	[dreg:$0x2] =	wrdreg s3  }
0xa9: {  	[dreg:$0x3] =	wrdreg s5  }
0xaa: {  	[dreg:$0x4] =	wrdreg $0xC0  }
0xab: {  	_ =	task [dreg:s7], $0x5FFFF  }
0xac: {  	[dreg:$0x1] =	wrdreg $0xFFFFFFFF  }
0xad: {  	[dreg:$0x0] =	wrdreg $0x60  }
0xae: {  	[dreg:$0x2] =	wrdreg s2  }
0xaf: {  	[dreg:$0x3] =	wrdreg s24  }
0xb0: {  	[dreg:$0x4] =	wrdreg $0x98000  }
0xb1: {  	[dreg:$0x5] =	wrdreg $0x9  }
0xb2: {  	_ =	task.clear_ibuf [dreg:s7], $0x6FFFF;
	_ =	strace $0x9000004C  }
0xb3: {  	s29 =	simm.s32 $0x9;
	_ =	strace $0x8000004E  }
0xb4: {  	_ =	swait.ge [sflag:s29], $0x1  }
0xb5: {  	[sflag:s29] =	ssyncadd.s32 $0xFFFFFFFF  }
0xb6: {  	_ =	strace $0x9000004E  }
0xb7: {  	_ =	sfence  }
0xb8: {  	s30 =	sld [smem:$0x0];
	_ =	sdelay $0x2  }
0xb9: {  	s31 =	sshll.u32 s1, $0xD;
	s1 =	sshrl.u32 s1, $0x2  }
0xba: {  	s3 =	sand.u32 $0x4000, s31;
	s1 =	sadd.s32 s1, s30  }
0xbb: {  	s0 =	sor.u32 s3, s0;
	s1 =	sshll.u32 s1, $0x11  }
0xbc: {  	s0 =	sor.u32 s1, s0  }
0xbd: {  	s0 =	sadd.s32 $0x8F2B, s0  }
0xbe: {  	[sflag:s0] =	ssyncadd.remote.s32 $0x1  }
0xbf: {  	_ =	sfence.sel $0xFFFF  }
0xc0: {  	[dreg:$0x0] =	wrdreg $0xFFFFFFFF;
	(pc) =	sbr.abs _section_cstart, $3  }
0xc1: {  	[dreg:$0x1] =	wrdreg $0xFFFFFFFF  }
0xc2: {  	_ =	task.clear_ibuf [dreg:s7], $0x2FFFF;
	_ =	strace $0x9FFFFFFF  }
0xc3: {  	(tm) =	ssettm $0x7FFFFFFF  }
tec
execute0_lowered:
.L_overlay_start_1:
0x0: {  	(tag) =	ssettag $0x1  }
0x1: {  	s1 =	rddreg [dreg:$0x0]  }
0x2: {  	s0 =	rddreg [dreg:$0x1]  }
0x3: {  	s3 =	rddreg [dreg:$0x2];
	s18 =	simm.s32 $0x0  }
0x4: {  	s4 =	stileid.u32;
	s2 =	srdreg.scid;
	s15 =	simm.s32 $0x7  }
0x5: {  	s16 =	simm.s32 $0x80;
	s17 =	simm.s32 $0x400;
	s19 =	simm.s32 $0x1800  }
0x6: {  	s20 =	simm.s32 $0x50;
	s21 =	simm.s32 $0x2000;
	s22 =	simm.s32 $0x4800  }
0x7: {  	s23 =	simm.s32 $0x5;
	[smem:$0x7FF] =	sst s18;
	s8 =	smul.u32 $0x14000, s4  }
0x8: {  	s2 =	sand.u32 $0x1, s2;
	s5 =	sadd.s32 $0x38400, s0;
	s11 =	smul.u32 $0x50000, s4  }
0x9: {  	s6 =	sadd.s32 $0x24400, s0;
	s7 =	sadd.s32 $0x14400, s0;
	s14 =	smul.u32 $0x5000, s4  }
0xa: {  	s28 =	sshll.u32 s4, $0x6;
	s13 =	sshll.u32 s4, $0xB;
	s9 =	smul.u32 $0x140000, s2  }
0xb: {  	_ =	strace $0x8000004D;
	s24 =	ssub.s32 $0x2, s2;
	s29 =	smul.u32 $0x50000, s2  }
0xc: {  	s2 =	sshll.u32 s2, $0xF;
	s4 =	sor.u32 $0x1C07, s28;
	s10 =	sshrl.u32 s8, $0x3  }
0xd: {  	s12 =	sshrl.u32 s24, $0x1;
	s26 =	sshrl.u32 s11, $0x2;
	[dreg:$0x6] =	wrdreg s4  }
0xe: {  	s8 =	sadd.s32 s8, s9;
	s10 =	sadd.s32 s10, s0;
	s25 =	ssub.s32 s24, s12  }
0xf: {  	s9 =	sadd.s32 s26, s3;
	s8 =	sshrl.u32 s8, $0x3;
	s30 =	sadd.s32 $0x6F600, s10  }
0x10: {  	s10 =	sor.u32 s13, s2;
	s31 =	smax.u32 s25, $0x1;
	[dreg:$0x5] =	wrdreg s30  }
0x11: {  	s2 =	sshrl.u32 s9, $0x3;
	s0 =	sadd.s32 s8, s0;
	[dreg:$0x8] =	wrdreg s31  }
0x12: {  	s11 =	sadd.s32 s14, s29;
	[dreg:$0x9] =	wrdreg s2;
	s0 =	sadd.s32 $0x97600, s0  }
0x13: {  	s24 =	simm.s32 $0x6;
	s25 =	simm.s32 $0x4;
	[dreg:$0x7] =	wrdreg s0  }
.LBB2_1:
0x14: {  	[dreg:$0x4] =	wrdreg s18  }
0x15: {  	s0 =	rddreg [dreg:$0x5]  }
0x16: {  	[spmem:s2], [sflag:s4] =	dma.local [hbm:s0], $0x2800  }
0x17: {  	_ =	swait.ge [sflag:s15], $0x2800  }
0x18: {  	[sflag:s15] =	ssyncset.done $0x0  }
0x19: {  	[sflag:s15] =	ssyncadd.s32 $0xFFFFD800  }
0x1a: {  	s26 =	simm.s32 $0x0;
	[bflag:$0x0] =	sbarrier.arrive $0xFFFF  }
.LBB2_2:
0x1b: {  	s0 =	sshll.u32 s26, $0x4  }
0x1c: {  	s0 =	sadd.s32 s10, s0  }
0x1d: {  	s28 =	simm.s32 $0x0;
	s31 =	sshll.u32 s26, $0xC;
	s2 =	sadd.s32 s5, s0  }
0x1e: {  	[tilespmem:s28], [sflag:$0x7] =	stream.strided.gather [hbm4b:s2+s16], $0x800, s17, s16, $0x38;
	[tilespmem:$0x1D800] =	vst v63  }
0x1f: {  	s2 =	sadd.s32 s31, s11;
	_ =	swait.ge [sflag:s15], $0x800  }
0x20: {  	s2 =	sshrl.u32 s2, $0x3;
	[sflag:s15] =	ssyncset.done $0x0  }
0x21: {  	s4 =	simm.s32 $0x800;
	s2 =	sadd.s32 s6, s2;
	[sflag:s15] =	ssyncadd.s32 $0xFFFFF800  }
0x22: {  	[tilespmem:s4], [sflag:$0x7] =	stream.linear.gather [hbm4b:s2+s28], $0xC80, $0x38;
	[tilespmem:$0x1D800] =	vst v63  }
0x23: {  	_ =	swait.ge [sflag:s15], $0xC80  }
0x24: {  	[sflag:s15] =	ssyncset.done $0x0  }
0x25: {  	s0 =	sadd.s32 s7, s0;
	[sflag:s15] =	ssyncadd.s32 $0xFFFFF380  }
0x26: {  	[tilespmem:s19], [sflag:$0x7] =	stream.strided.gather [hbm4b:s0+s16], $0x800, s17, s16, $0x38;
	[tilespmem:$0x1D800] =	vst v63  }
0x27: {  	_ =	swait.ge [sflag:s15], $0x800  }
0x28: {  	[sflag:s15] =	ssyncset.done $0x0  }
0x29: {  	[sflag:s15] =	ssyncadd.s32 $0xFFFFF800  }
0x2a: {  	[tilespmem:s21], [sflag:$0x1] =	stream.indirect.gather [hbm4b:s1+s20], $0x80, s28, s20, $0xb8;
	[tilespmem:$0x1D800] =	vst v63  }
0x2b: {  	s12 =	simm.s32 $0x21F0;
	s30 =	simm.s32 $0x0  }
0x2c: {  	[tilespmem:s22], [sflag:$0x2] =	stream.indirect.gather [hbm4b:s1+s20], $0x80, s20, s20, $0xb8;
	[tilespmem:$0x1D800] =	vst v63  }
.LBB2_3:
0x2d: {  	s0 =	smulhi.u32 $0xAAAAAAAB, s30  }
0x2e: {  	s2 =	smul.u32 $0xAB, s30;
	_ =	sdelay $0x1  }
0x2f: {  	s0 =	sshrl.u32 s0, $0x1;
	s2 =	sshrl.u32 s2, $0x9  }
0x30: {  	s8 =	sadd.s32 $0xFFFFFFFC, s28;
	s0 =	smul.u32 $0xFFFE2000, s0;
	s2 =	sand.u32 $0x7F, s2  }
0x31: {  	s9 =	sadd.s32 $0x6, s8;
	s2 =	smul.u32 $0x3, s2  }
0x32: {  	v0 =	vmov s9  }
0x33: {  	v1 =	vand.u32 $0xFFFFFFFE, v0;
	s0 =	sshra.s32 s0, $0x2;
	s2 =	ssub.s32 s30, s2  }
0x34: {  	v1 =	vbroadcast v1, $0x0;
	v0 =	vmov s0;
	s31 =	sand.u32 $0xFF, s2  }
0x35: {  	s14 =	sadd.s32 $0x1, s31  }
0x36: {  	s18 =	sadd.s32 $0x4, s8;
	_ =	swait.ge [sflag:s14], $0x2800  }
0x37: {  	v2 =	vmov s18;
	[sflag:s14] =	ssyncset.done $0x0  }
0x38: {  	v2 =	vand.u32 $0xFFFFFFFC, v2;
	[sflag:s14] =	ssyncadd.s32 $0xFFFFD800  }
0x39: {  	v2 =	vbroadcast v2, $0x0;
	v3 =	vld.idx.msk [tilespmem:v0+s12+$0xFFFFFF10 ss:$0x1], $0xffff  }
0x3a: {  	s2 =	sadd.s32 $0x5, s8;
	v8 =	vld.idx.msk [tilespmem:v1+s19+$0x0], $0xffff  }
0x3b: {  	v1 =	vmov s2  }
0x3c: {  	v1 =	vand.u32 $0xFFFFFFFD, v1  }
0x3d: {  	v1 =	vbroadcast v1, $0x0  }
0x3e: {  	s4 =	sadd.s32 $0x7, s8  }
0x3f: {  	v4 =	vmov s4;
	v2 =	vld.idx.msk [tilespmem:v2+s19+$0x0], $0xffff;
	v3 =	vmul.f32 v3, v8  }
0x40: {  	v5 =	vld.idx.msk [tilespmem:v0+s12+$0xFFFFFE10 ss:$0x1], $0xffff  }
0x41: {  	[tilespmem:v0+s12+$0xFFFFFF10 ss:$0x1] =	vst.idx.msk $0xffff, v3  }
0x42: {  	v6 =	vld.idx.msk [tilespmem:v0+s12+$0xFFFFFF20 ss:$0x1], $0xffff  }
0x43: {  	v3 =	vld.idx.msk [tilespmem:v1+s19+$0x0], $0xffff  }
0x44: {  	v1 =	vld.idx.msk [tilespmem:v4+s19+$0x0], $0xffff  }
0x45: {  	v4 =	vmul.f32 v5, v2;
	v5 =	vld.idx.msk [tilespmem:v0+s12+$0xFFFFFE90 ss:$0x1], $0xffff  }
0x46: {  	v7 =	vld.idx.msk [tilespmem:v0+s12+$0xFFFFFF90 ss:$0x1], $0xffff;
	_ =	sdelay $0x1  }
0x47: {  	[tilespmem:v0+s12+$0xFFFFFE10 ss:$0x1] =	vst.idx.msk $0xffff, v4;
	v6 =	vmul.f32 v6, v8  }
0x48: {  	v4 =	vld.idx.msk [tilespmem:v0+s12+$0xFFFFFE20 ss:$0x1], $0xffff  }
0x49: {  	v5 =	vmul.f32 v5, v3;
	[tilespmem:v0+s12+$0xFFFFFF20 ss:$0x1] =	vst.idx.msk $0xffff, v6  }
0x4a: {  	v7 =	vmul.f32 v7, v1;
	v6 =	vld.idx.msk [tilespmem:v0+s12+$0xFFFFFF30 ss:$0x1], $0xffff  }
0x4b: {  	[tilespmem:v0+s12+$0xFFFFFE90 ss:$0x1] =	vst.idx.msk $0xffff, v5  }
0x4c: {  	[tilespmem:v0+s12+$0xFFFFFF90 ss:$0x1] =	vst.idx.msk $0xffff, v7;
	v5 =	vld.idx.msk [tilespmem:v0+s12+$0xFFFFFEA0 ss:$0x1], $0xffff  }
0x4d: {  	v4 =	vmul.f32 v4, v2;
	v7 =	vld.idx.msk [tilespmem:v0+s12+$0xFFFFFFA0 ss:$0x1], $0xffff;
	_ =	sdelay $0x1  }
0x4e: {  	s8 =	sadd.s32 $0x0, s28;
	[tilespmem:v0+s12+$0xFFFFFE20 ss:$0x1] =	vst.idx.msk $0xffff, v4;
	v6 =	vmul.f32 v6, v8  }
0x4f: {  	s9 =	sadd.s32 $0x6, s8;
	v4 =	vld.idx.msk [tilespmem:v0+s12+$0xFFFFFE30 ss:$0x1], $0xffff  }
0x50: {  	s13 =	sadd.s32 $0x4, s8;
	v5 =	vmul.f32 v5, v3;
	[tilespmem:v0+s12+$0xFFFFFF30 ss:$0x1] =	vst.idx.msk $0xffff, v6;
	v6 =	vmov s9  }
0x51: {  	v10 =	vmov s13;
	s14 =	sadd.s32 $0x5, s8;
	v7 =	vmul.f32 v7, v1;
	v6 =	vand.u32 $0xFFFFFFFE, v6  }
0x52: {  	[tilespmem:v0+s12+$0xFFFFFEA0 ss:$0x1] =	vst.idx.msk $0xffff, v5;
	v5 =	vand.u32 $0xFFFFFFFC, v10;
	v10 =	vmov s14;
	v9 =	vld.idx.msk [tilespmem:v0+s12+$0xFFFFFF40 ss:$0x1], $0xffff;
	v6 =	vbroadcast v6, $0x0  }
0x53: {  	s0 =	sadd.s32 $0x200, s12;
	[tilespmem:v0+s12+$0xFFFFFFA0 ss:$0x1] =	vst.idx.msk $0xffff, v7;
	v5 =	vbroadcast v5, $0x0;
	v7 =	vand.u32 $0xFFFFFFFD, v10  }
0x54: {  	v14 =	vld.idx.msk [tilespmem:v0+s0+$0xFFFFFF10 ss:$0x1], $0xffff;
	v4 =	vmul.f32 v4, v2;
	v12 =	vbroadcast v7, $0x0  }
0x55: {  	v11 =	vld.idx.msk [tilespmem:v0+s12+$0xFFFFFEB0 ss:$0x1], $0xffff  }
0x56: {  	v10 =	vld.idx.msk [tilespmem:v0+s12+$0xFFFFFFB0 ss:$0x1], $0xffff;
	[tilespmem:v0+s12+$0xFFFFFE30 ss:$0x1] =	vst.idx.msk $0xffff, v4  }
0x57: {  	v4 =	vmul.f32 v9, v8;
	v9 =	vld.idx.msk [tilespmem:v0+s12+$0xFFFFFE40 ss:$0x1], $0xffff  }
0x58: {  	s18 =	sadd.s32 $0x7, s8;
	v7 =	vld.idx.msk [tilespmem:v6+s19+$0x0], $0xffff  }
0x59: {  	v13 =	vmov s18;
	v6 =	vld.idx.msk [tilespmem:v5+s19+$0x0], $0xffff  }
0x5a: {  	v5 =	vld.idx.msk [tilespmem:v12+s19+$0x0], $0xffff  }
0x5b: {  	[tilespmem:v0+s12+$0xFFFFFF40 ss:$0x1] =	vst.idx.msk $0xffff, v4;
	v12 =	vld.idx.msk [tilespmem:v0+s0+$0xFFFFFE10 ss:$0x1], $0xffff  }
0x5c: {  	v11 =	vmul.f32 v11, v3;
	v15 =	vld.idx.msk [tilespmem:v0+s12+$0xFFFFFF50 ss:$0x1], $0xffff  }
0x5d: {  	v16 =	vld.idx.msk [tilespmem:v0+s0+$0xFFFFFF90 ss:$0x1], $0xffff;
	v10 =	vmul.f32 v10, v1  }
0x5e: {  	v4 =	vld.idx.msk [tilespmem:v13+s19+$0x0], $0xffff;
	[tilespmem:v0+s12+$0xFFFFFEB0 ss:$0x1] =	vst.idx.msk $0xffff, v11;
	v9 =	vmul.f32 v9, v2  }
0x5f: {  	[tilespmem:v0+s12+$0xFFFFFFB0 ss:$0x1] =	vst.idx.msk $0xffff, v10;
	v13 =	vmul.f32 v14, v7;
	v14 =	vld.idx.msk [tilespmem:v0+s0+$0xFFFFFE90 ss:$0x1], $0xffff  }
0x60: {  	v12 =	vmul.f32 v12, v6;
	[tilespmem:v0+s12+$0xFFFFFE40 ss:$0x1] =	vst.idx.msk $0xffff, v9;
	v9 =	vld.idx.msk [tilespmem:v0+s12+$0xFFFFFFC0 ss:$0x1], $0xffff  }
0x61: {  	v15 =	vmul.f32 v15, v8;
	[tilespmem:v0+s0+$0xFFFFFF10 ss:$0x1] =	vst.idx.msk $0xffff, v13;
	v13 =	vld.idx.msk [tilespmem:v0+s12+$0xFFFFFEC0 ss:$0x1], $0xffff  }
0x62: {  	[tilespmem:v0+s0+$0xFFFFFE10 ss:$0x1] =	vst.idx.msk $0xffff, v12;
	v11 =	vld.idx.msk [tilespmem:v0+s0+$0xFFFFFF20 ss:$0x1], $0xffff  }
0x63: {  	v12 =	vmul.f32 v16, v4;
	[tilespmem:v0+s12+$0xFFFFFF50 ss:$0x1] =	vst.idx.msk $0xffff, v15;
	v15 =	vld.idx.msk [tilespmem:v0+s12+$0xFFFFFE50 ss:$0x1], $0xffff  }
0x64: {  	v10 =	vld.idx.msk [tilespmem:v0+s12+$0xFFFFFF60 ss:$0x1], $0xffff;
	v14 =	vmul.f32 v14, v5  }
0x65: {  	v16 =	vld.idx.msk [tilespmem:v0+s0+$0xFFFFFE20 ss:$0x1], $0xffff;
	[tilespmem:v0+s0+$0xFFFFFF90 ss:$0x1] =	vst.idx.msk $0xffff, v12;
	v9 =	vmul.f32 v9, v1  }
0x66: {  	[tilespmem:v0+s0+$0xFFFFFE90 ss:$0x1] =	vst.idx.msk $0xffff, v14;
	v13 =	vmul.f32 v13, v3  }
0x67: {  	v12 =	vld.idx.msk [tilespmem:v0+s0+$0xFFFFFFA0 ss:$0x1], $0xffff;
	[tilespmem:v0+s12+$0xFFFFFFC0 ss:$0x1] =	vst.idx.msk $0xffff, v9;
	v11 =	vmul.f32 v11, v7  }
0x68: {  	v14 =	vld.idx.msk [tilespmem:v0+s0+$0xFFFFFEA0 ss:$0x1], $0xffff;
	v15 =	vmul.f32 v15, v2;
	[tilespmem:v0+s12+$0xFFFFFEC0 ss:$0x1] =	vst.idx.msk $0xffff, v13  }
0x69: {  	v10 =	vmul.f32 v10, v8;
	[tilespmem:v0+s0+$0xFFFFFF20 ss:$0x1] =	vst.idx.msk $0xffff, v11;
	v13 =	vld.idx.msk [tilespmem:v0+s12+$0xFFFFFED0 ss:$0x1], $0xffff  }
0x6a: {  	v9 =	vmul.f32 v16, v6;
	[tilespmem:v0+s12+$0xFFFFFE50 ss:$0x1] =	vst.idx.msk $0xffff, v15;
	v11 =	vld.idx.msk [tilespmem:v0+s0+$0xFFFFFF30 ss:$0x1], $0xffff  }
0x6b: {  	[tilespmem:v0+s12+$0xFFFFFF60 ss:$0x1] =	vst.idx.msk $0xffff, v10;
	v16 =	vld.idx.msk [tilespmem:v0+s12+$0xFFFFFE60 ss:$0x1], $0xffff  }
0x6c: {  	[tilespmem:v0+s0+$0xFFFFFE20 ss:$0x1] =	vst.idx.msk $0xffff, v9;
	v9 =	vmul.f32 v12, v4;
	v10 =	vld.idx.msk [tilespmem:v0+s12+$0xFFFFFF70 ss:$0x1], $0xffff  }
0x6d: {  	v15 =	vld.idx.msk [tilespmem:v0+s12+$0xFFFFFFD0 ss:$0x1], $0xffff;
	v14 =	vmul.f32 v14, v5  }
0x6e: {  	[tilespmem:v0+s0+$0xFFFFFFA0 ss:$0x1] =	vst.idx.msk $0xffff, v9;
	v13 =	vmul.f32 v13, v3  }
0x6f: {  	s4 =	sadd.s32 $0x4, s28;
	s8 =	sadd.s32 $0x200, s0;
	v12 =	vld.idx.msk [tilespmem:v0+s0+$0xFFFFFE30 ss:$0x1], $0xffff;
	[tilespmem:v0+s0+$0xFFFFFEA0 ss:$0x1] =	vst.idx.msk $0xffff, v14;
	v11 =	vmul.f32 v11, v7  }
0x70: {  	v21 =	vld.idx.msk [tilespmem:v0+s8+$0xFFFFFF10 ss:$0x1], $0xffff;
	s9 =	sadd.s32 $0x6, s4;
	v16 =	vmul.f32 v16, v2;
	[tilespmem:v0+s12+$0xFFFFFED0 ss:$0x1] =	vst.idx.msk $0xffff, v13  }
0x71: {  	v17 =	vld.idx.msk [tilespmem:v0+s0+$0xFFFFFFB0 ss:$0x1], $0xffff;
	v9 =	vmul.f32 v10, v8;
	v10 =	vmov s9;
	[tilespmem:v0+s0+$0xFFFFFF30 ss:$0x1] =	vst.idx.msk $0xffff, v11  }
0x72: {  	s13 =	sadd.s32 $0x4, s4;
	v11 =	vmul.f32 v15, v1;
	v10 =	vand.u32 $0xFFFFFFFE, v10;
	[tilespmem:v0+s12+$0xFFFFFE60 ss:$0x1] =	vst.idx.msk $0xffff, v16;
	v13 =	vld.idx.msk [tilespmem:v0+s0+$0xFFFFFF40 ss:$0x1], $0xffff  }
0x73: {  	s14 =	sadd.s32 $0x5, s4;
	v14 =	vld.idx.msk [tilespmem:v0+s0+$0xFFFFFEB0 ss:$0x1], $0xffff;
	[tilespmem:v0+s12+$0xFFFFFF70 ss:$0x1] =	vst.idx.msk $0xffff, v9;
	v9 =	vmov s13;
	v10 =	vbroadcast v10, $0x0  }
0x74: {  	v12 =	vmul.f32 v12, v6;
	v15 =	vld.idx.msk [tilespmem:v0+s12+$0xFFFFFEE0 ss:$0x1], $0xffff;
	[tilespmem:v0+s12+$0xFFFFFFD0 ss:$0x1] =	vst.idx.msk $0xffff, v11;
	v9 =	vand.u32 $0xFFFFFFFC, v9;
	v11 =	vmov s14  }
0x75: {  	v19 =	vld.idx.msk [tilespmem:v0+s12+$0xFFFFFE70 ss:$0x1], $0xffff;
	v9 =	vbroadcast v9, $0x0;
	v11 =	vand.u32 $0xFFFFFFFD, v11  }
0x76: {  	[tilespmem:v0+s0+$0xFFFFFE30 ss:$0x1] =	vst.idx.msk $0xffff, v12;
	v18 =	vld.idx.msk [tilespmem:v0+s12+$0xFFFFFF80 ss:$0x1], $0xffff;
	v20 =	vbroadcast v11, $0x0  }
0x77: {  	v12 =	vld.idx.msk [tilespmem:v0+s0+$0xFFFFFE40 ss:$0x1], $0xffff;
	v11 =	vmul.f32 v13, v7  }
0x78: {  	s2 =	sadd.s32 $0x7, s4;
	v16 =	vld.idx.msk [tilespmem:v0+s12+$0xFFFFFFE0 ss:$0x1], $0xffff  }
0x79: {  	v13 =	vmov s2;
	[tilespmem:v0+s0+$0xFFFFFF40 ss:$0x1] =	vst.idx.msk $0xffff, v11;
	v11 =	vld.idx.msk [tilespmem:v10+s19+$0x0], $0xffff  }
0x7a: {  	v22 =	vld.idx.msk [tilespmem:v0+s0+$0xFFFFFF50 ss:$0x1], $0xffff  }
0x7b: {  	v10 =	vmul.f32 v14, v5;
	v14 =	vmul.f32 v18, v8;
	v9 =	vld.idx.msk [tilespmem:v9+s19+$0x0], $0xffff  }
0x7c: {  	v8 =	vld.idx.msk [tilespmem:v20+s19+$0x0], $0xffff  }
0x7d: {  	v17 =	vmul.f32 v17, v4;
	[tilespmem:v0+s12+$0xFFFFFF80 ss:$0x1] =	vst.idx.msk $0xffff, v14;
	v14 =	vld.idx.msk [tilespmem:v0+s8+$0xFFFFFE10 ss:$0x1], $0xffff  }
0x7e: {  	[tilespmem:v0+s0+$0xFFFFFEB0 ss:$0x1] =	vst.idx.msk $0xffff, v10;
	v10 =	vld.idx.msk [tilespmem:v13+s19+$0x0], $0xffff;
	v13 =	vmul.f32 v15, v3  }
0x7f: {  	[tilespmem:v0+s0+$0xFFFFFFB0 ss:$0x1] =	vst.idx.msk $0xffff, v17;
	v15 =	vld.idx.msk [tilespmem:v0+s8+$0xFFFFFE90 ss:$0x1], $0xffff;
	v17 =	vmul.f32 v21, v11  }
0x80: {  	v12 =	vmul.f32 v12, v6;
	[tilespmem:v0+s12+$0xFFFFFEE0 ss:$0x1] =	vst.idx.msk $0xffff, v13;
	v13 =	vld.idx.msk [tilespmem:v0+s8+$0xFFFFFF90 ss:$0x1], $0xffff  }
0x81: {  	v18 =	vmul.f32 v22, v7;
	[tilespmem:v0+s8+$0xFFFFFF10 ss:$0x1] =	vst.idx.msk $0xffff, v17;
	v17 =	vld.idx.msk [tilespmem:v0+s0+$0xFFFFFEC0 ss:$0x1], $0xffff  }
0x82: {  	v16 =	vmul.f32 v16, v1;
	[tilespmem:v0+s0+$0xFFFFFE40 ss:$0x1] =	vst.idx.msk $0xffff, v12;
	v12 =	vmul.f32 v14, v9;
	v14 =	vld.idx.msk [tilespmem:v0+s0+$0xFFFFFFC0 ss:$0x1], $0xffff  }
0x83: {  	v20 =	vld.idx.msk [tilespmem:v0+s8+$0xFFFFFF20 ss:$0x1], $0xffff;
	[tilespmem:v0+s0+$0xFFFFFF50 ss:$0x1] =	vst.idx.msk $0xffff, v18;
	v18 =	vmul.f32 v19, v2  }
0x84: {  	[tilespmem:v0+s12+$0xFFFFFFE0 ss:$0x1] =	vst.idx.msk $0xffff, v16;
	v16 =	vld.idx.msk [tilespmem:v0+s0+$0xFFFFFF60 ss:$0x1], $0xffff  }
0x85: {  	v15 =	vmul.f32 v15, v8;
	[tilespmem:v0+s12+$0xFFFFFE70 ss:$0x1] =	vst.idx.msk $0xffff, v18;
	v18 =	vld.idx.msk [tilespmem:v0+s0+$0xFFFFFE50 ss:$0x1], $0xffff  }
0x86: {  	[tilespmem:v0+s8+$0xFFFFFE10 ss:$0x1] =	vst.idx.msk $0xffff, v12;
	v12 =	vmul.f32 v13, v10;
	v13 =	vld.idx.msk [tilespmem:v0+s12+$0xFFFFFEF0 ss:$0x1], $0xffff  }
0x87: {  	v19 =	vld.idx.msk [tilespmem:v0+s8+$0xFFFFFE20 ss:$0x1], $0xffff;
	[tilespmem:v0+s8+$0xFFFFFE90 ss:$0x1] =	vst.idx.msk $0xffff, v15;
	v15 =	vmul.f32 v17, v5  }
0x88: {  	v17 =	vld.idx.msk [tilespmem:v0+s8+$0xFFFFFEA0 ss:$0x1], $0xffff;
	[tilespmem:v0+s8+$0xFFFFFF90 ss:$0x1] =	vst.idx.msk $0xffff, v12;
	v14 =	vmul.f32 v14, v4  }
0x89: {  	v20 =	vmul.f32 v20, v11;
	v12 =	vld.idx.msk [tilespmem:v0+s8+$0xFFFFFFA0 ss:$0x1], $0xffff;
	[tilespmem:v0+s0+$0xFFFFFEC0 ss:$0x1] =	vst.idx.msk $0xffff, v15  }
0x8a: {  	v15 =	vmul.f32 v16, v7;
	[tilespmem:v0+s0+$0xFFFFFFC0 ss:$0x1] =	vst.idx.msk $0xffff, v14;
	v16 =	vld.idx.msk [tilespmem:v0+s0+$0xFFFFFED0 ss:$0x1], $0xffff  }
0x8b: {  	[tilespmem:v0+s8+$0xFFFFFF20 ss:$0x1] =	vst.idx.msk $0xffff, v20;
	v18 =	vmul.f32 v18, v6;
	v14 =	vld.idx.msk [tilespmem:v0+s0+$0xFFFFFFD0 ss:$0x1], $0xffff  }
0x8c: {  	v19 =	vmul.f32 v19, v9;
	v20 =	vld.idx.msk [tilespmem:v0+s8+$0xFFFFFF30 ss:$0x1], $0xffff;
	[tilespmem:v0+s0+$0xFFFFFF60 ss:$0x1] =	vst.idx.msk $0xffff, v15  }
0x8d: {  	v15 =	vmul.f32 v13, v3;
	v62 =	vld.idx.msk [tilespmem:v0+s0+$0xFFFFFF70 ss:$0x1], $0xffff;
	[tilespmem:v0+s0+$0xFFFFFE50 ss:$0x1] =	vst.idx.msk $0xffff, v18  }
0x8e: {  	v17 =	vmul.f32 v17, v8;
	[tilespmem:v0+s8+$0xFFFFFE20 ss:$0x1] =	vst.idx.msk $0xffff, v19;
	v13 =	vld.idx.msk [tilespmem:v0+s0+$0xFFFFFE60 ss:$0x1], $0xffff  }
0x8f: {  	s18 =	smul.u32 $0xA000, s31;
	[tilespmem:v0+s12+$0xFFFFFEF0 ss:$0x1] =	vst.idx.msk $0xffff, v15;
	v18 =	vmul.f32 v12, v10;
	v12 =	vld.idx.msk [tilespmem:v0+s12+$0xFFFFFFF0 ss:$0x1], $0xffff  }
0x90: {  	v15 =	vld.idx.msk [tilespmem:v0+s8+$0xFFFFFE30 ss:$0x1], $0xffff;
	[tilespmem:v0+s8+$0xFFFFFEA0 ss:$0x1] =	vst.idx.msk $0xffff, v17;
	v63 =	vmul.f32 v16, v5  }
0x91: {  	s29 =	smov.u32 s12;
	s2 =	sshrl.u32 s18, $0x2;
	v16 =	vld.idx.msk [tilespmem:v0+s8+$0xFFFFFEB0 ss:$0x1], $0xffff;
	[tilespmem:v0+s8+$0xFFFFFFA0 ss:$0x1] =	vst.idx.msk $0xffff, v18;
	v19 =	vmul.f32 v20, v11  }
0x92: {  	s9 =	simm.s32 $0x8;
	s13 =	smov.u32 s8;
	s2 =	sadd.s32 $0x2000, s2;
	v17 =	vld.idx.msk [tilespmem:v0+s8+$0xFFFFFFB0 ss:$0x1], $0xffff;
	[tilespmem:v0+s0+$0xFFFFFED0 ss:$0x1] =	vst.idx.msk $0xffff, v63;
	v18 =	vmul.f32 v62, v7  }
.LBB2_4:
0x93: {  	s14 =	sadd.s32 s9, s28;
	[tilespmem:v0+s8+$0xFFFFFF30 ss:$0x1] =	vst.idx.msk $0xffff, v19;
	v19 =	vld.idx.msk [tilespmem:v0+s0+$0xFFFFFEE0 ss:$0x1], $0xffff;
	v14 =	vmul.f32 v14, v4  }
0x94: {  	s9 =	sadd.s32 $0x4, s9;
	v13 =	vmul.f32 v13, v6;
	s4 =	sadd.s32 $0x4, s14;
	s18 =	sadd.s32 $0x6, s14;
	v20 =	vld.idx.msk [tilespmem:v0+s8+$0xFFFFFF40 ss:$0x1], $0xffff;
	[tilespmem:v0+s0+$0xFFFFFF70 ss:$0x1] =	vst.idx.msk $0xffff, v18  }
0x95: {  	p0 =	slt.u32 s9, $0x4C;
	v12 =	vmul.f32 v12, v1;
	v18 =	vmov s4;
	s4 =	sadd.s32 $0x5, s14;
	v21 =	vmov s18;
	s14 =	sadd.s32 $0x7, s14;
	v22 =	vld.idx.msk [tilespmem:v0+s0+$0xFFFFFF80 ss:$0x1], $0xffff;
	[tilespmem:v0+s0+$0xFFFFFFD0 ss:$0x1] =	vst.idx.msk $0xffff, v14  }
0x96: {  	v14 =	vand.u32 $0xFFFFFFFC, v18;
	v18 =	vmov s4;
	v21 =	vand.u32 $0xFFFFFFFE, v21;
	[tilespmem:v0+s0+$0xFFFFFE60 ss:$0x1] =	vst.idx.msk $0xffff, v13;
	v13 =	vld.idx.msk [tilespmem:v0+s0+$0xFFFFFFE0 ss:$0x1], $0xffff  }
0x97: {  	v14 =	vbroadcast v14, $0x0;
	v18 =	vand.u32 $0xFFFFFFFD, v18;
	v21 =	vbroadcast v21, $0x0;
	v23 =	vld.idx.msk [tilespmem:v0+s0+$0xFFFFFE70 ss:$0x1], $0xffff;
	[tilespmem:v0+s29+$0xFFFFFFF0 ss:$0x1] =	vst.idx.msk $0xffff, v12  }
0x98: {  	v15 =	vmul.f32 v15, v9;
	v12 =	vbroadcast v18, $0x0;
	v18 =	vmov s14;
	v24 =	vld.idx.msk [tilespmem:v0+s29+$0xFFFFFE80 ss:$0x1], $0xffff  }
0x99: {  	v16 =	vmul.f32 v16, v8;
	v17 =	vmul.f32 v17, v10;
	v25 =	vld.idx.msk [tilespmem:v0+s29+$0xFFFFFF00 ss:$0x1], $0xffff  }
0x9a: {  	v19 =	vmul.f32 v19, v5;
	[tilespmem:v0+s8+$0xFFFFFE30 ss:$0x1] =	vst.idx.msk $0xffff, v15;
	v15 =	vmul.f32 v20, v11;
	v20 =	vld.idx.msk [tilespmem:v0+s29+$0x0 ss:$0x1], $0xffff  }
0x9b: {  	s8 =	sadd.s32 $0x200, s8;
	v26 =	vld.idx.msk [tilespmem:v0+s13+$0xFFFFFE40 ss:$0x1], $0xffff;
	[tilespmem:v0+s13+$0xFFFFFEB0 ss:$0x1] =	vst.idx.msk $0xffff, v16;
	v16 =	vmul.f32 v22, v7;
	v7 =	vmov v11  }
0x9c: {  	v13 =	vmul.f32 v13, v4;
	v22 =	vld.idx.msk [tilespmem:v0+s8+$0xFFFFFF10 ss:$0x1], $0xffff;
	[tilespmem:v0+s13+$0xFFFFFF40 ss:$0x1] =	vst.idx.msk $0xffff, v15  }
0x9d: {  	v15 =	vmul.f32 v23, v6;
	v11 =	vld.idx.msk [tilespmem:v21+s19+$0x0], $0xffff;
	[tilespmem:v0+s0+$0xFFFFFF80 ss:$0x1] =	vst.idx.msk $0xffff, v16  }
0x9e: {  	v16 =	vld.idx.msk [tilespmem:v0+s13+$0xFFFFFF50 ss:$0x1], $0xffff;
	[tilespmem:v0+s13+$0xFFFFFFB0 ss:$0x1] =	vst.idx.msk $0xffff, v17;
	v17 =	vmul.f32 v24, v2;
	v2 =	vmov v6;
	v6 =	vmov v9  }
0x9f: {  	v9 =	vld.idx.msk [tilespmem:v14+s19+$0x0], $0xffff;
	[tilespmem:v0+s0+$0xFFFFFEE0 ss:$0x1] =	vst.idx.msk $0xffff, v19;
	v14 =	vmul.f32 v25, v3;
	v3 =	vmov v5;
	v5 =	vmov v8  }
0xa0: {  	v8 =	vld.idx.msk [tilespmem:v12+s19+$0x0], $0xffff;
	[tilespmem:v0+s0+$0xFFFFFFE0 ss:$0x1] =	vst.idx.msk $0xffff, v13;
	v12 =	vmul.f32 v20, v1;
	v1 =	vmov v4;
	v4 =	vmov v10  }
0xa1: {  	v13 =	vmul.f32 v26, v6;
	v10 =	vld.idx.msk [tilespmem:v18+s19+$0x0], $0xffff;
	[tilespmem:v0+s0+$0xFFFFFE70 ss:$0x1] =	vst.idx.msk $0xffff, v15  }
0xa2: {  	v15 =	vld.idx.msk [tilespmem:v0+s8+$0xFFFFFE10 ss:$0x1], $0xffff;
	[tilespmem:v0+s29+$0xFFFFFE80 ss:$0x1] =	vst.idx.msk $0xffff, v17  }
0xa3: {  	v18 =	vmul.f32 v22, v11;
	v17 =	vld.idx.msk [tilespmem:v0+s8+$0xFFFFFE90 ss:$0x1], $0xffff;
	[tilespmem:v0+s13+$0xFFFFFE40 ss:$0x1] =	vst.idx.msk $0xffff, v13  }
0xa4: {  	v16 =	vmul.f32 v16, v7;
	v13 =	vld.idx.msk [tilespmem:v0+s8+$0xFFFFFF90 ss:$0x1], $0xffff;
	[tilespmem:v0+s29+$0xFFFFFF00 ss:$0x1] =	vst.idx.msk $0xffff, v14  }
0xa5: {  	[tilespmem:v0+s8+$0xFFFFFF10 ss:$0x1] =	vst.idx.msk $0xffff, v18;
	v14 =	vld.idx.msk [tilespmem:v0+s13+$0xFFFFFEC0 ss:$0x1], $0xffff  }
0xa6: {  	v18 =	vld.idx.msk [tilespmem:v0+s8+$0xFFFFFF20 ss:$0x1], $0xffff;
	[tilespmem:v0+s13+$0xFFFFFF50 ss:$0x1] =	vst.idx.msk $0xffff, v16  }
0xa7: {  	v16 =	vld.idx.msk [tilespmem:v0+s13+$0xFFFFFF60 ss:$0x1], $0xffff;
	[tilespmem:v0+s29+$0x0 ss:$0x1] =	vst.idx.msk $0xffff, v12;
	s29 =	smov.u32 s0;
	s0 =	smov.u32 s13;
	s13 =	smov.u32 s8  }
0xa8: {  	v12 =	vmul.f32 v15, v9;
	v15 =	vld.idx.msk [tilespmem:v0+s0+$0xFFFFFFC0 ss:$0x1], $0xffff  }
0xa9: {  	v17 =	vmul.f32 v17, v8;
	v19 =	vld.idx.msk [tilespmem:v0+s0+$0xFFFFFE50 ss:$0x1], $0xffff  }
0xaa: {  	[tilespmem:v0+s8+$0xFFFFFE10 ss:$0x1] =	vst.idx.msk $0xffff, v12;
	v12 =	vmul.f32 v13, v10;
	v13 =	vld.idx.msk [tilespmem:v0+s29+$0xFFFFFEF0 ss:$0x1], $0xffff  }
0xab: {  	v14 =	vmul.f32 v14, v5;
	v20 =	vld.idx.msk [tilespmem:v0+s8+$0xFFFFFE20 ss:$0x1], $0xffff;
	[tilespmem:v0+s8+$0xFFFFFE90 ss:$0x1] =	vst.idx.msk $0xffff, v17  }
0xac: {  	v18 =	vmul.f32 v18, v11;
	v17 =	vld.idx.msk [tilespmem:v0+s8+$0xFFFFFEA0 ss:$0x1], $0xffff;
	[tilespmem:v0+s8+$0xFFFFFF90 ss:$0x1] =	vst.idx.msk $0xffff, v12  }
0xad: {  	v12 =	vld.idx.msk [tilespmem:v0+s8+$0xFFFFFFA0 ss:$0x1], $0xffff;
	[tilespmem:v0+s0+$0xFFFFFEC0 ss:$0x1] =	vst.idx.msk $0xffff, v14;
	v14 =	vmul.f32 v16, v7  }
0xae: {  	v15 =	vmul.f32 v15, v4;
	[tilespmem:v0+s8+$0xFFFFFF20 ss:$0x1] =	vst.idx.msk $0xffff, v18;
	v16 =	vld.idx.msk [tilespmem:v0+s0+$0xFFFFFED0 ss:$0x1], $0xffff  }
0xaf: {  	v19 =	vmul.f32 v19, v6;
	v18 =	vld.idx.msk [tilespmem:v0+s8+$0xFFFFFF30 ss:$0x1], $0xffff;
	[tilespmem:v0+s0+$0xFFFFFF60 ss:$0x1] =	vst.idx.msk $0xffff, v14  }
0xb0: {  	v21 =	vld.idx.msk [tilespmem:v0+s0+$0xFFFFFF70 ss:$0x1], $0xffff;
	[tilespmem:v0+s0+$0xFFFFFFC0 ss:$0x1] =	vst.idx.msk $0xffff, v15;
	v15 =	vmul.f32 v13, v3  }
0xb1: {  	v20 =	vmul.f32 v20, v9;
	[tilespmem:v0+s0+$0xFFFFFE50 ss:$0x1] =	vst.idx.msk $0xffff, v19;
	v14 =	vld.idx.msk [tilespmem:v0+s0+$0xFFFFFFD0 ss:$0x1], $0xffff  }
.Ltmp0:
0xb2: {  	v17 =	vmul.f32 v17, v8;
	v13 =	vld.idx.msk [tilespmem:v0+s0+$0xFFFFFE60 ss:$0x1], $0xffff;
	[tilespmem:v0+s29+$0xFFFFFEF0 ss:$0x1] =	vst.idx.msk $0xffff, v15;
	(pc) =	sbr.rel @p0 .LBB2_4-.Ltmp0, $4  }
0xb3: {  	[tilespmem:v0+s8+$0xFFFFFE20 ss:$0x1] =	vst.idx.msk $0xffff, v20;
	v20 =	vmul.f32 v12, v10;
	v12 =	vld.idx.msk [tilespmem:v0+s29+$0xFFFFFFF0 ss:$0x1], $0xffff  }
0xb4: {  	v22 =	vmul.f32 v16, v5;
	v15 =	vld.idx.msk [tilespmem:v0+s8+$0xFFFFFE30 ss:$0x1], $0xffff;
	[tilespmem:v0+s8+$0xFFFFFEA0 ss:$0x1] =	vst.idx.msk $0xffff, v17  }
0xb5: {  	v19 =	vmul.f32 v18, v11;
	v16 =	vld.idx.msk [tilespmem:v0+s8+$0xFFFFFEB0 ss:$0x1], $0xffff;
	[tilespmem:v0+s8+$0xFFFFFFA0 ss:$0x1] =	vst.idx.msk $0xffff, v20  }
0xb6: {  	v18 =	vmul.f32 v21, v7;
	v17 =	vld.idx.msk [tilespmem:v0+s8+$0xFFFFFFB0 ss:$0x1], $0xffff;
	[tilespmem:v0+s0+$0xFFFFFED0 ss:$0x1] =	vst.idx.msk $0xffff, v22  }
0xb7: {  	_ =	sdelay $0x2  }
0xb8: {  	v15 =	vmul.f32 v15, v9  }
0xb9: {  	[tilespmem:v0+s8+$0xFFFFFF30 ss:$0x1] =	vst.idx.msk $0xffff, v19;
	v16 =	vmul.f32 v16, v8  }
0xba: {  	v19 =	vld.idx.msk [tilespmem:v0+s8+$0xFFFFFF40 ss:$0x1], $0xffff;
	v17 =	vmul.f32 v17, v10;
	[tilespmem:v0+s8+$0xFFFFFE30 ss:$0x1] =	vst.idx.msk $0xffff, v15  }
0xbb: {  	v15 =	vld.idx.msk [tilespmem:v0+s13+$0xFFFFFE40 ss:$0x1], $0xffff;
	[tilespmem:v0+s13+$0xFFFFFEB0 ss:$0x1] =	vst.idx.msk $0xffff, v16  }
0xbc: {  	[tilespmem:v0+s13+$0xFFFFFFB0 ss:$0x1] =	vst.idx.msk $0xffff, v17;
	v25 =	vld.idx.msk [tilespmem:v0+s13+$0xFFFFFEC0 ss:$0x1], $0xffff  }
0xbd: {  	v26 =	vld.idx.msk [tilespmem:v0+s13+$0xFFFFFFC0 ss:$0x1], $0xffff;
	_ =	sdelay $0x1  }
0xbe: {  	v24 =	vmul.f32 v19, v11  }
0xbf: {  	v15 =	vmul.f32 v15, v9  }
0xc0: {  	[tilespmem:v0+s13+$0xFFFFFF40 ss:$0x1] =	vst.idx.msk $0xffff, v24;
	v17 =	vmul.f32 v25, v8  }
0xc1: {  	v16 =	vld.idx.msk [tilespmem:v0+s13+$0xFFFFFF50 ss:$0x1], $0xffff;
	[tilespmem:v0+s13+$0xFFFFFE40 ss:$0x1] =	vst.idx.msk $0xffff, v15;
	v27 =	vmul.f32 v26, v10  }
0xc2: {  	v28 =	vld.idx.msk [tilespmem:v0+s13+$0xFFFFFE50 ss:$0x1], $0xffff;
	[tilespmem:v0+s13+$0xFFFFFEC0 ss:$0x1] =	vst.idx.msk $0xffff, v17  }
0xc3: {  	v14 =	vmul.f32 v14, v4;
	v17 =	vld.idx.msk [tilespmem:v0+s13+$0xFFFFFED0 ss:$0x1], $0xffff;
	[tilespmem:v0+s13+$0xFFFFFFC0 ss:$0x1] =	vst.idx.msk $0xffff, v27  }
0xc4: {  	v13 =	vmul.f32 v13, v6;
	[tilespmem:v0+s0+$0xFFFFFF70 ss:$0x1] =	vst.idx.msk $0xffff, v18;
	v15 =	vld.idx.msk [tilespmem:v0+s13+$0xFFFFFFD0 ss:$0x1], $0xffff  }
0xc5: {  	v30 =	vld.idx.msk [tilespmem:v0+s0+$0xFFFFFEE0 ss:$0x1], $0xffff;
	v12 =	vmul.f32 v12, v1;
	[tilespmem:v0+s0+$0xFFFFFFD0 ss:$0x1] =	vst.idx.msk $0xffff, v14  }
0xc6: {  	v41 =	vld.idx.msk [tilespmem:v0+s29+$0xFFFFFE80 ss:$0x1], $0xffff;
	[tilespmem:v0+s0+$0xFFFFFE60 ss:$0x1] =	vst.idx.msk $0xffff, v13;
	v16 =	vmul.f32 v16, v11  }
0xc7: {  	v18 =	vld.idx.msk [tilespmem:v0+s0+$0xFFFFFF80 ss:$0x1], $0xffff;
	[tilespmem:v0+s29+$0xFFFFFFF0 ss:$0x1] =	vst.idx.msk $0xffff, v12;
	v31 =	vmul.f32 v28, v9  }
0xc8: {  	v32 =	vld.idx.msk [tilespmem:v0+s0+$0xFFFFFFE0 ss:$0x1], $0xffff;
	[tilespmem:v0+s13+$0xFFFFFF50 ss:$0x1] =	vst.idx.msk $0xffff, v16;
	v33 =	vmul.f32 v17, v8  }
0xc9: {  	v29 =	vld.idx.msk [tilespmem:v0+s13+$0xFFFFFF60 ss:$0x1], $0xffff;
	[tilespmem:v0+s13+$0xFFFFFE50 ss:$0x1] =	vst.idx.msk $0xffff, v31;
	v35 =	vmul.f32 v15, v10  }
0xca: {  	v39 =	vmul.f32 v30, v5;
	v36 =	vld.idx.msk [tilespmem:v0+s13+$0xFFFFFE60 ss:$0x1], $0xffff;
	[tilespmem:v0+s13+$0xFFFFFED0 ss:$0x1] =	vst.idx.msk $0xffff, v33  }
0xcb: {  	v2 =	vmul.f32 v41, v2;
	v38 =	vld.idx.msk [tilespmem:v0+s13+$0xFFFFFEE0 ss:$0x1], $0xffff;
	[tilespmem:v0+s13+$0xFFFFFFD0 ss:$0x1] =	vst.idx.msk $0xffff, v35  }
0xcc: {  	v7 =	vmul.f32 v18, v7;
	[tilespmem:v0+s0+$0xFFFFFEE0 ss:$0x1] =	vst.idx.msk $0xffff, v39;
	v40 =	vld.idx.msk [tilespmem:v0+s13+$0xFFFFFFE0 ss:$0x1], $0xffff  }
0xcd: {  	v45 =	vld.idx.msk [tilespmem:v0+s29+$0xFFFFFF00 ss:$0x1], $0xffff;
	[tilespmem:v0+s29+$0xFFFFFE80 ss:$0x1] =	vst.idx.msk $0xffff, v2;
	v42 =	vmul.f32 v32, v4  }
0xce: {  	v34 =	vld.idx.msk [tilespmem:v0+s0+$0xFFFFFE70 ss:$0x1], $0xffff;
	[tilespmem:v0+s0+$0xFFFFFF80 ss:$0x1] =	vst.idx.msk $0xffff, v7;
	v37 =	vmul.f32 v29, v11  }
0xcf: {  	v46 =	vld.idx.msk [tilespmem:v0+s0+$0xFFFFFEF0 ss:$0x1], $0xffff;
	[tilespmem:v0+s0+$0xFFFFFFE0 ss:$0x1] =	vst.idx.msk $0xffff, v42;
	v15 =	vmul.f32 v36, v9  }
0xd0: {  	v18 =	vld.idx.msk [tilespmem:v0+s0+$0xFFFFFFF0 ss:$0x1], $0xffff;
	[tilespmem:v0+s13+$0xFFFFFF60 ss:$0x1] =	vst.idx.msk $0xffff, v37;
	v14 =	vmul.f32 v38, v8  }
0xd1: {  	v44 =	vld.idx.msk [tilespmem:v0+s13+$0xFFFFFF70 ss:$0x1], $0xffff;
	[tilespmem:v0+s13+$0xFFFFFE60 ss:$0x1] =	vst.idx.msk $0xffff, v15;
	v7 =	vmul.f32 v40, v10  }
0xd2: {  	v3 =	vmul.f32 v45, v3;
	v15 =	vld.idx.msk [tilespmem:v0+s13+$0xFFFFFE70 ss:$0x1], $0xffff;
	[tilespmem:v0+s13+$0xFFFFFEE0 ss:$0x1] =	vst.idx.msk $0xffff, v14  }
0xd3: {  	v43 =	vmul.f32 v34, v6;
	[tilespmem:v0+s13+$0xFFFFFFE0 ss:$0x1] =	vst.idx.msk $0xffff, v7;
	v47 =	vld.idx.msk [tilespmem:v0+s13+$0xFFFFFEF0 ss:$0x1], $0xffff  }
0xd4: {  	[tilespmem:v0+s29+$0xFFFFFF00 ss:$0x1] =	vst.idx.msk $0xffff, v3;
	v12 =	vmul.f32 v46, v5;
	v48 =	vld.idx.msk [tilespmem:v0+s13+$0xFFFFFFF0 ss:$0x1], $0xffff  }
0xd5: {  	v49 =	vld.idx.msk [tilespmem:v0+s29+$0x0 ss:$0x1], $0xffff;
	[tilespmem:v0+s0+$0xFFFFFE70 ss:$0x1] =	vst.idx.msk $0xffff, v43;
	v51 =	vmul.f32 v18, v4  }
0xd6: {  	v52 =	vld.idx.msk [tilespmem:v0+s0+$0xFFFFFE80 ss:$0x1], $0xffff;
	[tilespmem:v0+s0+$0xFFFFFEF0 ss:$0x1] =	vst.idx.msk $0xffff, v12;
	v13 =	vmul.f32 v44, v11  }
0xd7: {  	v53 =	vld.idx.msk [tilespmem:v0+s0+$0xFFFFFF00 ss:$0x1], $0xffff;
	[tilespmem:v0+s0+$0xFFFFFFF0 ss:$0x1] =	vst.idx.msk $0xffff, v51;
	v15 =	vmul.f32 v15, v9  }
0xd8: {  	v54 =	vld.idx.msk [tilespmem:v0+s0+$0x0 ss:$0x1], $0xffff;
	[tilespmem:v0+s13+$0xFFFFFF70 ss:$0x1] =	vst.idx.msk $0xffff, v13;
	v7 =	vmul.f32 v47, v8  }
0xd9: {  	v50 =	vld.idx.msk [tilespmem:v0+s13+$0xFFFFFF80 ss:$0x1], $0xffff;
	[tilespmem:v0+s13+$0xFFFFFE70 ss:$0x1] =	vst.idx.msk $0xffff, v15;
	v2 =	vmul.f32 v48, v10  }
0xda: {  	v55 =	vmul.f32 v49, v1;
	[tilespmem:v0+s13+$0xFFFFFEF0 ss:$0x1] =	vst.idx.msk $0xffff, v7;
	v56 =	vld.idx.msk [tilespmem:v0+s13+$0xFFFFFE80 ss:$0x1], $0xffff  }
0xdb: {  	v58 =	vmul.f32 v52, v6;
	[tilespmem:v0+s13+$0xFFFFFFF0 ss:$0x1] =	vst.idx.msk $0xffff, v2;
	v57 =	vld.idx.msk [tilespmem:v0+s13+$0xFFFFFF00 ss:$0x1], $0xffff  }
0xdc: {  	[tilespmem:v0+s29+$0x0 ss:$0x1] =	vst.idx.msk $0xffff, v55;
	v60 =	vmul.f32 v53, v5;
	v59 =	vld.idx.msk [tilespmem:v0+s13+$0x0 ss:$0x1], $0xffff  }
0xdd: {  	[tilespmem:v0+s0+$0xFFFFFE80 ss:$0x1] =	vst.idx.msk $0xffff, v58;
	v61 =	vmul.f32 v54, v4  }
0xde: {  	s4 =	sadd.s32 $0x2, s30;
	p0 =	sgt.u32 s30, $0x16;
	[tilespmem:v0+s0+$0xFFFFFF00 ss:$0x1] =	vst.idx.msk $0xffff, v60;
	v3 =	vmul.f32 v50, v11  }
0xdf: {  	s8 =	smul.u32 @!p0 $0xAB, s4;
	[tilespmem:v0+s0+$0x0 ss:$0x1] =	vst.idx.msk $0xffff, v61;
	v62 =	vmul.f32 v56, v9  }
0xe0: {  	[tilespmem:v0+s13+$0xFFFFFF80 ss:$0x1] =	vst.idx.msk $0xffff, v3;
	v2 =	vmul.f32 v57, v8  }
0xe1: {  	s8 =	sshrl.u32 @!p0 s8, $0x9;
	s29 =	sshll.u32 s30, $0x7;
	v63 =	vmul.f32 v59, v10;
	[tilespmem:v0+s13+$0xFFFFFE80 ss:$0x1] =	vst.idx.msk $0xffff, v62  }
0xe2: {  	s8 =	sand.u32 @!p0 $0x7F, s8;
	s0 =	sand.u32 $0x3FFFFF80, s29;
	[tilespmem:v0+s13+$0xFFFFFF00 ss:$0x1] =	vst.idx.msk $0xffff, v2  }
0xe3: {  	s9 =	sadd.s32 $0x4, s31;
	s8 =	smul.u32 @!p0 $0x3, s8;
	s0 =	sadd.s32 $0x800, s0;
	[tilespmem:v0+s13+$0x0 ss:$0x1] =	vst.idx.msk $0xffff, v63  }
0xe4: {  	[spmem:s3] =	stream.indirect.scatter.add.f32 [tilespmem:s2], [sflag:s9], $0x80, s0, s20, $0xb8;
	[tilespmem:$0x1D800] =	vst v63  }
0xe5: {  	p1 =	seq.s32 @!p0 s30, $0x0;
	s0 =	ssub.s32 @!p0 s4, s8  }
0xe6: {  	p1 =	por p1, p0;
	s4 =	smul.u32 @!p0 $0x140, s4;
	s0 =	sand.u32 @!p0 $0xFF, s0  }
0xe7: {  	s2 =	sadd.s32 @!p1 $0x4, s0;
	s8 =	smul.u32 @!p0 $0xA000, s0  }
0xe8: {  	s30 =	sadd.s32 $0x1, s30;
	s4 =	sshra.s32 @!p0 s4, $0x2;
	_ =	swait.ge @!p1 [sflag:s2], $0x2800  }
0xe9: {  	s0 =	sadd.s32 @!p0 $0x1, s0;
	[sflag:s2] =	ssyncset.done @!p1 $0x0;
	s8 =	sshrl.u32 @!p0 s8, $0x2  }
0xea: {  	[sflag:s2] =	ssyncadd.s32 @!p1 $0xFFFFD800;
	s2 =	sadd.s32 @!p0 $0x2000, s8;
	s8 =	simm.s32 @!p0 $0x50  }
0xeb: {  	[tilespmem:s2], [sflag:s0] =	stream.indirect.gather @!p0 [hbm4b:s1+s8], $0x80, s4, s8, $0xb8;
	[tilespmem:$0x1D800] =	vst v63  }
0xec: {  	p0 =	sne.s32 s30, $0x19  }
.Ltmp1:
0xed: {  	_ = 	snop;
	(pc) =	sbr.rel @p0 .LBB2_3-.Ltmp1, $2  }
0xee: {  	_ =	sdelay $0x2  }
0xef: {  	s12 =	sadd.s32 $0x2800, s12;
	s28 =	sadd.s32 $0x50, s28  }
0xf0: {  	_ =	swait.ge [sflag:s23], $0x2800  }
0xf1: {  	[sflag:s23] =	ssyncset.done $0x0  }
0xf2: {  	s26 =	sadd.s32 $0x1, s26;
	[sflag:s23] =	ssyncadd.s32 $0xFFFFD800  }
0xf3: {  	p0 =	sne.s32 s26, $0x5;
	_ =	swait.ge [sflag:s24], $0x2800  }
.Ltmp2:
0xf4: {  	[sflag:s24] =	ssyncset.done $0x0;
	(pc) =	sbr.rel @p0 .LBB2_2-.Ltmp2, $4  }
0xf5: {  	[sflag:s24] =	ssyncadd.s32 $0xFFFFD800  }
0xf6: {  	_ =	swait.ge [sflag:s25], $0x2800  }
0xf7: {  	[sflag:s25] =	ssyncset.done $0x0  }
0xf8: {  	[sflag:s25] =	ssyncadd.s32 $0xFFFFD800  }
0xf9: {  	[bflag:$0x0] =	sbarrier.arrive $0xFFFF  }
0xfa: {  	s4 =	rddreg [dreg:$0x6]  }
0xfb: {  	s0 =	rddreg [dreg:$0x7]  }
0xfc: {  	s2 =	rddreg [dreg:$0x9]  }
0xfd: {  	[hbm:s0], [sflag:s4] =	dma.local [spmem:s2], $0x2800  }
0xfe: {  	_ =	swait.ge [sflag:s15], $0x2800  }
0xff: {  	s18 =	rddreg [dreg:$0x4]  }
0x100: {  	s31 =	rddreg [dreg:$0x8];
	s18 =	sadd.s32 $0x1, s18  }
0x101: {  	p0 =	sne.s32 s18, s31  }
.Ltmp3:
0x102: {  	_ = 	snop;
	(pc) =	sbr.rel @p0 .LBB2_1-.Ltmp3, $3  }
0x103: {  	_ =	sdelay $0x1  }
0x104: {  	[sflag:s15] =	ssyncset.done $0x0  }
0x105: {  	[sflag:s15] =	ssyncadd.s32 $0xFFFFD800  }
0x106: {  	_ =	sfence.sel $0x180000  }
0x107: {  	[bflag:$0x0] =	sbarrier.arrive $0xFFFF  }
0x108: {  	_ =	strace $0x9000004D  }
0x109: {  	s0 =	stileid.u32;
	[bflag:$0x2] =	sbarrier.arrive $0xFFFF  }
0x10a: {  	p0 =	sne.s32 s0, $0x0;
	s0 =	rddreg [dreg:$0x3]  }
0x10b: {  	s0 =	sadd.s32 @!p0 $0x100000, s0  }
0x10c: {  	[sflag:s0] =	ssyncadd.tile.s32 @!p0 $0x1;
	_ =	shalt  }
.Lfunc_end2:
_tile_overlayer_lowered:
.L_overlay_start_2:
0x10d: {  	(tag) =	ssettag $0x2  }
0x10e: {  	s0 =	rddreg [dreg:$0x0];
	s2 =	stileid.u32  }
0x10f: {  	s1 =	rddreg [dreg:$0x1];
	p0 =	sne.s32 s2, $0x0  }
0x110: {  	s3 =	rddreg [dreg:$0x2];
	[bflag:$0x3] =	sbarrier.arrive $0xFFFF;
	s2 =	simm.s32 @!p0 $0x1C07  }
0x111: {  	[timem:s3], [sflag:s2] =	dma.local @!p0 [hbm:s0], s1  }
0x112: {  	s0 =	simm.s32 @!p0 $0x7  }
0x113: {  	_ =	swait.ge @!p0 [sflag:s0], s1  }
0x114: {  	s1 =	ssub.s32 @!p0 $0x0, s1;
	[sflag:s0] =	ssyncset.done @!p0 $0x0  }
0x115: {  	[sflag:s0] =	ssyncadd.s32 @!p0 s1  }
0x116: {  	[bflag:$0x3] =	sbarrier.arrive $0xFFFF  }
0x117: {  	_ =	shalt  }

// kernel: kernel.8.cloned.1.call-start
scs
__scs_entry_jumppad:
0x0: {  	(pc) =	sbr.rel $0x88, $3  }
0x1: {  	(tag) =	ssettag $0x0;
	lr =	simm.s32 $0x1  }
0x2: {  	[smem:$0x3F98] =	sst lr;
	_ =	strace $0xD0000000  }
0x3: {  	_ = 	snop  }
0x4: {  	_ = 	snop  }
0x5: {  	_ = 	snop  }
0x6: {  	_ = 	snop  }
0x7: {  	_ = 	snop  }
__scs_overlays_trampoline_lowered:
0x8: {  	[smem:$0x3FA7] =	sst s0  }
0x9: {  	[smem:$0x3FA8] =	sst s1  }
0xa: {  	[smem:$0x3FA9] =	sst s2  }
0xb: {  	[smem:$0x3FAA] =	sst s3  }
0xc: {  	[smem:$0x3FAB] =	sst s4  }
0xd: {  	[smem:$0x3FAC] =	sst s5  }
0xe: {  	[smem:$0x3FAD] =	sst s6  }
0xf: {  	[smem:$0x3FAE] =	sst s7  }
0x10: {  	[smem:$0x3FAF] =	sst s8  }
0x11: {  	[smem:$0x3FB0] =	sst s9;
	s0 =	simm.s32 @!p0 $0x0  }
0x12: {  	s1 =	sld [smem:$0x3F96];
	s0 =	simm.s32 @p0 $0x1  }
0x13: {  	[smem:$0x3FB1] =	sst s0;
	s0 =	simm.s32 @!p1 $0x0  }
0x14: {  	s2 =	sld [smem:$0x3F95];
	s0 =	simm.s32 @p1 $0x1  }
0x15: {  	[smem:$0x3FB2] =	sst s0;
	s0 =	simm.s32 @!p2 $0x0  }
0x16: {  	s3 =	sld [smem:$0x3FDB];
	s0 =	simm.s32 @p2 $0x1  }
0x17: {  	s4 =	simm.s32 $0x1BF5;
	[smem:$0x3FB4] =	sst s0  }
0x18: {  	s0 =	sld [smem:$0x3F97];
	_ =	swait.ge [sflag:s4], $0x0  }
0x19: {  	s7 =	sld [smem:$0x3F98]  }
0x1a: {  	s8 =	sadd.s32 $0xFFFFE003, lr  }
0x1b: {  	s9 =	sadd.s32 $0xFFFFFEF7, lr;
	s5 =	simm.s32 $0xFFFFFFFF;
	p2 =	slt.u32 s8, $0xFFFFF086  }
0x1c: {  	p1 =	slt.u32 s9, $0xF7A;
	s5 =	simm.s32 @!p2 $0x0  }
0x1d: {  	s5 =	simm.s32 @p1 $0x1;
	p0 =	seq.s32 s7, s2  }
0x1e: {  	s7 =	smul.u32 @!p0 $0xF7A, s2;
	p2 =	seq.s32 @!p0 s5, $0x0  }
0x1f: {  	s9 =	smul.u32 $0xF7A, s1;
	s8 =	simm.s32 @!p0 $0x1BF5;
	p2 =	por !p2, p0  }
0x20: {  	[sflag:s8] =	ssyncset.s32 @!p0 $0xFFFFF086;
	s6 =	sadd.s32 @!p0 s3, s7;
	s7 =	simm.s32 @!p0 $0x108  }
0x21: {  	s3 =	sadd.s32 s3, s9;
	s6 =	sadd.s32 @!p0 $0x88, s6;
	s7 =	simm.s32 @p2 $0x1082  }
0x22: {  	[simem:s7], [sflag:s8] =	dma.local @!p0 [hbm:s6], $0xF7A  }
0x23: {  	s9 =	sor.u32 $0xD0000000, s2;
	s6 =	simm.s32 $0x108;
	_ =	swait.ge @!p0 [sflag:s8], $0x0  }
0x24: {  	s3 =	sadd.s32 $0x88, s3;
	s6 =	simm.s32 @!p1 $0x1082;
	[sflag:s4] =	ssyncset.s32 $0xFFFFF086  }
0x25: {  	[simem:s6], [sflag:s4] =	dma.local [hbm:s3], $0xF7A  }
0x26: {  	[smem:$0x3F98] =	sst s1;
	(tag) =	ssettag s2;
	_ =	strace s9  }
0x27: {  	s1 =	sld [smem:$0x3FA8]  }
0x28: {  	s2 =	sld [smem:$0x3FA9]  }
0x29: {  	s4 =	sld [smem:$0x3FAB]  }
0x2a: {  	p0 =	seq.s32 s5, $0x0;
	s5 =	sld [smem:$0x3FAC]  }
0x2b: {  	s6 =	sld [smem:$0x3FAD]  }
0x2c: {  	s7 =	sld [smem:$0x3FAE]  }
0x2d: {  	s3 =	simm.s32 $0x108;
	s8 =	sld [smem:$0x3FAF]  }
0x2e: {  	s3 =	simm.s32 @!p0 $0x1082;
	s9 =	sld [smem:$0x3FB0]  }
0x2f: {  	lr =	sadd.s32 s0, s3;
	s0 =	sld [smem:$0x3FA7]  }
0x30: {  	s3 =	sld [smem:$0x3FAA]  }
0x31: {  	[smem:$0x3FB3] =	sst s10  }
0x32: {  	s10 =	sld [smem:$0x3FB1];
	_ =	sdelay $0x3  }
0x33: {  	p0 =	seq.s32 s10, $0x1;
	s10 =	sld [smem:$0x3FB3];
	_ =	sdelay $0x3  }
0x34: {  	[smem:$0x3FB3] =	sst s10  }
0x35: {  	s10 =	sld [smem:$0x3FB2];
	_ =	sdelay $0x3  }
0x36: {  	p1 =	seq.s32 s10, $0x1;
	s10 =	sld [smem:$0x3FB3];
	_ =	sdelay $0x3  }
0x37: {  	[smem:$0x3FB3] =	sst s10  }
0x38: {  	s10 =	sld [smem:$0x3FB4]  }
0x39: {  	_ = 	snop;
	(pc) =	sbr.ind lr, $3  }
0x3a: {  	_ = 	snop  }
0x3b: {  	_ = 	snop  }
0x3c: {  	p2 =	seq.s32 s10, $0x1;
	s10 =	sld [smem:$0x3FB3]  }
0x3d: {  	_ =	shalt  }
0x3e: {  	_ =	shalt  }
0x3f: {  	_ =	shalt  }
0x40: {  	_ =	shalt  }
0x41: {  	_ =	shalt  }
0x42: {  	_ =	shalt  }
0x43: {  	_ =	shalt  }
0x44: {  	_ =	shalt  }
0x45: {  	_ =	shalt  }
0x46: {  	_ =	shalt  }
0x47: {  	_ =	shalt  }
0x48: {  	_ =	shalt  }
0x49: {  	_ =	shalt  }
0x4a: {  	_ =	shalt  }
0x4b: {  	_ =	shalt  }
0x4c: {  	_ =	shalt  }
0x4d: {  	_ =	shalt  }
0x4e: {  	_ =	shalt  }
0x4f: {  	_ =	shalt  }
0x50: {  	_ =	shalt  }
0x51: {  	_ =	shalt  }
0x52: {  	_ =	shalt  }
0x53: {  	_ =	shalt  }
0x54: {  	_ =	shalt  }
0x55: {  	_ =	shalt  }
0x56: {  	_ =	shalt  }
0x57: {  	_ =	shalt  }
0x58: {  	_ =	shalt  }
0x59: {  	_ =	shalt  }
0x5a: {  	_ =	shalt  }
0x5b: {  	_ =	shalt  }
0x5c: {  	_ =	shalt  }
0x5d: {  	_ =	shalt  }
0x5e: {  	_ =	shalt  }
0x5f: {  	_ =	shalt  }
0x60: {  	_ =	shalt  }
0x61: {  	_ =	shalt  }
0x62: {  	_ =	shalt  }
0x63: {  	_ =	shalt  }
0x64: {  	_ =	shalt  }
0x65: {  	_ =	shalt  }
0x66: {  	_ =	shalt  }
0x67: {  	_ =	shalt  }
0x68: {  	_ =	shalt  }
0x69: {  	_ =	shalt  }
0x6a: {  	_ =	shalt  }
0x6b: {  	_ =	shalt  }
0x6c: {  	_ =	shalt  }
0x6d: {  	_ =	shalt  }
0x6e: {  	_ =	shalt  }
0x6f: {  	_ =	shalt  }
0x70: {  	_ =	shalt  }
0x71: {  	_ =	shalt  }
0x72: {  	_ =	shalt  }
0x73: {  	_ =	shalt  }
0x74: {  	_ =	shalt  }
0x75: {  	_ =	shalt  }
0x76: {  	_ =	shalt  }
0x77: {  	_ =	shalt  }
0x78: {  	_ =	shalt  }
0x79: {  	_ =	shalt  }
0x7a: {  	_ =	shalt  }
0x7b: {  	_ =	shalt  }
0x7c: {  	_ =	shalt  }
0x7d: {  	_ =	shalt  }
0x7e: {  	_ =	shalt  }
0x7f: {  	_ =	shalt  }
0x80: {  	_ =	shalt  }
0x81: {  	_ =	shalt  }
0x82: {  	_ =	shalt  }
0x83: {  	_ =	shalt  }
0x84: {  	_ =	shalt  }
0x85: {  	_ =	shalt  }
0x86: {  	_ =	shalt  }
0x87: {  	_ =	shalt  }
.Lfunc_end0:
.L_simem_size_0:
called_computation_lowered:
.L_overlay_start_0:
0x88: {  	s2 =	sld [smem:$0x3FD9]  }
0x89: {  	s3 =	sld [smem:$0x3FFE];
	_ =	sdelay $0x1  }
0x8a: {  	s1 =	srdreg.scid  }
0x8b: {  	s0 =	sand.u32 $0x1, s1  }
0x8c: {  	s17 =	sshll.u32 s0, $0xA;
	s2 =	sadd.s32 s3, s2  }
0x8d: {  	s2 =	sadd.s32 s2, s17  }
0x8e: {  	[smem:$0x3FBF] =	sst s2  }
0x8f: {  	_ = 	snop  }
0x90: {  	s2 =	sld [smem:$0x3FD0];
	(tm) =	ssettm $0x1  }
0x91: {  	s18 =	sld [smem:$0x3FFB];
	_ =	sdelay $0x3  }
0x92: {  	_ =	strace s18  }
0x93: {  	s3 =	sld [smem:$0x3FFC];
	_ =	sdelay $0x3  }
0x94: {  	_ =	strace s3  }
0x95: {  	s3 =	sld [smem:$0x3FFD];
	_ =	sdelay $0x3  }
0x96: {  	_ =	strace s3  }
0x97: {  	_ =	strace $0x8FFFFFFF  }
0x98: {  	s19 =	sld [smem:$0x3FDB];
	_ =	sdelay $0x1  }
0x99: {  	s4 =	simm.s32 $_scs_section_size  }
0x9a: {  	s5 =	simm.s32 $_size__tile_overlayer_lowered;
	s6 =	simm.s32 $_tile_overlayer_lowered  }
0x9b: {  	s22 =	simm.s32 $0x1BFF;
	s21 =	sshll.u32 s6, $0x1;
	s3 =	sadd.s32 s4, s19  }
0x9c: {  	s7 =	simm.s32 $0x0;
	s20 =	sshll.u32 s5, $0x1;
	s5 =	sadd.s32 s21, s3  }
0x9d: {  	[timem:s7], [sflag:s22] =	dma.local [hbm:s5], s20  }
0x9e: {  	_ =	swait.ge [sflag:s22], s20  }
0x9f: {  	s4 =	ssub.s32 $0x0, s20;
	[sflag:s22] =	ssyncset.done $0x0  }
0xa0: {  	[sflag:s22] =	ssyncadd.s32 s4;
	_ =	sdelay $0x1  }
0xa1: {  	s23 =	simm.s32 $0x1B8B  }
0xa2: {  	_ =	swait.ge [sflag:s23], $0x1  }
0xa3: {  	[sflag:s23] =	ssyncset.done $0x0  }
0xa4: {  	s25 =	simm.s32 $0x1B8E;
	s24 =	sld [smem:$0x3FFE];
	[sflag:s23] =	ssyncadd.s32 $0xFFFFFFFF  }
0xa5: {  	s26 =	simm.s32 $execute0_lowered;
	[smem:$0x3FD2] =	sst s25  }
0xa6: {  	s5 =	sshll.u32 s26, $0x1;
	_ =	strace $0x80000046;
	[dreg:$0x1] =	wrdreg $0xFFFFFFFF  }
0xa7: {  	s28 =	simm.s32 $_size_execute0_lowered;
	s3 =	sadd.s32 s3, s5;
	[dreg:$0x0] =	wrdreg $0x0  }
0xa8: {  	s5 =	sshll.u32 s28, $0x1;
	[dreg:$0x2] =	wrdreg s3  }
0xa9: {  	[dreg:$0x3] =	wrdreg s5  }
0xaa: {  	[dreg:$0x4] =	wrdreg $0xC0  }
0xab: {  	_ =	task [dreg:s7], $0x5FFFF  }
0xac: {  	[dreg:$0x1] =	wrdreg $0xFFFFFFFF  }
0xad: {  	[dreg:$0x0] =	wrdreg $0x60  }
0xae: {  	[dreg:$0x2] =	wrdreg s2  }
0xaf: {  	[dreg:$0x3] =	wrdreg s24  }
0xb0: {  	[dreg:$0x4] =	wrdreg $0x80000  }
0xb1: {  	[dreg:$0x5] =	wrdreg $0x9  }
0xb2: {  	_ =	task.clear_ibuf [dreg:s7], $0x6FFFF;
	_ =	strace $0x90000046  }
0xb3: {  	s29 =	simm.s32 $0x9;
	_ =	strace $0x80000048  }
0xb4: {  	_ =	swait.ge [sflag:s29], $0x1  }
0xb5: {  	[sflag:s29] =	ssyncadd.s32 $0xFFFFFFFF  }
0xb6: {  	_ =	strace $0x90000048  }
0xb7: {  	_ =	sfence  }
0xb8: {  	s30 =	sld [smem:$0x0];
	_ =	sdelay $0x2  }
0xb9: {  	s31 =	sshll.u32 s1, $0xD;
	s1 =	sshrl.u32 s1, $0x2  }
0xba: {  	s3 =	sand.u32 $0x4000, s31;
	s1 =	sadd.s32 s1, s30  }
0xbb: {  	s0 =	sor.u32 s3, s0;
	s1 =	sshll.u32 s1, $0x11  }
0xbc: {  	s0 =	sor.u32 s1, s0  }
0xbd: {  	s0 =	sadd.s32 $0x8F2B, s0  }
0xbe: {  	[sflag:s0] =	ssyncadd.remote.s32 $0x1  }
0xbf: {  	_ =	sfence.sel $0xFFFF  }
0xc0: {  	[dreg:$0x0] =	wrdreg $0xFFFFFFFF;
	(pc) =	sbr.abs _section_cstart, $3  }
0xc1: {  	[dreg:$0x1] =	wrdreg $0xFFFFFFFF  }
0xc2: {  	_ =	task.clear_ibuf [dreg:s7], $0x2FFFF;
	_ =	strace $0x9FFFFFFF  }
0xc3: {  	(tm) =	ssettm $0x7FFFFFFF  }
tec
execute0_lowered:
.L_overlay_start_1:
0x0: {  	(tag) =	ssettag $0x1  }
0x1: {  	s4 =	rddreg [dreg:$0x0]  }
0x2: {  	s5 =	rddreg [dreg:$0x1]  }
0x3: {  	s1 =	rddreg [dreg:$0x2]  }
0x4: {  	s0 =	rddreg [dreg:$0x3]  }
0x5: {  	s3 =	simm.s32 $0x0;
	s6 =	srdreg.scid;
	s2 =	stileid.u32  }
0x6: {  	s14 =	simm.s32 $0x20;
	s15 =	simm.s32 $0x10;
	s16 =	simm.s32 $0x0  }
0x7: {  	[smem:$0x7FF] =	sst s3;
	s6 =	sand.u32 $0x1, s6;
	s9 =	smul.u32 $0x500, s2  }
0x8: {  	s8 =	sshll.u32 s2, $0xB;
	s29 =	smul.u32 $0x280, s2;
	s31 =	sshll.u32 s2, $0x6  }
0x9: {  	_ =	strace $0x80000047;
	s7 =	sshll.u32 s6, $0xF;
	s10 =	sshll.u32 s6, $0x7  }
0xa: {  	s6 =	ssub.s32 $0x2, s6;
	s7 =	sor.u32 s8, s7;
	s9 =	sor.u32 s10, s9  }
0xb: {  	s30 =	sshrl.u32 s29, $0x3;
	s12 =	sshrl.u32 s6, $0x1;
	s13 =	sadd.s32 s29, s1  }
0xc: {  	s11 =	sadd.s32 s7, s5;
	s9 =	sshrl.u32 s9, $0x3;
	s10 =	sadd.s32 s30, s5  }
0xd: {  	s12 =	ssub.s32 s6, s12;
	s4 =	sadd.s32 s4, s7;
	s9 =	sadd.s32 s9, s5  }
0xe: {  	s5 =	sadd.s32 $0x3400, s11;
	s6 =	sadd.s32 $0x13400, s10;
	s8 =	smax.u32 s12, $0x1  }
0xf: {  	s10 =	simm.s32 $0x4000;
	s11 =	sor.u32 $0x1C01, s31;
	s12 =	sshrl.u32 s13, $0x3  }
0x10: {  	s13 =	simm.s32 $0x50;
	s7 =	sadd.s32 $0x13A00, s9;
	s9 =	simm.s32 $0x1  }
.LBB2_1:
0x11: {  	[tilespmem:s3], [sflag:$0x1] =	stream.linear.gather [hbm4b:s4+s3], $0x3E80, $0x38;
	[tilespmem:$0x8280] =	vst v63  }
0x12: {  	_ =	swait.ge [sflag:s9], $0x3E80  }
0x13: {  	[sflag:s9] =	ssyncset.done $0x0  }
0x14: {  	[sflag:s9] =	ssyncadd.s32 $0xFFFFC180  }
0x15: {  	[tilespmem:s10], [sflag:$0x1] =	stream.linear.gather [hbm4b:s5+s3], $0x3E80, $0x38;
	[tilespmem:$0x8280] =	vst v63  }
0x16: {  	_ =	swait.ge [sflag:s9], $0x3E80  }
0x17: {  	[sflag:s9] =	ssyncset.done $0x0  }
0x18: {  	[sflag:s9] =	ssyncadd.s32 $0xFFFFC180  }
0x19: {  	[spmem:s12], [sflag:s11] =	dma.local [hbm:s6], $0x50  }
0x1a: {  	_ =	swait.ge [sflag:s9], $0x50  }
0x1b: {  	[sflag:s9] =	ssyncset.done $0x0  }
0x1c: {  	[sflag:s9] =	ssyncadd.s32 $0xFFFFFFB0  }
0x1d: {  	s17 =	simm.s32 $0x0;
	s18 =	simm.s32 $0x4000;
	[bflag:$0x0] =	sbarrier.arrive $0xFFFF  }
0x1e: {  	[spmem:s1] =	stream.indirect.scatter.add.f32 [tilespmem:s18], [sflag:$0x1], $0x1, s17, s13, $0xb8;
	[tilespmem:$0x8280] =	vst v63  }
0x1f: {  	s17 =	simm.s32 $0x200;
	_ =	swait.ge [sflag:s9], $0x50  }
.LBB2_2:
0x20: {  	s18 =	sshra.s32 s17, $0x2;
	[sflag:s9] =	ssyncset.done $0x0;
	p0 =	sne.s32 s17, $0xF800  }
.Ltmp0:
0x21: {  	s19 =	sadd.s32 $0x4000, s18;
	[sflag:s9] =	ssyncadd.s32 $0xFFFFFFB0;
	(pc) =	sbr.rel @p0 .LBB2_2-.Ltmp0, $3  }
0x22: {  	[spmem:s1] =	stream.indirect.scatter.add.f32 [tilespmem:s19], [sflag:$0x1], $0x1, s18, s13, $0xb8;
	[tilespmem:$0x8280] =	vst v63  }
0x23: {  	s17 =	sadd.s32 $0x200, s17;
	_ =	sdelay $0x1  }
0x24: {  	_ =	swait.ge [sflag:s9], $0x50  }
0x25: {  	[sflag:s9] =	ssyncset.done $0x0;
	s16 =	sadd.s32 $0x1, s16  }
0x26: {  	[sflag:s9] =	ssyncadd.s32 $0xFFFFFFB0;
	p0 =	sne.s32 s16, s8  }
.Ltmp1:
0x27: {  	[bflag:$0x0] =	sbarrier.arrive $0xFFFF;
	(pc) =	sbr.rel @p0 .LBB2_1-.Ltmp1, $4  }
0x28: {  	[hbm:s7@s14], [sflag:s11] =	dma.strided [spmem:s12@s15], $0x50, s9, $0x10   }
0x29: {  	_ =	swait.ge [sflag:s9], $0x50  }
0x2a: {  	[sflag:s9] =	ssyncset.done $0x0  }
0x2b: {  	[sflag:s9] =	ssyncadd.s32 $0xFFFFFFB0  }
0x2c: {  	_ =	sfence.sel $0x180000  }
0x2d: {  	[bflag:$0x0] =	sbarrier.arrive $0xFFFF  }
0x2e: {  	p0 =	sne.s32 s2, $0x0;
	_ =	strace $0x90000047  }
0x2f: {  	s0 =	sadd.s32 @!p0 $0x100000, s0;
	[bflag:$0x2] =	sbarrier.arrive $0xFFFF  }
0x30: {  	[sflag:s0] =	ssyncadd.tile.s32 @!p0 $0x1;
	_ =	shalt  }
.Lfunc_end2:
_tile_overlayer_lowered:
.L_overlay_start_2:
0x31: {  	(tag) =	ssettag $0x2  }
0x32: {  	s0 =	rddreg [dreg:$0x0];
	s2 =	stileid.u32  }
0x33: {  	s1 =	rddreg [dreg:$0x1];
	p0 =	sne.s32 s2, $0x0  }
0x34: {  	s3 =	rddreg [dreg:$0x2];
	[bflag:$0x3] =	sbarrier.arrive $0xFFFF;
	s2 =	simm.s32 @!p0 $0x1C01  }
0x35: {  	[timem:s3], [sflag:s2] =	dma.local @!p0 [hbm:s0], s1  }
0x36: {  	s0 =	simm.s32 @!p0 $0x1  }
0x37: {  	_ =	swait.ge @!p0 [sflag:s0], s1  }
0x38: {  	s1 =	ssub.s32 @!p0 $0x0, s1;
	[sflag:s0] =	ssyncset.done @!p0 $0x0  }
0x39: {  	[sflag:s0] =	ssyncadd.s32 @!p0 s1  }
0x3a: {  	[bflag:$0x3] =	sbarrier.arrive $0xFFFF  }
0x3b: {  	_ =	shalt  }

</sc_bundles>
